<compile_context>
chip_gen: v7x
topology: tpu7x:2x2x1
jax: 0.10.2.dev20260603
libtpu: 0.0.44.dev20260713+nightly
codegen_flags: <defaults>
</compile_context>

<pallas_src>
import functools

import jax
import jax.numpy as jnp
from jax import lax
from jax.experimental import pallas as pl
from jax.experimental.pallas import tpu as pltpu
from jax.experimental.pallas import tpu_sc as plsc

N_NODES = 10000
N_FEAT = 256
N_EDGES = 160000
H_OUT = 128

NC = 2
NS = 16
CHUNK = 128
KROWS = 80
EPAD = KROWS * NS * CHUNK
NROW = 10112
NBLK = NROW // CHUNK
NJUNK = NROW - N_NODES
NROWD = 10240
RPTD = NROWD // NS
RB = 1000
IB = 8


def _degree_body(idx_hbm, out_hbm, idx_v, val_v, zv, acc):
    c = lax.axis_index("c")
    s = lax.axis_index("s")

    def fill_ones(i, carry):
        val_v[pl.ds(i * 16, 16)] = jnp.ones((16,), jnp.float32)
        return carry

    lax.fori_loop(0, CHUNK // 16, fill_ones, 0)

    def fill_zero(i, carry):
        zv[pl.ds(i * 16, 16)] = jnp.zeros((16,), jnp.float32)
        return carry

    lax.fori_loop(0, RPTD // 16, fill_zero, 0)
    pltpu.sync_copy(zv, acc.at[pl.ds(s * RPTD, RPTD)])
    plsc.subcore_barrier()

    pltpu.sync_copy(idx_hbm.at[c].at[pl.ds(s * KROWS, KROWS)], idx_v)

    def body(j, carry):
        pltpu.sync_copy(val_v, acc.at[idx_v.at[j]], add=True)
        return carry

    lax.fori_loop(0, KROWS, body, 0)
    plsc.subcore_barrier()
    pltpu.sync_copy(acc.at[pl.ds(s * RPTD, RPTD)],
                    out_hbm.at[c].at[pl.ds(s * RPTD, RPTD)])


def _degrees(idx2):
    mesh = plsc.VectorSubcoreMesh(core_axis_name="c", subcore_axis_name="s")
    return pl.kernel(
        _degree_body,
        out_type=jax.ShapeDtypeStruct((NC, NROWD), jnp.float32),
        mesh=mesh,
        scratch_types=[
            pltpu.VMEM((KROWS, CHUNK), jnp.int32),
            pltpu.VMEM((CHUNK,), jnp.float32),
            pltpu.VMEM((RPTD,), jnp.float32),
            pltpu.VMEM_SHARED((NROWD,), jnp.float32),
        ],
    )(idx2)


def _mp_body(table_hbm, srcg_hbm, dstp_hbm, out_hbm,
             idx_s, idx_d, gbuf, acc, gsem0, gsem1, ssem0, ssem1,
             *, feature_split):
    c = lax.axis_index("c")
    s = lax.axis_index("s")

    zb = gbuf.at[0]

    def zrow(r, carry):
        for k in range(128 // 16):
            zb[r, pl.ds(k * 16, 16)] = jnp.zeros((16,), jnp.float32)
        return carry

    lax.fori_loop(0, CHUNK, zrow, 0)
    for z in range((NBLK + NS - 1) // NS):
        blk = s + NS * z

        @pl.when(blk < NBLK)
        def _():
            pltpu.sync_copy(zb, acc.at[pl.ds(blk * CHUNK, CHUNK)])
    plsc.subcore_barrier()

    if feature_split:
        krows, base = KROWS, s * KROWS
        table = table_hbm.at[c]
    else:
        krows, base = KROWS // 2, (c * NS + s) * (KROWS // 2)
        table = table_hbm
    gsems = (gsem0, gsem1)
    ssems = (ssem0, ssem1)

    def stage(t, carry):
        pltpu.sync_copy(srcg_hbm.at[pl.ds(base + t * IB, IB)], idx_s)
        pltpu.sync_copy(dstp_hbm.at[pl.ds(base + t * IB, IB)], idx_d)
        pltpu.async_copy(table.at[idx_s.at[0]], gbuf.at[0], gsem0)

        def body(jj, carry2):
            for b in range(2):
                j = 2 * jj + b
                pltpu.make_async_copy(table.at[idx_s.at[j]],
                                      gbuf.at[b], gsems[b]).wait()
                pltpu.async_copy(gbuf.at[b], acc.at[idx_d.at[j]],
                                 ssems[b], add=True)

                @pl.when(j >= 1)
                def _():
                    pltpu.make_async_copy(gbuf.at[1 - b],
                                          acc.at[idx_d.at[j]],
                                          ssems[1 - b]).wait()

                @pl.when(j + 1 < IB)
                def _():
                    pltpu.async_copy(table.at[idx_s.at[j + 1]],
                                     gbuf.at[1 - b], gsems[1 - b])
            return carry2

        lax.fori_loop(0, IB // 2, body, 0)
        pltpu.make_async_copy(gbuf.at[1], acc.at[idx_d.at[IB - 1]],
                              ssems[1]).wait()
        return carry

    lax.fori_loop(0, krows // IB, stage, 0)
    plsc.subcore_barrier()
    for z in range((NBLK + NS - 1) // NS):
        blk = s + NS * z

        @pl.when(blk < NBLK)
        def _():
            pltpu.sync_copy(acc.at[pl.ds(blk * CHUNK, CHUNK)],
                            out_hbm.at[c].at[pl.ds(blk * CHUNK, CHUNK)])


def _message_pass(table, srcg, dstp, feature_split):
    mesh = plsc.VectorSubcoreMesh(core_axis_name="c", subcore_axis_name="s")
    return pl.kernel(
        functools.partial(_mp_body, feature_split=feature_split),
        out_type=jax.ShapeDtypeStruct((NC, NROW, 128), jnp.float32),
        mesh=mesh,
        scratch_types=[
            pltpu.VMEM((IB, CHUNK), jnp.int32),
            pltpu.VMEM((IB, CHUNK), jnp.int32),
            pltpu.VMEM((2, CHUNK, 128), jnp.float32),
            pltpu.VMEM_SHARED((NROW, 128), jnp.float32),
            pltpu.SemaphoreType.DMA,
            pltpu.SemaphoreType.DMA,
            pltpu.SemaphoreType.DMA,
            pltpu.SemaphoreType.DMA,
        ],
    )(table, srcg, dstp)


def _mm1_body(x_ref, deg_ref, w_ref, out_ref):
    s = lax.rsqrt(jnp.maximum(deg_ref[...], 1.0))
    h = x_ref[...] * s
    out_ref[0] = jnp.dot(h, w_ref[:, :128], preferred_element_type=jnp.float32)
    out_ref[1] = jnp.dot(h, w_ref[:, 128:], preferred_element_type=jnp.float32)


def _mm1(x, d_src, W1):
    return pl.pallas_call(
        _mm1_body,
        grid=(N_NODES // RB,),
        in_specs=[
            pl.BlockSpec((RB, N_FEAT), lambda i: (i, 0)),
            pl.BlockSpec((RB, 1), lambda i: (i, 0)),
            pl.BlockSpec((N_FEAT, N_FEAT), lambda i: (0, 0)),
        ],
        out_specs=pl.BlockSpec((2, RB, 128), lambda i: (0, i, 0)),
        out_shape=jax.ShapeDtypeStruct((2, N_NODES, 128), jnp.float32),
    )(x, d_src, W1)


def _mm2_body(m1_ref, ds_ref, dd_ref, w_ref, out_ref):
    cs = (lax.rsqrt(jnp.maximum(ds_ref[...], 1.0))
          * lax.rsqrt(jnp.maximum(dd_ref[...], 1.0)))
    h0 = jnp.maximum(m1_ref[0], 0.0) * cs
    h1 = jnp.maximum(m1_ref[1], 0.0) * cs
    out_ref[...] = (
        jnp.dot(h0, w_ref[:128], preferred_element_type=jnp.float32)
        + jnp.dot(h1, w_ref[128:], preferred_element_type=jnp.float32))


def _mm2(m1, d_src, d_dst, W2):
    return pl.pallas_call(
        _mm2_body,
        grid=(N_NODES // RB,),
        in_specs=[
            pl.BlockSpec((2, RB, 128), lambda i: (0, i, 0)),
            pl.BlockSpec((RB, 1), lambda i: (i, 0)),
            pl.BlockSpec((RB, 1), lambda i: (i, 0)),
            pl.BlockSpec((N_FEAT, H_OUT), lambda i: (0, 0)),
        ],
        out_specs=pl.BlockSpec((RB, H_OUT), lambda i: (i, 0)),
        out_shape=jax.ShapeDtypeStruct((N_NODES, H_OUT), jnp.float32),
    )(m1, d_src, d_dst, W2)


def _fin_body(m2_ref, dd_ref, out_ref):
    si = lax.rsqrt(jnp.maximum(dd_ref[...], 1.0))
    out_ref[...] = (m2_ref[0] + m2_ref[1]) * si


def _fin(m2, d_dst):
    return pl.pallas_call(
        _fin_body,
        grid=(N_NODES // RB,),
        in_specs=[
            pl.BlockSpec((2, RB, H_OUT), lambda i: (0, i, 0)),
            pl.BlockSpec((RB, 1), lambda i: (i, 0)),
        ],
        out_specs=pl.BlockSpec((RB, H_OUT), lambda i: (i, 0)),
        out_shape=jax.ShapeDtypeStruct((N_NODES, H_OUT), jnp.float32),
    )(m2, d_dst)


def kernel(x, edge_index, W1, W2):
    src = edge_index[0].astype(jnp.int32)
    dst = edge_index[1].astype(jnp.int32)
    pad = EPAD - N_EDGES
    spread = jnp.arange(pad, dtype=jnp.int32)
    srcH = jnp.concatenate([src, N_NODES + spread % NJUNK])
    srcG = jnp.concatenate([src, spread % N_NODES])
    dstP = jnp.concatenate([dst, N_NODES + spread % NJUNK])
    srcH = srcH.reshape(-1, CHUNK)
    srcG = srcG.reshape(-1, CHUNK)
    dstP = dstP.reshape(-1, CHUNK)
    idx2 = jnp.stack([srcH, dstP])

    hist = _degrees(idx2)
    d_src = hist[0].reshape(NROWD, 1)
    d_dst = hist[1].reshape(NROWD, 1)

    g1 = _mm1(x, d_src, W1)
    m1 = _message_pass(g1, srcG, dstP, True)
    g2 = _mm2(m1, d_src, d_dst, W2)
    m2 = _message_pass(g2, srcG, dstP, False)
    return _fin(m2, d_dst)

# --- scband reference (transcript-rebuilt; emitter-appended) ---
"""Pipeline reference for scband-ocgnnmodel-31310311587982 (READ-ONLY COPY).

The authoritative reference and input builder live on the scoring server;
editing this copy changes nothing except your own understanding.
"""

import jax, jax.numpy as jnp
import numpy as np

N_NODES = 10000
D_FEAT = 256
N_EDGES = 160000
HIDDEN = 128  # GCN internal: layer1 out = hidden*2 = 256, layer2 out = hidden = 128


def setup_inputs(seed: int = 0) -> dict:
    key = jax.random.key(seed)
    k1, k2, k3, k4 = jax.random.split(key, 4)
    x = jax.random.normal(k1, (N_NODES, D_FEAT), dtype=jnp.float32)
    edge_index = jax.random.randint(k2, (2, N_EDGES), 0, N_NODES, dtype=jnp.int64)
    # GraphConv weights (Glorot-style scale), bias=False per GCN base model
    W1 = jax.random.normal(k3, (D_FEAT, HIDDEN * 2), dtype=jnp.float32) * (1.0 / np.sqrt(D_FEAT))
    W2 = jax.random.normal(k4, (HIDDEN * 2, HIDDEN), dtype=jnp.float32) * (1.0 / np.sqrt(HIDDEN * 2))
    return {"x": x, "edge_index": edge_index, "W1": W1, "W2": W2}


def _graph_conv(h, src, dst, n_nodes, W, activation):
    # DGL GraphConv with norm='both', bias=False:
    # h' = D_in^{-1/2} * A * D_out^{-1/2} * h * W
    ones = jnp.ones(src.shape[0], dtype=h.dtype)
    deg_out = jax.ops.segment_sum(ones, src, num_segments=n_nodes)
    deg_out = jnp.maximum(deg_out, 1.0)
    deg_in = jax.ops.segment_sum(ones, dst, num_segments=n_nodes)
    deg_in = jnp.maximum(deg_in, 1.0)
    h = h * (deg_out ** -0.5)[:, None]
    # message passing: gather from src, scatter-add to dst
    m = jax.ops.segment_sum(h[src], dst, num_segments=n_nodes)
    m = m * (deg_in ** -0.5)[:, None]
    out = m @ W
    if activation is not None:
        out = activation(out)
    return out


def reference(x, edge_index, W1, W2):
    # OCGNNModel(module='GCN', n_layers=2): GraphConv(relu) -> GraphConv(None).
    # Dropout p=0.0 -> identity (eval-equivalent).
    src = edge_index[0]
    dst = edge_index[1]
    n = x.shape[0]
    h = _graph_conv(x, src, dst, n, W1, jax.nn.relu)
    h = _graph_conv(h, src, dst, n, W2, None)
    return h

if __name__ == "__main__":
    import jax
    _d = setup_inputs()
    print(jax.jit(kernel)(*tuple(_d.values())))

</pallas_src>

<mosaic_0001>
#map = affine_map<(d0, d1) -> (0, 0, 0)>
#map1 = affine_map<(d0, d1) -> (0, 0)>
module attributes {stable_mosaic.version = 14 : i64} {
  func.func @_degree_body(%arg0: i32, %arg1: i32, %arg2: memref<2x1280x128xi32, #tpu.memory_space<hbm>>, %arg3: memref<2x10240xf32, #tpu.memory_space<hbm>>, %arg4: memref<80x128xi32, #tpu.memory_space<vmem>>, %arg5: memref<128xf32, #tpu.memory_space<vmem>>, %arg6: memref<640xf32, #tpu.memory_space<vmem>>, %arg7: memref<10240xf32, #tpu.memory_space<vmem_shared>>) attributes {dimension_semantics = [#tpu.dimension_semantics<core_parallel>, #tpu.dimension_semantics<subcore_parallel>], iteration_bounds = array<i64: 2, 16>, scalar_prefetch = 0 : i64, scratch_operands = 4 : i64, tpu.core_type = #tpu.core_type<sc_vector_subcore>, window_params = [{transform_indices = #map}, {transform_indices = #map1}]} {
    %scan3A = arith.constant 0 : i32
    %scan3A_0 = arith.constant 0 : i32
    %scan3A_1 = arith.constant 8 : i32
    %scan3A_2 = arith.addi %scan3A_0, %scan3A_1 : i32
    %scan3A_3 = arith.constant 1 : i32
    scf.for %scan3A_25 = %scan3A_0 to %scan3A_2 step %scan3A_3  : i32 {
      %broadcast_in_dim3A = arith.constant 1.000000e+00 : f32
      %broadcast_in_dim3A_26 = vector.broadcast %broadcast_in_dim3A : f32 to vector<16xf32>
      %mul3A_27 = arith.constant 16 : i32
      %mul3A_28 = arith.muli %scan3A_25, %mul3A_27 : i32
      %swap3A = arith.index_cast %mul3A_28 : i32 to index
      %swap3A_29 = tpu.vector_load %arg5[%swap3A] {strides = array<i32>} : memref<128xf32, #tpu.memory_space<vmem>>, vector<16xf32>,
      %swap3A_30 = vector.shape_cast %swap3A_29 : vector<16xf32> to vector<16xf32>
      %swap3A_31 = vector.shape_cast %broadcast_in_dim3A_26 : vector<16xf32> to vector<16xf32>
      tpu.vector_store %arg5[%swap3A], %swap3A_31 {strides = array<i32>} : memref<128xf32, #tpu.memory_space<vmem>>, vector<16xf32>,
    }
    %scan3A_4 = arith.constant 8 : i32
    %scan3A_5 = arith.constant 0 : i32
    %scan3A_6 = arith.constant 0 : i32
    %scan3A_7 = arith.constant 40 : i32
    %scan3A_8 = arith.addi %scan3A_6, %scan3A_7 : i32
    %scan3A_9 = arith.constant 1 : i32
    scf.for %scan3A_25 = %scan3A_6 to %scan3A_8 step %scan3A_9  : i32 {
      %broadcast_in_dim3A = arith.constant 0.000000e+00 : f32
      %broadcast_in_dim3A_26 = vector.broadcast %broadcast_in_dim3A : f32 to vector<16xf32>
      %mul3A_27 = arith.constant 16 : i32
      %mul3A_28 = arith.muli %scan3A_25, %mul3A_27 : i32
      %swap3A = arith.index_cast %mul3A_28 : i32 to index
      %swap3A_29 = tpu.vector_load %arg6[%swap3A] {strides = array<i32>} : memref<640xf32, #tpu.memory_space<vmem>>, vector<16xf32>,
      %swap3A_30 = vector.shape_cast %swap3A_29 : vector<16xf32> to vector<16xf32>
      %swap3A_31 = vector.shape_cast %broadcast_in_dim3A_26 : vector<16xf32> to vector<16xf32>
      tpu.vector_store %arg6[%swap3A], %swap3A_31 {strides = array<i32>} : memref<640xf32, #tpu.memory_space<vmem>>, vector<16xf32>,
    }
    %scan3A_10 = arith.constant 40 : i32
    %mul3A = arith.constant 640 : i32
    %mul3A_11 = arith.muli %arg1, %mul3A : i32
    "tpu.region"() ({
      %run_scoped3A = tpu.sem_alloc : memref<!tpu.dma_semaphore, #tpu.memory_space<semaphore_mem>>
      %dma_start3A = tpu.memref_slice %arg7[%mul3A_11] : memref<10240xf32, #tpu.memory_space<vmem_shared>> -> memref<640xf32, #tpu.memory_space<vmem_shared>>
      %dma_start3A_25 = tpu.memref_slice %arg7[%mul3A_11] : memref<10240xf32, #tpu.memory_space<vmem_shared>> -> memref<640xf32, #tpu.memory_space<vmem_shared>>
      tpu.enqueue_dma source(%arg6 : memref<640xf32, #tpu.memory_space<vmem>>) target(%dma_start3A_25 : memref<640xf32, #tpu.memory_space<vmem_shared>>) target_semaphore(%run_scoped3A : memref<!tpu.dma_semaphore, #tpu.memory_space<semaphore_mem>>)
      %dma_wait3A = tpu.memref_slice %arg7[%mul3A_11] : memref<10240xf32, #tpu.memory_space<vmem_shared>> -> memref<640xf32, #tpu.memory_space<vmem_shared>>
      %dma_wait3A_26 = tpu.memref_slice %arg7[%mul3A_11] : memref<10240xf32, #tpu.memory_space<vmem_shared>> -> memref<640xf32, #tpu.memory_space<vmem_shared>>
      tpu.wait_dma2 semaphore(%run_scoped3A : memref<!tpu.dma_semaphore, #tpu.memory_space<semaphore_mem>>) src(%arg6 : memref<640xf32, #tpu.memory_space<vmem>>) dst(%dma_wait3A_26 : memref<640xf32, #tpu.memory_space<vmem_shared>>)
      tpu.yield
    }) : () -> ()
    %barrier3A = arith.constant 0 : index
    tpu.barrier barrier_id(%barrier3A)
    %mul3A_12 = arith.constant 80 : i32
    %mul3A_13 = arith.muli %arg1, %mul3A_12 : i32
    "tpu.region"() ({
      %run_scoped3A = tpu.sem_alloc : memref<!tpu.dma_semaphore, #tpu.memory_space<semaphore_mem>>
      %dma_start3A = arith.constant 0 : i32
      %dma_start3A_25 = arith.constant 0 : i32
      %dma_start3A_26 = tpu.memref_slice %arg2[%arg0, %dma_start3A, %dma_start3A_25] : memref<2x1280x128xi32, #tpu.memory_space<hbm>> -> memref<1x1280x128xi32, #tpu.memory_space<hbm>>
      %dma_start3A_27 = tpu.memref_squeeze %dma_start3A_26 : memref<1x1280x128xi32, #tpu.memory_space<hbm>> -> memref<1280x128xi32, #tpu.memory_space<hbm>>
      %dma_start3A_28 = arith.constant 0 : i32
      %dma_start3A_29 = tpu.memref_slice %dma_start3A_27[%mul3A_13, %dma_start3A_28] : memref<1280x128xi32, #tpu.memory_space<hbm>> -> memref<80x128xi32, #tpu.memory_space<hbm>>
      %dma_start3A_30 = arith.constant 0 : i32
      %dma_start3A_31 = arith.constant 0 : i32
      %dma_start3A_32 = tpu.memref_slice %arg2[%arg0, %dma_start3A_30, %dma_start3A_31] : memref<2x1280x128xi32, #tpu.memory_space<hbm>> -> memref<1x1280x128xi32, #tpu.memory_space<hbm>>
      %dma_start3A_33 = tpu.memref_squeeze %dma_start3A_32 : memref<1x1280x128xi32, #tpu.memory_space<hbm>> -> memref<1280x128xi32, #tpu.memory_space<hbm>>
      %dma_start3A_34 = arith.constant 0 : i32
      %dma_start3A_35 = tpu.memref_slice %dma_start3A_33[%mul3A_13, %dma_start3A_34] : memref<1280x128xi32, #tpu.memory_space<hbm>> -> memref<80x128xi32, #tpu.memory_space<hbm>>
      tpu.enqueue_dma source(%dma_start3A_35 : memref<80x128xi32, #tpu.memory_space<hbm>>) target(%arg4 : memref<80x128xi32, #tpu.memory_space<vmem>>) target_semaphore(%run_scoped3A : memref<!tpu.dma_semaphore, #tpu.memory_space<semaphore_mem>>)
      %dma_wait3A = arith.constant 0 : i32
      %dma_wait3A_36 = arith.constant 0 : i32
      %dma_wait3A_37 = tpu.memref_slice %arg2[%arg0, %dma_wait3A, %dma_wait3A_36] : memref<2x1280x128xi32, #tpu.memory_space<hbm>> -> memref<1x1280x128xi32, #tpu.memory_space<hbm>>
      %dma_wait3A_38 = tpu.memref_squeeze %dma_wait3A_37 : memref<1x1280x128xi32, #tpu.memory_space<hbm>> -> memref<1280x128xi32, #tpu.memory_space<hbm>>
      %dma_wait3A_39 = arith.constant 0 : i32
      %dma_wait3A_40 = tpu.memref_slice %dma_wait3A_38[%mul3A_13, %dma_wait3A_39] : memref<1280x128xi32, #tpu.memory_space<hbm>> -> memref<80x128xi32, #tpu.memory_space<hbm>>
      %dma_wait3A_41 = arith.constant 0 : i32
      %dma_wait3A_42 = arith.constant 0 : i32
      %dma_wait3A_43 = tpu.memref_slice %arg2[%arg0, %dma_wait3A_41, %dma_wait3A_42] : memref<2x1280x128xi32, #tpu.memory_space<hbm>> -> memref<1x1280x128xi32, #tpu.memory_space<hbm>>
      %dma_wait3A_44 = tpu.memref_squeeze %dma_wait3A_43 : memref<1x1280x128xi32, #tpu.memory_space<hbm>> -> memref<1280x128xi32, #tpu.memory_space<hbm>>
      %dma_wait3A_45 = arith.constant 0 : i32
      %dma_wait3A_46 = tpu.memref_slice %dma_wait3A_44[%mul3A_13, %dma_wait3A_45] : memref<1280x128xi32, #tpu.memory_space<hbm>> -> memref<80x128xi32, #tpu.memory_space<hbm>>
      tpu.wait_dma2 semaphore(%run_scoped3A : memref<!tpu.dma_semaphore, #tpu.memory_space<semaphore_mem>>) src(%dma_wait3A_46 : memref<80x128xi32, #tpu.memory_space<hbm>>) dst(%arg4 : memref<80x128xi32, #tpu.memory_space<vmem>>)
      tpu.yield
    }) : () -> ()
    %scan3A_14 = arith.constant 0 : i32
    %scan3A_15 = arith.constant 0 : i32
    %scan3A_16 = arith.constant 80 : i32
    %scan3A_17 = arith.addi %scan3A_15, %scan3A_16 : i32
    %scan3A_18 = arith.constant 1 : i32
    scf.for %scan3A_25 = %scan3A_15 to %scan3A_17 step %scan3A_18  : i32 {
      "tpu.region"() ({
        %run_scoped3A = tpu.sem_alloc : memref<!tpu.dma_semaphore, #tpu.memory_space<semaphore_mem>>
        %dma_start3A = arith.constant 0 : i32
        %dma_start3A_26 = tpu.memref_slice %arg4[%scan3A_25, %dma_start3A] : memref<80x128xi32, #tpu.memory_space<vmem>> -> memref<1x128xi32, #tpu.memory_space<vmem>>
        %dma_start3A_27 = tpu.memref_squeeze %dma_start3A_26 : memref<1x128xi32, #tpu.memory_space<vmem>> -> memref<128xi32, #tpu.memory_space<vmem>>
        %dma_start3A_28 = arith.constant 0 : i32
        %dma_start3A_29 = tpu.memref_slice %arg7[%dma_start3A_28] : memref<10240xf32, #tpu.memory_space<vmem_shared>> -> memref<10240xf32, #tpu.memory_space<vmem_shared>>
        tpu.enqueue_indirect_dma source(%arg5 : memref<128xf32, #tpu.memory_space<vmem>>) target(%dma_start3A_29 : memref<10240xf32, #tpu.memory_space<vmem_shared>>) offsets(%dma_start3A_27 : memref<128xi32, #tpu.memory_space<vmem>>) semaphore(%run_scoped3A : memref<!tpu.dma_semaphore, #tpu.memory_space<semaphore_mem>>) {add = true}
        %dma_wait3A = arith.constant 0 : i32
        %dma_wait3A_30 = tpu.memref_slice %arg4[%scan3A_25, %dma_wait3A] : memref<80x128xi32, #tpu.memory_space<vmem>> -> memref<1x128xi32, #tpu.memory_space<vmem>>
        %dma_wait3A_31 = tpu.memref_squeeze %dma_wait3A_30 : memref<1x128xi32, #tpu.memory_space<vmem>> -> memref<128xi32, #tpu.memory_space<vmem>>
        %dma_wait3A_32 = arith.constant 0 : i32
        %dma_wait3A_33 = tpu.memref_slice %arg7[%dma_wait3A_32] : memref<10240xf32, #tpu.memory_space<vmem_shared>> -> memref<10240xf32, #tpu.memory_space<vmem_shared>>
        tpu.wait_indirect_dma semaphore(%run_scoped3A : memref<!tpu.dma_semaphore, #tpu.memory_space<semaphore_mem>>) src(%arg5 : memref<128xf32, #tpu.memory_space<vmem>>) dst(%dma_wait3A_33 : memref<10240xf32, #tpu.memory_space<vmem_shared>>)
        tpu.yield
      }) : () -> ()
    }
    %scan3A_19 = arith.constant 80 : i32
    %barrier3A_20 = arith.constant 0 : index
    tpu.barrier barrier_id(%barrier3A_20)
    %mul3A_21 = arith.constant 640 : i32
    %mul3A_22 = arith.muli %arg1, %mul3A_21 : i32
    %mul3A_23 = arith.constant 640 : i32
    %mul3A_24 = arith.muli %arg1, %mul3A_23 : i32
    "tpu.region"() ({
      %run_scoped3A = tpu.sem_alloc : memref<!tpu.dma_semaphore, #tpu.memory_space<semaphore_mem>>
      %dma_start3A = arith.constant 0 : i32
      %dma_start3A_25 = tpu.memref_slice %arg3[%arg0, %dma_start3A] : memref<2x10240xf32, #tpu.memory_space<hbm>> -> memref<1x10240xf32, #tpu.memory_space<hbm>>
      %dma_start3A_26 = tpu.memref_squeeze %dma_start3A_25 : memref<1x10240xf32, #tpu.memory_space<hbm>> -> memref<10240xf32, #tpu.memory_space<hbm>>
      %dma_start3A_27 = tpu.memref_slice %dma_start3A_26[%mul3A_24] : memref<10240xf32, #tpu.memory_space<hbm>> -> memref<640xf32, #tpu.memory_space<hbm>>
      %dma_start3A_28 = tpu.memref_slice %arg7[%mul3A_22] : memref<10240xf32, #tpu.memory_space<vmem_shared>> -> memref<640xf32, #tpu.memory_space<vmem_shared>>
      tpu.enqueue_dma source(%dma_start3A_28 : memref<640xf32, #tpu.memory_space<vmem_shared>>) target(%dma_start3A_27 : memref<640xf32, #tpu.memory_space<hbm>>) target_semaphore(%run_scoped3A : memref<!tpu.dma_semaphore, #tpu.memory_space<semaphore_mem>>)
      %dma_wait3A = arith.constant 0 : i32
      %dma_wait3A_29 = tpu.memref_slice %arg3[%arg0, %dma_wait3A] : memref<2x10240xf32, #tpu.memory_space<hbm>> -> memref<1x10240xf32, #tpu.memory_space<hbm>>
      %dma_wait3A_30 = tpu.memref_squeeze %dma_wait3A_29 : memref<1x10240xf32, #tpu.memory_space<hbm>> -> memref<10240xf32, #tpu.memory_space<hbm>>
      %dma_wait3A_31 = tpu.memref_slice %dma_wait3A_30[%mul3A_24] : memref<10240xf32, #tpu.memory_space<hbm>> -> memref<640xf32, #tpu.memory_space<hbm>>
      %dma_wait3A_32 = tpu.memref_slice %arg7[%mul3A_22] : memref<10240xf32, #tpu.memory_space<vmem_shared>> -> memref<640xf32, #tpu.memory_space<vmem_shared>>
      tpu.wait_dma2 semaphore(%run_scoped3A : memref<!tpu.dma_semaphore, #tpu.memory_space<semaphore_mem>>) src(%dma_wait3A_32 : memref<640xf32, #tpu.memory_space<vmem_shared>>) dst(%dma_wait3A_31 : memref<640xf32, #tpu.memory_space<hbm>>)
      tpu.yield
    }) : () -> ()
    return
  }
}

#map = affine_map<(d0, d1) -> (0, 0)>
#map1 = affine_map<(d0, d1) -> (0, 0, 0)>
module attributes {stable_mosaic.version = 14 : i64} {
  func.func @_mp_body(%arg0: i32, %arg1: i32, %arg2: memref<10000x128xf32, #tpu.memory_space<hbm>>, %arg3: memref<1280x128xi32, #tpu.memory_space<hbm>>, %arg4: memref<1280x128xi32, #tpu.memory_space<hbm>>, %arg5: memref<2x10112x128xf32, #tpu.memory_space<hbm>>, %arg6: memref<8x128xi32, #tpu.memory_space<vmem>>, %arg7: memref<8x128xi32, #tpu.memory_space<vmem>>, %arg8: memref<2x128x128xf32, #tpu.memory_space<vmem>>, %arg9: memref<10112x128xf32, #tpu.memory_space<vmem_shared>>, %arg10: memref<!tpu.dma_semaphore, #tpu.memory_space<semaphore_mem>>, %arg11: memref<!tpu.dma_semaphore, #tpu.memory_space<semaphore_mem>>, %arg12: memref<!tpu.dma_semaphore, #tpu.memory_space<semaphore_mem>>, %arg13: memref<!tpu.dma_semaphore, #tpu.memory_space<semaphore_mem>>) attributes {dimension_semantics = [#tpu.dimension_semantics<core_parallel>, #tpu.dimension_semantics<subcore_parallel>], iteration_bounds = array<i64: 2, 16>, scalar_prefetch = 0 : i64, scratch_operands = 8 : i64, tpu.core_type = #tpu.core_type<sc_vector_subcore>, window_params = [{transform_indices = #map}, {transform_indices = #map}, {transform_indices = #map}, {transform_indices = #map1}]} {
    %scan3A = arith.constant 0 : i32
    %scan3A_0 = arith.constant 0 : i32
    %scan3A_1 = arith.constant 0 : i32
    %scan3A_2 = arith.constant 128 : i32
    %scan3A_3 = arith.addi %scan3A_1, %scan3A_2 : i32
    %scan3A_4 = arith.constant 1 : i32
    scf.for %scan3A_88 = %scan3A_1 to %scan3A_3 step %scan3A_4  : i32 {
      %broadcast_in_dim3A = arith.constant 0.000000e+00 : f32
      %broadcast_in_dim3A_89 = vector.broadcast %broadcast_in_dim3A : f32 to vector<16xf32>
      %swap3A = arith.constant 0 : i32
      %swap3A_90 = arith.constant 0 : i32
      %swap3A_91 = tpu.memref_slice %arg8[%scan3A_0, %swap3A, %swap3A_90] : memref<2x128x128xf32, #tpu.memory_space<vmem>> -> memref<1x128x128xf32, #tpu.memory_space<vmem>>
      %swap3A_92 = tpu.memref_squeeze %swap3A_91 : memref<1x128x128xf32, #tpu.memory_space<vmem>> -> memref<128x128xf32, #tpu.memory_space<vmem>>
      %swap3A_93 = arith.index_cast %scan3A_88 : i32 to index
      %swap3A_94 = arith.constant 0 : index
      %swap3A_95 = tpu.vector_load %swap3A_92[%swap3A_93, %swap3A_94] {strides = array<i32>} : memref<128x128xf32, #tpu.memory_space<vmem>>, vector<1x16xf32>,
      %swap3A_96 = vector.shape_cast %swap3A_95 : vector<1x16xf32> to vector<16xf32>
      %swap3A_97 = vector.shape_cast %broadcast_in_dim3A_89 : vector<16xf32> to vector<1x16xf32>
      tpu.vector_store %swap3A_92[%swap3A_93, %swap3A_94], %swap3A_97 {strides = array<i32>} : memref<128x128xf32, #tpu.memory_space<vmem>>, vector<1x16xf32>,
      %broadcast_in_dim3A_98 = arith.constant 0.000000e+00 : f32
      %broadcast_in_dim3A_99 = vector.broadcast %broadcast_in_dim3A_98 : f32 to vector<16xf32>
      %swap3A_100 = arith.constant 0 : i32
      %swap3A_101 = arith.constant 0 : i32
      %swap3A_102 = tpu.memref_slice %arg8[%scan3A_0, %swap3A_100, %swap3A_101] : memref<2x128x128xf32, #tpu.memory_space<vmem>> -> memref<1x128x128xf32, #tpu.memory_space<vmem>>
      %swap3A_103 = tpu.memref_squeeze %swap3A_102 : memref<1x128x128xf32, #tpu.memory_space<vmem>> -> memref<128x128xf32, #tpu.memory_space<vmem>>
      %swap3A_104 = arith.index_cast %scan3A_88 : i32 to index
      %swap3A_105 = arith.constant 16 : index
      %swap3A_106 = tpu.vector_load %swap3A_103[%swap3A_104, %swap3A_105] {strides = array<i32>} : memref<128x128xf32, #tpu.memory_space<vmem>>, vector<1x16xf32>,
      %swap3A_107 = vector.shape_cast %swap3A_106 : vector<1x16xf32> to vector<16xf32>
      %swap3A_108 = vector.shape_cast %broadcast_in_dim3A_99 : vector<16xf32> to vector<1x16xf32>
      tpu.vector_store %swap3A_103[%swap3A_104, %swap3A_105], %swap3A_108 {strides = array<i32>} : memref<128x128xf32, #tpu.memory_space<vmem>>, vector<1x16xf32>,
      %broadcast_in_dim3A_109 = arith.constant 0.000000e+00 : f32
      %broadcast_in_dim3A_110 = vector.broadcast %broadcast_in_dim3A_109 : f32 to vector<16xf32>
      %swap3A_111 = arith.constant 0 : i32
      %swap3A_112 = arith.constant 0 : i32
      %swap3A_113 = tpu.memref_slice %arg8[%scan3A_0, %swap3A_111, %swap3A_112] : memref<2x128x128xf32, #tpu.memory_space<vmem>> -> memref<1x128x128xf32, #tpu.memory_space<vmem>>
      %swap3A_114 = tpu.memref_squeeze %swap3A_113 : memref<1x128x128xf32, #tpu.memory_space<vmem>> -> memref<128x128xf32, #tpu.memory_space<vmem>>
      %swap3A_115 = arith.index_cast %scan3A_88 : i32 to index
      %swap3A_116 = arith.constant 32 : index
      %swap3A_117 = tpu.vector_load %swap3A_114[%swap3A_115, %swap3A_116] {strides = array<i32>} : memref<128x128xf32, #tpu.memory_space<vmem>>, vector<1x16xf32>,
      %swap3A_118 = vector.shape_cast %swap3A_117 : vector<1x16xf32> to vector<16xf32>
      %swap3A_119 = vector.shape_cast %broadcast_in_dim3A_110 : vector<16xf32> to vector<1x16xf32>
      tpu.vector_store %swap3A_114[%swap3A_115, %swap3A_116], %swap3A_119 {strides = array<i32>} : memref<128x128xf32, #tpu.memory_space<vmem>>, vector<1x16xf32>,
      %broadcast_in_dim3A_120 = arith.constant 0.000000e+00 : f32
      %broadcast_in_dim3A_121 = vector.broadcast %broadcast_in_dim3A_120 : f32 to vector<16xf32>
      %swap3A_122 = arith.constant 0 : i32
      %swap3A_123 = arith.constant 0 : i32
      %swap3A_124 = tpu.memref_slice %arg8[%scan3A_0, %swap3A_122, %swap3A_123] : memref<2x128x128xf32, #tpu.memory_space<vmem>> -> memref<1x128x128xf32, #tpu.memory_space<vmem>>
      %swap3A_125 = tpu.memref_squeeze %swap3A_124 : memref<1x128x128xf32, #tpu.memory_space<vmem>> -> memref<128x128xf32, #tpu.memory_space<vmem>>
      %swap3A_126 = arith.index_cast %scan3A_88 : i32 to index
      %swap3A_127 = arith.constant 48 : index
      %swap3A_128 = tpu.vector_load %swap3A_125[%swap3A_126, %swap3A_127] {strides = array<i32>} : memref<128x128xf32, #tpu.memory_space<vmem>>, vector<1x16xf32>,
      %swap3A_129 = vector.shape_cast %swap3A_128 : vector<1x16xf32> to vector<16xf32>
      %swap3A_130 = vector.shape_cast %broadcast_in_dim3A_121 : vector<16xf32> to vector<1x16xf32>
      tpu.vector_store %swap3A_125[%swap3A_126, %swap3A_127], %swap3A_130 {strides = array<i32>} : memref<128x128xf32, #tpu.memory_space<vmem>>, vector<1x16xf32>,
      %broadcast_in_dim3A_131 = arith.constant 0.000000e+00 : f32
      %broadcast_in_dim3A_132 = vector.broadcast %broadcast_in_dim3A_131 : f32 to vector<16xf32>
      %swap3A_133 = arith.constant 0 : i32
      %swap3A_134 = arith.constant 0 : i32
      %swap3A_135 = tpu.memref_slice %arg8[%scan3A_0, %swap3A_133, %swap3A_134] : memref<2x128x128xf32, #tpu.memory_space<vmem>> -> memref<1x128x128xf32, #tpu.memory_space<vmem>>
      %swap3A_136 = tpu.memref_squeeze %swap3A_135 : memref<1x128x128xf32, #tpu.memory_space<vmem>> -> memref<128x128xf32, #tpu.memory_space<vmem>>
      %swap3A_137 = arith.index_cast %scan3A_88 : i32 to index
      %swap3A_138 = arith.constant 64 : index
      %swap3A_139 = tpu.vector_load %swap3A_136[%swap3A_137, %swap3A_138] {strides = array<i32>} : memref<128x128xf32, #tpu.memory_space<vmem>>, vector<1x16xf32>,
      %swap3A_140 = vector.shape_cast %swap3A_139 : vector<1x16xf32> to vector<16xf32>
      %swap3A_141 = vector.shape_cast %broadcast_in_dim3A_132 : vector<16xf32> to vector<1x16xf32>
      tpu.vector_store %swap3A_136[%swap3A_137, %swap3A_138], %swap3A_141 {strides = array<i32>} : memref<128x128xf32, #tpu.memory_space<vmem>>, vector<1x16xf32>,
      %broadcast_in_dim3A_142 = arith.constant 0.000000e+00 : f32
      %broadcast_in_dim3A_143 = vector.broadcast %broadcast_in_dim3A_142 : f32 to vector<16xf32>
      %swap3A_144 = arith.constant 0 : i32
      %swap3A_145 = arith.constant 0 : i32
      %swap3A_146 = tpu.memref_slice %arg8[%scan3A_0, %swap3A_144, %swap3A_145] : memref<2x128x128xf32, #tpu.memory_space<vmem>> -> memref<1x128x128xf32, #tpu.memory_space<vmem>>
      %swap3A_147 = tpu.memref_squeeze %swap3A_146 : memref<1x128x128xf32, #tpu.memory_space<vmem>> -> memref<128x128xf32, #tpu.memory_space<vmem>>
      %swap3A_148 = arith.index_cast %scan3A_88 : i32 to index
      %swap3A_149 = arith.constant 80 : index
      %swap3A_150 = tpu.vector_load %swap3A_147[%swap3A_148, %swap3A_149] {strides = array<i32>} : memref<128x128xf32, #tpu.memory_space<vmem>>, vector<1x16xf32>,
      %swap3A_151 = vector.shape_cast %swap3A_150 : vector<1x16xf32> to vector<16xf32>
      %swap3A_152 = vector.shape_cast %broadcast_in_dim3A_143 : vector<16xf32> to vector<1x16xf32>
      tpu.vector_store %swap3A_147[%swap3A_148, %swap3A_149], %swap3A_152 {strides = array<i32>} : memref<128x128xf32, #tpu.memory_space<vmem>>, vector<1x16xf32>,
      %broadcast_in_dim3A_153 = arith.constant 0.000000e+00 : f32
      %broadcast_in_dim3A_154 = vector.broadcast %broadcast_in_dim3A_153 : f32 to vector<16xf32>
      %swap3A_155 = arith.constant 0 : i32
      %swap3A_156 = arith.constant 0 : i32
      %swap3A_157 = tpu.memref_slice %arg8[%scan3A_0, %swap3A_155, %swap3A_156] : memref<2x128x128xf32, #tpu.memory_space<vmem>> -> memref<1x128x128xf32, #tpu.memory_space<vmem>>
      %swap3A_158 = tpu.memref_squeeze %swap3A_157 : memref<1x128x128xf32, #tpu.memory_space<vmem>> -> memref<128x128xf32, #tpu.memory_space<vmem>>
      %swap3A_159 = arith.index_cast %scan3A_88 : i32 to index
      %swap3A_160 = arith.constant 96 : index
      %swap3A_161 = tpu.vector_load %swap3A_158[%swap3A_159, %swap3A_160] {strides = array<i32>} : memref<128x128xf32, #tpu.memory_space<vmem>>, vector<1x16xf32>,
      %swap3A_162 = vector.shape_cast %swap3A_161 : vector<1x16xf32> to vector<16xf32>
      %swap3A_163 = vector.shape_cast %broadcast_in_dim3A_154 : vector<16xf32> to vector<1x16xf32>
      tpu.vector_store %swap3A_158[%swap3A_159, %swap3A_160], %swap3A_163 {strides = array<i32>} : memref<128x128xf32, #tpu.memory_space<vmem>>, vector<1x16xf32>,
      %broadcast_in_dim3A_164 = arith.constant 0.000000e+00 : f32
      %broadcast_in_dim3A_165 = vector.broadcast %broadcast_in_dim3A_164 : f32 to vector<16xf32>
      %swap3A_166 = arith.constant 0 : i32
      %swap3A_167 = arith.constant 0 : i32
      %swap3A_168 = tpu.memref_slice %arg8[%scan3A_0, %swap3A_166, %swap3A_167] : memref<2x128x128xf32, #tpu.memory_space<vmem>> -> memref<1x128x128xf32, #tpu.memory_space<vmem>>
      %swap3A_169 = tpu.memref_squeeze %swap3A_168 : memref<1x128x128xf32, #tpu.memory_space<vmem>> -> memref<128x128xf32, #tpu.memory_space<vmem>>
      %swap3A_170 = arith.index_cast %scan3A_88 : i32 to index
      %swap3A_171 = arith.constant 112 : index
      %swap3A_172 = tpu.vector_load %swap3A_169[%swap3A_170, %swap3A_171] {strides = array<i32>} : memref<128x128xf32, #tpu.memory_space<vmem>>, vector<1x16xf32>,
      %swap3A_173 = vector.shape_cast %swap3A_172 : vector<1x16xf32> to vector<16xf32>
      %swap3A_174 = vector.shape_cast %broadcast_in_dim3A_165 : vector<16xf32> to vector<1x16xf32>
      tpu.vector_store %swap3A_169[%swap3A_170, %swap3A_171], %swap3A_174 {strides = array<i32>} : memref<128x128xf32, #tpu.memory_space<vmem>>, vector<1x16xf32>,
    }
    %scan3A_5 = arith.constant 128 : i32
    %add3A = arith.constant 0 : i32
    %add3A_6 = arith.addi %arg1, %add3A : i32
    %lt3A = arith.constant 79 : i32
    %lt3A_7 = arith.cmpi slt, %add3A_6, %lt3A : i32
    %convert_element_type3A = arith.extui %lt3A_7 : i1 to i32
    %cond3A = arith.constant 0 : i32
    %cond3A_8 = arith.constant 0 : i32
    %cond3A_9 = arith.cmpi ne, %convert_element_type3A, %cond3A_8 : i32
    scf.if %cond3A_9 {
      %mul3A_88 = arith.constant 128 : i32
      %mul3A_89 = arith.muli %add3A_6, %mul3A_88 : i32
      "tpu.region"() ({
        %run_scoped3A = tpu.sem_alloc : memref<!tpu.dma_semaphore, #tpu.memory_space<semaphore_mem>>
        %dma_start3A = arith.constant 0 : i32
        %dma_start3A_90 = arith.constant 0 : i32
        %dma_start3A_91 = tpu.memref_slice %arg8[%cond3A, %dma_start3A, %dma_start3A_90] : memref<2x128x128xf32, #tpu.memory_space<vmem>> -> memref<1x128x128xf32, #tpu.memory_space<vmem>>
        %dma_start3A_92 = tpu.memref_squeeze %dma_start3A_91 : memref<1x128x128xf32, #tpu.memory_space<vmem>> -> memref<128x128xf32, #tpu.memory_space<vmem>>
        %dma_start3A_93 = arith.constant 0 : i32
        %dma_start3A_94 = tpu.memref_slice %arg9[%mul3A_89, %dma_start3A_93] : memref<10112x128xf32, #tpu.memory_space<vmem_shared>> -> memref<128x128xf32, #tpu.memory_space<vmem_shared>>
        %dma_start3A_95 = arith.constant 0 : i32
        %dma_start3A_96 = tpu.memref_slice %arg9[%mul3A_89, %dma_start3A_95] : memref<10112x128xf32, #tpu.memory_space<vmem_shared>> -> memref<128x128xf32, #tpu.memory_space<vmem_shared>>
        %dma_start3A_97 = arith.constant 0 : i32
        %dma_start3A_98 = arith.constant 0 : i32
        %dma_start3A_99 = tpu.memref_slice %arg8[%cond3A, %dma_start3A_97, %dma_start3A_98] : memref<2x128x128xf32, #tpu.memory_space<vmem>> -> memref<1x128x128xf32, #tpu.memory_space<vmem>>
        %dma_start3A_100 = tpu.memref_squeeze %dma_start3A_99 : memref<1x128x128xf32, #tpu.memory_space<vmem>> -> memref<128x128xf32, #tpu.memory_space<vmem>>
        tpu.enqueue_dma source(%dma_start3A_100 : memref<128x128xf32, #tpu.memory_space<vmem>>) target(%dma_start3A_96 : memref<128x128xf32, #tpu.memory_space<vmem_shared>>) target_semaphore(%run_scoped3A : memref<!tpu.dma_semaphore, #tpu.memory_space<semaphore_mem>>)
        %dma_wait3A = arith.constant 0 : i32
        %dma_wait3A_101 = arith.constant 0 : i32
        %dma_wait3A_102 = tpu.memref_slice %arg8[%cond3A, %dma_wait3A, %dma_wait3A_101] : memref<2x128x128xf32, #tpu.memory_space<vmem>> -> memref<1x128x128xf32, #tpu.memory_space<vmem>>
        %dma_wait3A_103 = tpu.memref_squeeze %dma_wait3A_102 : memref<1x128x128xf32, #tpu.memory_space<vmem>> -> memref<128x128xf32, #tpu.memory_space<vmem>>
        %dma_wait3A_104 = arith.constant 0 : i32
        %dma_wait3A_105 = tpu.memref_slice %arg9[%mul3A_89, %dma_wait3A_104] : memref<10112x128xf32, #tpu.memory_space<vmem_shared>> -> memref<128x128xf32, #tpu.memory_space<vmem_shared>>
        %dma_wait3A_106 = arith.constant 0 : i32
        %dma_wait3A_107 = tpu.memref_slice %arg9[%mul3A_89, %dma_wait3A_106] : memref<10112x128xf32, #tpu.memory_space<vmem_shared>> -> memref<128x128xf32, #tpu.memory_space<vmem_shared>>
        %dma_wait3A_108 = arith.constant 0 : i32
        %dma_wait3A_109 = arith.constant 0 : i32
        %dma_wait3A_110 = tpu.memref_slice %arg8[%cond3A, %dma_wait3A_108, %dma_wait3A_109] : memref<2x128x128xf32, #tpu.memory_space<vmem>> -> memref<1x128x128xf32, #tpu.memory_space<vmem>>
        %dma_wait3A_111 = tpu.memref_squeeze %dma_wait3A_110 : memref<1x128x128xf32, #tpu.memory_space<vmem>> -> memref<128x128xf32, #tpu.memory_space<vmem>>
        tpu.wait_dma2 semaphore(%run_scoped3A : memref<!tpu.dma_semaphore, #tpu.memory_space<semaphore_mem>>) src(%dma_wait3A_111 : memref<128x128xf32, #tpu.memory_space<vmem>>) dst(%dma_wait3A_107 : memref<128x128xf32, #tpu.memory_space<vmem_shared>>)
        tpu.yield
      }) : () -> ()
    } else {
    }
    %add3A_10 = arith.constant 16 : i32
    %add3A_11 = arith.addi %arg1, %add3A_10 : i32
    %lt3A_12 = arith.constant 79 : i32
    %lt3A_13 = arith.cmpi slt, %add3A_11, %lt3A_12 : i32
    %convert_element_type3A_14 = arith.extui %lt3A_13 : i1 to i32
    %cond3A_15 = arith.constant 0 : i32
    %cond3A_16 = arith.constant 0 : i32
    %cond3A_17 = arith.cmpi ne, %convert_element_type3A_14, %cond3A_16 : i32
    scf.if %cond3A_17 {
      %mul3A_88 = arith.constant 128 : i32
      %mul3A_89 = arith.muli %add3A_11, %mul3A_88 : i32
      "tpu.region"() ({
        %run_scoped3A = tpu.sem_alloc : memref<!tpu.dma_semaphore, #tpu.memory_space<semaphore_mem>>
        %dma_start3A = arith.constant 0 : i32
        %dma_start3A_90 = arith.constant 0 : i32
        %dma_start3A_91 = tpu.memref_slice %arg8[%cond3A_15, %dma_start3A, %dma_start3A_90] : memref<2x128x128xf32, #tpu.memory_space<vmem>> -> memref<1x128x128xf32, #tpu.memory_space<vmem>>
        %dma_start3A_92 = tpu.memref_squeeze %dma_start3A_91 : memref<1x128x128xf32, #tpu.memory_space<vmem>> -> memref<128x128xf32, #tpu.memory_space<vmem>>
        %dma_start3A_93 = arith.constant 0 : i32
        %dma_start3A_94 = tpu.memref_slice %arg9[%mul3A_89, %dma_start3A_93] : memref<10112x128xf32, #tpu.memory_space<vmem_shared>> -> memref<128x128xf32, #tpu.memory_space<vmem_shared>>
        %dma_start3A_95 = arith.constant 0 : i32
        %dma_start3A_96 = tpu.memref_slice %arg9[%mul3A_89, %dma_start3A_95] : memref<10112x128xf32, #tpu.memory_space<vmem_shared>> -> memref<128x128xf32, #tpu.memory_space<vmem_shared>>
        %dma_start3A_97 = arith.constant 0 : i32
        %dma_start3A_98 = arith.constant 0 : i32
        %dma_start3A_99 = tpu.memref_slice %arg8[%cond3A_15, %dma_start3A_97, %dma_start3A_98] : memref<2x128x128xf32, #tpu.memory_space<vmem>> -> memref<1x128x128xf32, #tpu.memory_space<vmem>>
        %dma_start3A_100 = tpu.memref_squeeze %dma_start3A_99 : memref<1x128x128xf32, #tpu.memory_space<vmem>> -> memref<128x128xf32, #tpu.memory_space<vmem>>
        tpu.enqueue_dma source(%dma_start3A_100 : memref<128x128xf32, #tpu.memory_space<vmem>>) target(%dma_start3A_96 : memref<128x128xf32, #tpu.memory_space<vmem_shared>>) target_semaphore(%run_scoped3A : memref<!tpu.dma_semaphore, #tpu.memory_space<semaphore_mem>>)
        %dma_wait3A = arith.constant 0 : i32
        %dma_wait3A_101 = arith.constant 0 : i32
        %dma_wait3A_102 = tpu.memref_slice %arg8[%cond3A_15, %dma_wait3A, %dma_wait3A_101] : memref<2x128x128xf32, #tpu.memory_space<vmem>> -> memref<1x128x128xf32, #tpu.memory_space<vmem>>
        %dma_wait3A_103 = tpu.memref_squeeze %dma_wait3A_102 : memref<1x128x128xf32, #tpu.memory_space<vmem>> -> memref<128x128xf32, #tpu.memory_space<vmem>>
        %dma_wait3A_104 = arith.constant 0 : i32
        %dma_wait3A_105 = tpu.memref_slice %arg9[%mul3A_89, %dma_wait3A_104] : memref<10112x128xf32, #tpu.memory_space<vmem_shared>> -> memref<128x128xf32, #tpu.memory_space<vmem_shared>>
        %dma_wait3A_106 = arith.constant 0 : i32
        %dma_wait3A_107 = tpu.memref_slice %arg9[%mul3A_89, %dma_wait3A_106] : memref<10112x128xf32, #tpu.memory_space<vmem_shared>> -> memref<128x128xf32, #tpu.memory_space<vmem_shared>>
        %dma_wait3A_108 = arith.constant 0 : i32
        %dma_wait3A_109 = arith.constant 0 : i32
        %dma_wait3A_110 = tpu.memref_slice %arg8[%cond3A_15, %dma_wait3A_108, %dma_wait3A_109] : memref<2x128x128xf32, #tpu.memory_space<vmem>> -> memref<1x128x128xf32, #tpu.memory_space<vmem>>
        %dma_wait3A_111 = tpu.memref_squeeze %dma_wait3A_110 : memref<1x128x128xf32, #tpu.memory_space<vmem>> -> memref<128x128xf32, #tpu.memory_space<vmem>>
        tpu.wait_dma2 semaphore(%run_scoped3A : memref<!tpu.dma_semaphore, #tpu.memory_space<semaphore_mem>>) src(%dma_wait3A_111 : memref<128x128xf32, #tpu.memory_space<vmem>>) dst(%dma_wait3A_107 : memref<128x128xf32, #tpu.memory_space<vmem_shared>>)
        tpu.yield
      }) : () -> ()
    } else {
    }
    %add3A_18 = arith.constant 32 : i32
    %add3A_19 = arith.addi %arg1, %add3A_18 : i32
    %lt3A_20 = arith.constant 79 : i32
    %lt3A_21 = arith.cmpi slt, %add3A_19, %lt3A_20 : i32
    %convert_element_type3A_22 = arith.extui %lt3A_21 : i1 to i32
    %cond3A_23 = arith.constant 0 : i32
    %cond3A_24 = arith.constant 0 : i32
    %cond3A_25 = arith.cmpi ne, %convert_element_type3A_22, %cond3A_24 : i32
    scf.if %cond3A_25 {
      %mul3A_88 = arith.constant 128 : i32
      %mul3A_89 = arith.muli %add3A_19, %mul3A_88 : i32
      "tpu.region"() ({
        %run_scoped3A = tpu.sem_alloc : memref<!tpu.dma_semaphore, #tpu.memory_space<semaphore_mem>>
        %dma_start3A = arith.constant 0 : i32
        %dma_start3A_90 = arith.constant 0 : i32
        %dma_start3A_91 = tpu.memref_slice %arg8[%cond3A_23, %dma_start3A, %dma_start3A_90] : memref<2x128x128xf32, #tpu.memory_space<vmem>> -> memref<1x128x128xf32, #tpu.memory_space<vmem>>
        %dma_start3A_92 = tpu.memref_squeeze %dma_start3A_91 : memref<1x128x128xf32, #tpu.memory_space<vmem>> -> memref<128x128xf32, #tpu.memory_space<vmem>>
        %dma_start3A_93 = arith.constant 0 : i32
        %dma_start3A_94 = tpu.memref_slice %arg9[%mul3A_89, %dma_start3A_93] : memref<10112x128xf32, #tpu.memory_space<vmem_shared>> -> memref<128x128xf32, #tpu.memory_space<vmem_shared>>
        %dma_start3A_95 = arith.constant 0 : i32
        %dma_start3A_96 = tpu.memref_slice %arg9[%mul3A_89, %dma_start3A_95] : memref<10112x128xf32, #tpu.memory_space<vmem_shared>> -> memref<128x128xf32, #tpu.memory_space<vmem_shared>>
        %dma_start3A_97 = arith.constant 0 : i32
        %dma_start3A_98 = arith.constant 0 : i32
        %dma_start3A_99 = tpu.memref_slice %arg8[%cond3A_23, %dma_start3A_97, %dma_start3A_98] : memref<2x128x128xf32, #tpu.memory_space<vmem>> -> memref<1x128x128xf32, #tpu.memory_space<vmem>>
        %dma_start3A_100 = tpu.memref_squeeze %dma_start3A_99 : memref<1x128x128xf32, #tpu.memory_space<vmem>> -> memref<128x128xf32, #tpu.memory_space<vmem>>
        tpu.enqueue_dma source(%dma_start3A_100 : memref<128x128xf32, #tpu.memory_space<vmem>>) target(%dma_start3A_96 : memref<128x128xf32, #tpu.memory_space<vmem_shared>>) target_semaphore(%run_scoped3A : memref<!tpu.dma_semaphore, #tpu.memory_space<semaphore_mem>>)
        %dma_wait3A = arith.constant 0 : i32
        %dma_wait3A_101 = arith.constant 0 : i32
        %dma_wait3A_102 = tpu.memref_slice %arg8[%cond3A_23, %dma_wait3A, %dma_wait3A_101] : memref<2x128x128xf32, #tpu.memory_space<vmem>> -> memref<1x128x128xf32, #tpu.memory_space<vmem>>
        %dma_wait3A_103 = tpu.memref_squeeze %dma_wait3A_102 : memref<1x128x128xf32, #tpu.memory_space<vmem>> -> memref<128x128xf32, #tpu.memory_space<vmem>>
        %dma_wait3A_104 = arith.constant 0 : i32
        %dma_wait3A_105 = tpu.memref_slice %arg9[%mul3A_89, %dma_wait3A_104] : memref<10112x128xf32, #tpu.memory_space<vmem_shared>> -> memref<128x128xf32, #tpu.memory_space<vmem_shared>>
        %dma_wait3A_106 = arith.constant 0 : i32
        %dma_wait3A_107 = tpu.memref_slice %arg9[%mul3A_89, %dma_wait3A_106] : memref<10112x128xf32, #tpu.memory_space<vmem_shared>> -> memref<128x128xf32, #tpu.memory_space<vmem_shared>>
        %dma_wait3A_108 = arith.constant 0 : i32
        %dma_wait3A_109 = arith.constant 0 : i32
        %dma_wait3A_110 = tpu.memref_slice %arg8[%cond3A_23, %dma_wait3A_108, %dma_wait3A_109] : memref<2x128x128xf32, #tpu.memory_space<vmem>> -> memref<1x128x128xf32, #tpu.memory_space<vmem>>
        %dma_wait3A_111 = tpu.memref_squeeze %dma_wait3A_110 : memref<1x128x128xf32, #tpu.memory_space<vmem>> -> memref<128x128xf32, #tpu.memory_space<vmem>>
        tpu.wait_dma2 semaphore(%run_scoped3A : memref<!tpu.dma_semaphore, #tpu.memory_space<semaphore_mem>>) src(%dma_wait3A_111 : memref<128x128xf32, #tpu.memory_space<vmem>>) dst(%dma_wait3A_107 : memref<128x128xf32, #tpu.memory_space<vmem_shared>>)
        tpu.yield
      }) : () -> ()
    } else {
    }
    %add3A_26 = arith.constant 48 : i32
    %add3A_27 = arith.addi %arg1, %add3A_26 : i32
    %lt3A_28 = arith.constant 79 : i32
    %lt3A_29 = arith.cmpi slt, %add3A_27, %lt3A_28 : i32
    %convert_element_type3A_30 = arith.extui %lt3A_29 : i1 to i32
    %cond3A_31 = arith.constant 0 : i32
    %cond3A_32 = arith.constant 0 : i32
    %cond3A_33 = arith.cmpi ne, %convert_element_type3A_30, %cond3A_32 : i32
    scf.if %cond3A_33 {
      %mul3A_88 = arith.constant 128 : i32
      %mul3A_89 = arith.muli %add3A_27, %mul3A_88 : i32
      "tpu.region"() ({
        %run_scoped3A = tpu.sem_alloc : memref<!tpu.dma_semaphore, #tpu.memory_space<semaphore_mem>>
        %dma_start3A = arith.constant 0 : i32
        %dma_start3A_90 = arith.constant 0 : i32
        %dma_start3A_91 = tpu.memref_slice %arg8[%cond3A_31, %dma_start3A, %dma_start3A_90] : memref<2x128x128xf32, #tpu.memory_space<vmem>> -> memref<1x128x128xf32, #tpu.memory_space<vmem>>
        %dma_start3A_92 = tpu.memref_squeeze %dma_start3A_91 : memref<1x128x128xf32, #tpu.memory_space<vmem>> -> memref<128x128xf32, #tpu.memory_space<vmem>>
        %dma_start3A_93 = arith.constant 0 : i32
        %dma_start3A_94 = tpu.memref_slice %arg9[%mul3A_89, %dma_start3A_93] : memref<10112x128xf32, #tpu.memory_space<vmem_shared>> -> memref<128x128xf32, #tpu.memory_space<vmem_shared>>
        %dma_start3A_95 = arith.constant 0 : i32
        %dma_start3A_96 = tpu.memref_slice %arg9[%mul3A_89, %dma_start3A_95] : memref<10112x128xf32, #tpu.memory_space<vmem_shared>> -> memref<128x128xf32, #tpu.memory_space<vmem_shared>>
        %dma_start3A_97 = arith.constant 0 : i32
        %dma_start3A_98 = arith.constant 0 : i32
        %dma_start3A_99 = tpu.memref_slice %arg8[%cond3A_31, %dma_start3A_97, %dma_start3A_98] : memref<2x128x128xf32, #tpu.memory_space<vmem>> -> memref<1x128x128xf32, #tpu.memory_space<vmem>>
        %dma_start3A_100 = tpu.memref_squeeze %dma_start3A_99 : memref<1x128x128xf32, #tpu.memory_space<vmem>> -> memref<128x128xf32, #tpu.memory_space<vmem>>
        tpu.enqueue_dma source(%dma_start3A_100 : memref<128x128xf32, #tpu.memory_space<vmem>>) target(%dma_start3A_96 : memref<128x128xf32, #tpu.memory_space<vmem_shared>>) target_semaphore(%run_scoped3A : memref<!tpu.dma_semaphore, #tpu.memory_space<semaphore_mem>>)
        %dma_wait3A = arith.constant 0 : i32
        %dma_wait3A_101 = arith.constant 0 : i32
        %dma_wait3A_102 = tpu.memref_slice %arg8[%cond3A_31, %dma_wait3A, %dma_wait3A_101] : memref<2x128x128xf32, #tpu.memory_space<vmem>> -> memref<1x128x128xf32, #tpu.memory_space<vmem>>
        %dma_wait3A_103 = tpu.memref_squeeze %dma_wait3A_102 : memref<1x128x128xf32, #tpu.memory_space<vmem>> -> memref<128x128xf32, #tpu.memory_space<vmem>>
        %dma_wait3A_104 = arith.constant 0 : i32
        %dma_wait3A_105 = tpu.memref_slice %arg9[%mul3A_89, %dma_wait3A_104] : memref<10112x128xf32, #tpu.memory_space<vmem_shared>> -> memref<128x128xf32, #tpu.memory_space<vmem_shared>>
        %dma_wait3A_106 = arith.constant 0 : i32
        %dma_wait3A_107 = tpu.memref_slice %arg9[%mul3A_89, %dma_wait3A_106] : memref<10112x128xf32, #tpu.memory_space<vmem_shared>> -> memref<128x128xf32, #tpu.memory_space<vmem_shared>>
        %dma_wait3A_108 = arith.constant 0 : i32
        %dma_wait3A_109 = arith.constant 0 : i32
        %dma_wait3A_110 = tpu.memref_slice %arg8[%cond3A_31, %dma_wait3A_108, %dma_wait3A_109] : memref<2x128x128xf32, #tpu.memory_space<vmem>> -> memref<1x128x128xf32, #tpu.memory_space<vmem>>
        %dma_wait3A_111 = tpu.memref_squeeze %dma_wait3A_110 : memref<1x128x128xf32, #tpu.memory_space<vmem>> -> memref<128x128xf32, #tpu.memory_space<vmem>>
        tpu.wait_dma2 semaphore(%run_scoped3A : memref<!tpu.dma_semaphore, #tpu.memory_space<semaphore_mem>>) src(%dma_wait3A_111 : memref<128x128xf32, #tpu.memory_space<vmem>>) dst(%dma_wait3A_107 : memref<128x128xf32, #tpu.memory_space<vmem_shared>>)
        tpu.yield
      }) : () -> ()
    } else {
    }
    %add3A_34 = arith.constant 64 : i32
    %add3A_35 = arith.addi %arg1, %add3A_34 : i32
    %lt3A_36 = arith.constant 79 : i32
    %lt3A_37 = arith.cmpi slt, %add3A_35, %lt3A_36 : i32
    %convert_element_type3A_38 = arith.extui %lt3A_37 : i1 to i32
    %cond3A_39 = arith.constant 0 : i32
    %cond3A_40 = arith.constant 0 : i32
    %cond3A_41 = arith.cmpi ne, %convert_element_type3A_38, %cond3A_40 : i32
    scf.if %cond3A_41 {
      %mul3A_88 = arith.constant 128 : i32
      %mul3A_89 = arith.muli %add3A_35, %mul3A_88 : i32
      "tpu.region"() ({
        %run_scoped3A = tpu.sem_alloc : memref<!tpu.dma_semaphore, #tpu.memory_space<semaphore_mem>>
        %dma_start3A = arith.constant 0 : i32
        %dma_start3A_90 = arith.constant 0 : i32
        %dma_start3A_91 = tpu.memref_slice %arg8[%cond3A_39, %dma_start3A, %dma_start3A_90] : memref<2x128x128xf32, #tpu.memory_space<vmem>> -> memref<1x128x128xf32, #tpu.memory_space<vmem>>
        %dma_start3A_92 = tpu.memref_squeeze %dma_start3A_91 : memref<1x128x128xf32, #tpu.memory_space<vmem>> -> memref<128x128xf32, #tpu.memory_space<vmem>>
        %dma_start3A_93 = arith.constant 0 : i32
        %dma_start3A_94 = tpu.memref_slice %arg9[%mul3A_89, %dma_start3A_93] : memref<10112x128xf32, #tpu.memory_space<vmem_shared>> -> memref<128x128xf32, #tpu.memory_space<vmem_shared>>
        %dma_start3A_95 = arith.constant 0 : i32
        %dma_start3A_96 = tpu.memref_slice %arg9[%mul3A_89, %dma_start3A_95] : memref<10112x128xf32, #tpu.memory_space<vmem_shared>> -> memref<128x128xf32, #tpu.memory_space<vmem_shared>>
        %dma_start3A_97 = arith.constant 0 : i32
        %dma_start3A_98 = arith.constant 0 : i32
        %dma_start3A_99 = tpu.memref_slice %arg8[%cond3A_39, %dma_start3A_97, %dma_start3A_98] : memref<2x128x128xf32, #tpu.memory_space<vmem>> -> memref<1x128x128xf32, #tpu.memory_space<vmem>>
        %dma_start3A_100 = tpu.memref_squeeze %dma_start3A_99 : memref<1x128x128xf32, #tpu.memory_space<vmem>> -> memref<128x128xf32, #tpu.memory_space<vmem>>
        tpu.enqueue_dma source(%dma_start3A_100 : memref<128x128xf32, #tpu.memory_space<vmem>>) target(%dma_start3A_96 : memref<128x128xf32, #tpu.memory_space<vmem_shared>>) target_semaphore(%run_scoped3A : memref<!tpu.dma_semaphore, #tpu.memory_space<semaphore_mem>>)
        %dma_wait3A = arith.constant 0 : i32
        %dma_wait3A_101 = arith.constant 0 : i32
        %dma_wait3A_102 = tpu.memref_slice %arg8[%cond3A_39, %dma_wait3A, %dma_wait3A_101] : memref<2x128x128xf32, #tpu.memory_space<vmem>> -> memref<1x128x128xf32, #tpu.memory_space<vmem>>
        %dma_wait3A_103 = tpu.memref_squeeze %dma_wait3A_102 : memref<1x128x128xf32, #tpu.memory_space<vmem>> -> memref<128x128xf32, #tpu.memory_space<vmem>>
        %dma_wait3A_104 = arith.constant 0 : i32
        %dma_wait3A_105 = tpu.memref_slice %arg9[%mul3A_89, %dma_wait3A_104] : memref<10112x128xf32, #tpu.memory_space<vmem_shared>> -> memref<128x128xf32, #tpu.memory_space<vmem_shared>>
        %dma_wait3A_106 = arith.constant 0 : i32
        %dma_wait3A_107 = tpu.memref_slice %arg9[%mul3A_89, %dma_wait3A_106] : memref<10112x128xf32, #tpu.memory_space<vmem_shared>> -> memref<128x128xf32, #tpu.memory_space<vmem_shared>>
        %dma_wait3A_108 = arith.constant 0 : i32
        %dma_wait3A_109 = arith.constant 0 : i32
        %dma_wait3A_110 = tpu.memref_slice %arg8[%cond3A_39, %dma_wait3A_108, %dma_wait3A_109] : memref<2x128x128xf32, #tpu.memory_space<vmem>> -> memref<1x128x128xf32, #tpu.memory_space<vmem>>
        %dma_wait3A_111 = tpu.memref_squeeze %dma_wait3A_110 : memref<1x128x128xf32, #tpu.memory_space<vmem>> -> memref<128x128xf32, #tpu.memory_space<vmem>>
        tpu.wait_dma2 semaphore(%run_scoped3A : memref<!tpu.dma_semaphore, #tpu.memory_space<semaphore_mem>>) src(%dma_wait3A_111 : memref<128x128xf32, #tpu.memory_space<vmem>>) dst(%dma_wait3A_107 : memref<128x128xf32, #tpu.memory_space<vmem_shared>>)
        tpu.yield
      }) : () -> ()
    } else {
    }
    %barrier3A = arith.constant 0 : index
    tpu.barrier barrier_id(%barrier3A)
    %mul3A = arith.constant 16 : i32
    %mul3A_42 = arith.muli %arg0, %mul3A : i32
    %add3A_43 = arith.addi %mul3A_42, %arg1 : i32
    %mul3A_44 = arith.constant 40 : i32
    %mul3A_45 = arith.muli %add3A_43, %mul3A_44 : i32
    %scan3A_46 = arith.constant 0 : i32
    %scan3A_47 = arith.constant 0 : i32
    %scan3A_48 = arith.constant 5 : i32
    %scan3A_49 = arith.addi %scan3A_47, %scan3A_48 : i32
    %scan3A_50 = arith.constant 1 : i32
    scf.for %scan3A_88 = %scan3A_47 to %scan3A_49 step %scan3A_50  : i32 {
      %mul3A_89 = arith.constant 8 : i32
      %mul3A_90 = arith.muli %scan3A_88, %mul3A_89 : i32
      %add3A_91 = arith.addi %mul3A_45, %mul3A_90 : i32
      "tpu.region"() ({
        %run_scoped3A = tpu.sem_alloc : memref<!tpu.dma_semaphore, #tpu.memory_space<semaphore_mem>>
        %dma_start3A_123 = arith.constant 0 : i32
        %dma_start3A_124 = tpu.memref_slice %arg3[%add3A_91, %dma_start3A_123] : memref<1280x128xi32, #tpu.memory_space<hbm>> -> memref<8x128xi32, #tpu.memory_space<hbm>>
        %dma_start3A_125 = arith.constant 0 : i32
        %dma_start3A_126 = tpu.memref_slice %arg3[%add3A_91, %dma_start3A_125] : memref<1280x128xi32, #tpu.memory_space<hbm>> -> memref<8x128xi32, #tpu.memory_space<hbm>>
        tpu.enqueue_dma source(%dma_start3A_126 : memref<8x128xi32, #tpu.memory_space<hbm>>) target(%arg6 : memref<8x128xi32, #tpu.memory_space<vmem>>) target_semaphore(%run_scoped3A : memref<!tpu.dma_semaphore, #tpu.memory_space<semaphore_mem>>)
        %dma_wait3A_127 = arith.constant 0 : i32
        %dma_wait3A_128 = tpu.memref_slice %arg3[%add3A_91, %dma_wait3A_127] : memref<1280x128xi32, #tpu.memory_space<hbm>> -> memref<8x128xi32, #tpu.memory_space<hbm>>
        %dma_wait3A_129 = arith.constant 0 : i32
        %dma_wait3A_130 = tpu.memref_slice %arg3[%add3A_91, %dma_wait3A_129] : memref<1280x128xi32, #tpu.memory_space<hbm>> -> memref<8x128xi32, #tpu.memory_space<hbm>>
        tpu.wait_dma2 semaphore(%run_scoped3A : memref<!tpu.dma_semaphore, #tpu.memory_space<semaphore_mem>>) src(%dma_wait3A_130 : memref<8x128xi32, #tpu.memory_space<hbm>>) dst(%arg6 : memref<8x128xi32, #tpu.memory_space<vmem>>)
        tpu.yield
      }) : () -> ()
      %mul3A_92 = arith.constant 8 : i32
      %mul3A_93 = arith.muli %scan3A_88, %mul3A_92 : i32
      %add3A_94 = arith.addi %mul3A_45, %mul3A_93 : i32
      "tpu.region"() ({
        %run_scoped3A = tpu.sem_alloc : memref<!tpu.dma_semaphore, #tpu.memory_space<semaphore_mem>>
        %dma_start3A_123 = arith.constant 0 : i32
        %dma_start3A_124 = tpu.memref_slice %arg4[%add3A_94, %dma_start3A_123] : memref<1280x128xi32, #tpu.memory_space<hbm>> -> memref<8x128xi32, #tpu.memory_space<hbm>>
        %dma_start3A_125 = arith.constant 0 : i32
        %dma_start3A_126 = tpu.memref_slice %arg4[%add3A_94, %dma_start3A_125] : memref<1280x128xi32, #tpu.memory_space<hbm>> -> memref<8x128xi32, #tpu.memory_space<hbm>>
        tpu.enqueue_dma source(%dma_start3A_126 : memref<8x128xi32, #tpu.memory_space<hbm>>) target(%arg7 : memref<8x128xi32, #tpu.memory_space<vmem>>) target_semaphore(%run_scoped3A : memref<!tpu.dma_semaphore, #tpu.memory_space<semaphore_mem>>)
        %dma_wait3A_127 = arith.constant 0 : i32
        %dma_wait3A_128 = tpu.memref_slice %arg4[%add3A_94, %dma_wait3A_127] : memref<1280x128xi32, #tpu.memory_space<hbm>> -> memref<8x128xi32, #tpu.memory_space<hbm>>
        %dma_wait3A_129 = arith.constant 0 : i32
        %dma_wait3A_130 = tpu.memref_slice %arg4[%add3A_94, %dma_wait3A_129] : memref<1280x128xi32, #tpu.memory_space<hbm>> -> memref<8x128xi32, #tpu.memory_space<hbm>>
        tpu.wait_dma2 semaphore(%run_scoped3A : memref<!tpu.dma_semaphore, #tpu.memory_space<semaphore_mem>>) src(%dma_wait3A_130 : memref<8x128xi32, #tpu.memory_space<hbm>>) dst(%arg7 : memref<8x128xi32, #tpu.memory_space<vmem>>)
        tpu.yield
      }) : () -> ()
      %dma_start3A = arith.constant 0 : i32
      %dma_start3A_95 = arith.constant 0 : i32
      %dma_start3A_96 = arith.constant 0 : i32
      %dma_start3A_97 = arith.constant 0 : i32
      %dma_start3A_98 = tpu.memref_slice %arg8[%dma_start3A_95, %dma_start3A_96, %dma_start3A_97] : memref<2x128x128xf32, #tpu.memory_space<vmem>> -> memref<1x128x128xf32, #tpu.memory_space<vmem>>
      %dma_start3A_99 = tpu.memref_squeeze %dma_start3A_98 : memref<1x128x128xf32, #tpu.memory_space<vmem>> -> memref<128x128xf32, #tpu.memory_space<vmem>>
      %dma_start3A_100 = arith.constant 0 : i32
      %dma_start3A_101 = tpu.memref_slice %arg6[%dma_start3A, %dma_start3A_100] : memref<8x128xi32, #tpu.memory_space<vmem>> -> memref<1x128xi32, #tpu.memory_space<vmem>>
      %dma_start3A_102 = tpu.memref_squeeze %dma_start3A_101 : memref<1x128xi32, #tpu.memory_space<vmem>> -> memref<128xi32, #tpu.memory_space<vmem>>
      %dma_start3A_103 = arith.constant 0 : i32
      %dma_start3A_104 = arith.constant 0 : i32
      %dma_start3A_105 = tpu.memref_slice %arg2[%dma_start3A_103, %dma_start3A_104] : memref<10000x128xf32, #tpu.memory_space<hbm>> -> memref<10000x128xf32, #tpu.memory_space<hbm>>
      tpu.enqueue_indirect_dma source(%dma_start3A_105 : memref<10000x128xf32, #tpu.memory_space<hbm>>) target(%dma_start3A_99 : memref<128x128xf32, #tpu.memory_space<vmem>>) offsets(%dma_start3A_102 : memref<128xi32, #tpu.memory_space<vmem>>) semaphore(%arg10 : memref<!tpu.dma_semaphore, #tpu.memory_space<semaphore_mem>>)
      %scan3A_106 = arith.constant 0 : i32
      %scan3A_107 = arith.constant 0 : i32
      %scan3A_108 = arith.constant 4 : i32
      %scan3A_109 = arith.addi %scan3A_107, %scan3A_108 : i32
      %scan3A_110 = arith.constant 1 : i32
      scf.for %scan3A_123 = %scan3A_107 to %scan3A_109 step %scan3A_110  : i32 {
        %mul3A_124 = arith.constant 2 : i32
        %mul3A_125 = arith.muli %mul3A_124, %scan3A_123 : i32
        %add3A_126 = arith.constant 0 : i32
        %add3A_127 = arith.addi %mul3A_125, %add3A_126 : i32
        %dma_wait3A_128 = arith.constant 0 : i32
        %dma_wait3A_129 = arith.constant 0 : i32
        %dma_wait3A_130 = arith.constant 0 : i32
        %dma_wait3A_131 = tpu.memref_slice %arg8[%dma_wait3A_128, %dma_wait3A_129, %dma_wait3A_130] : memref<2x128x128xf32, #tpu.memory_space<vmem>> -> memref<1x128x128xf32, #tpu.memory_space<vmem>>
        %dma_wait3A_132 = tpu.memref_squeeze %dma_wait3A_131 : memref<1x128x128xf32, #tpu.memory_space<vmem>> -> memref<128x128xf32, #tpu.memory_space<vmem>>
        %dma_wait3A_133 = arith.constant 0 : i32
        %dma_wait3A_134 = tpu.memref_slice %arg6[%add3A_127, %dma_wait3A_133] : memref<8x128xi32, #tpu.memory_space<vmem>> -> memref<1x128xi32, #tpu.memory_space<vmem>>
        %dma_wait3A_135 = tpu.memref_squeeze %dma_wait3A_134 : memref<1x128xi32, #tpu.memory_space<vmem>> -> memref<128xi32, #tpu.memory_space<vmem>>
        %dma_wait3A_136 = arith.constant 0 : i32
        %dma_wait3A_137 = arith.constant 0 : i32
        %dma_wait3A_138 = tpu.memref_slice %arg2[%dma_wait3A_136, %dma_wait3A_137] : memref<10000x128xf32, #tpu.memory_space<hbm>> -> memref<10000x128xf32, #tpu.memory_space<hbm>>
        tpu.wait_indirect_dma semaphore(%arg10 : memref<!tpu.dma_semaphore, #tpu.memory_space<semaphore_mem>>) src(%dma_wait3A_138 : memref<10000x128xf32, #tpu.memory_space<hbm>>) dst(%dma_wait3A_132 : memref<128x128xf32, #tpu.memory_space<vmem>>)
        %dma_start3A_139 = arith.constant 0 : i32
        %dma_start3A_140 = arith.constant 0 : i32
        %dma_start3A_141 = arith.constant 0 : i32
        %dma_start3A_142 = tpu.memref_slice %arg8[%dma_start3A_139, %dma_start3A_140, %dma_start3A_141] : memref<2x128x128xf32, #tpu.memory_space<vmem>> -> memref<1x128x128xf32, #tpu.memory_space<vmem>>
        %dma_start3A_143 = tpu.memref_squeeze %dma_start3A_142 : memref<1x128x128xf32, #tpu.memory_space<vmem>> -> memref<128x128xf32, #tpu.memory_space<vmem>>
        %dma_start3A_144 = arith.constant 0 : i32
        %dma_start3A_145 = tpu.memref_slice %arg7[%add3A_127, %dma_start3A_144] : memref<8x128xi32, #tpu.memory_space<vmem>> -> memref<1x128xi32, #tpu.memory_space<vmem>>
        %dma_start3A_146 = tpu.memref_squeeze %dma_start3A_145 : memref<1x128xi32, #tpu.memory_space<vmem>> -> memref<128xi32, #tpu.memory_space<vmem>>
        %dma_start3A_147 = arith.constant 0 : i32
        %dma_start3A_148 = arith.constant 0 : i32
        %dma_start3A_149 = tpu.memref_slice %arg9[%dma_start3A_147, %dma_start3A_148] : memref<10112x128xf32, #tpu.memory_space<vmem_shared>> -> memref<10112x128xf32, #tpu.memory_space<vmem_shared>>
        tpu.enqueue_indirect_dma source(%dma_start3A_143 : memref<128x128xf32, #tpu.memory_space<vmem>>) target(%dma_start3A_149 : memref<10112x128xf32, #tpu.memory_space<vmem_shared>>) offsets(%dma_start3A_146 : memref<128xi32, #tpu.memory_space<vmem>>) semaphore(%arg12 : memref<!tpu.dma_semaphore, #tpu.memory_space<semaphore_mem>>) {add = true}
        %ge3A = arith.constant 1 : i32
        %ge3A_150 = arith.cmpi sge, %add3A_127, %ge3A : i32
        %convert_element_type3A_151 = arith.extui %ge3A_150 : i1 to i32
        %cond3A_152 = arith.constant 0 : i32
        %cond3A_153 = arith.cmpi ne, %convert_element_type3A_151, %cond3A_152 : i32
        scf.if %cond3A_153 {
          %dma_wait3A_199 = arith.constant 1 : i32
          %dma_wait3A_200 = arith.constant 0 : i32
          %dma_wait3A_201 = arith.constant 0 : i32
          %dma_wait3A_202 = tpu.memref_slice %arg8[%dma_wait3A_199, %dma_wait3A_200, %dma_wait3A_201] : memref<2x128x128xf32, #tpu.memory_space<vmem>> -> memref<1x128x128xf32, #tpu.memory_space<vmem>>
          %dma_wait3A_203 = tpu.memref_squeeze %dma_wait3A_202 : memref<1x128x128xf32, #tpu.memory_space<vmem>> -> memref<128x128xf32, #tpu.memory_space<vmem>>
          %dma_wait3A_204 = arith.constant 0 : i32
          %dma_wait3A_205 = tpu.memref_slice %arg7[%add3A_127, %dma_wait3A_204] : memref<8x128xi32, #tpu.memory_space<vmem>> -> memref<1x128xi32, #tpu.memory_space<vmem>>
          %dma_wait3A_206 = tpu.memref_squeeze %dma_wait3A_205 : memref<1x128xi32, #tpu.memory_space<vmem>> -> memref<128xi32, #tpu.memory_space<vmem>>
          %dma_wait3A_207 = arith.constant 0 : i32
          %dma_wait3A_208 = arith.constant 0 : i32
          %dma_wait3A_209 = tpu.memref_slice %arg9[%dma_wait3A_207, %dma_wait3A_208] : memref<10112x128xf32, #tpu.memory_space<vmem_shared>> -> memref<10112x128xf32, #tpu.memory_space<vmem_shared>>
          tpu.wait_indirect_dma semaphore(%arg13 : memref<!tpu.dma_semaphore, #tpu.memory_space<semaphore_mem>>) src(%dma_wait3A_203 : memref<128x128xf32, #tpu.memory_space<vmem>>) dst(%dma_wait3A_209 : memref<10112x128xf32, #tpu.memory_space<vmem_shared>>)
        } else {
        }
        %add3A_154 = arith.constant 1 : i32
        %add3A_155 = arith.addi %add3A_127, %add3A_154 : i32
        %lt3A_156 = arith.constant 8 : i32
        %lt3A_157 = arith.cmpi slt, %add3A_155, %lt3A_156 : i32
        %convert_element_type3A_158 = arith.extui %lt3A_157 : i1 to i32
        %cond3A_159 = arith.constant 0 : i32
        %cond3A_160 = arith.cmpi ne, %convert_element_type3A_158, %cond3A_159 : i32
        scf.if %cond3A_160 {
          %add3A_199 = arith.constant 1 : i32
          %add3A_200 = arith.addi %add3A_127, %add3A_199 : i32
          %dma_start3A_201 = arith.constant 1 : i32
          %dma_start3A_202 = arith.constant 0 : i32
          %dma_start3A_203 = arith.constant 0 : i32
          %dma_start3A_204 = tpu.memref_slice %arg8[%dma_start3A_201, %dma_start3A_202, %dma_start3A_203] : memref<2x128x128xf32, #tpu.memory_space<vmem>> -> memref<1x128x128xf32, #tpu.memory_space<vmem>>
          %dma_start3A_205 = tpu.memref_squeeze %dma_start3A_204 : memref<1x128x128xf32, #tpu.memory_space<vmem>> -> memref<128x128xf32, #tpu.memory_space<vmem>>
          %dma_start3A_206 = arith.constant 0 : i32
          %dma_start3A_207 = tpu.memref_slice %arg6[%add3A_200, %dma_start3A_206] : memref<8x128xi32, #tpu.memory_space<vmem>> -> memref<1x128xi32, #tpu.memory_space<vmem>>
          %dma_start3A_208 = tpu.memref_squeeze %dma_start3A_207 : memref<1x128xi32, #tpu.memory_space<vmem>> -> memref<128xi32, #tpu.memory_space<vmem>>
          %dma_start3A_209 = arith.constant 0 : i32
          %dma_start3A_210 = arith.constant 0 : i32
          %dma_start3A_211 = tpu.memref_slice %arg2[%dma_start3A_209, %dma_start3A_210] : memref<10000x128xf32, #tpu.memory_space<hbm>> -> memref<10000x128xf32, #tpu.memory_space<hbm>>
          tpu.enqueue_indirect_dma source(%dma_start3A_211 : memref<10000x128xf32, #tpu.memory_space<hbm>>) target(%dma_start3A_205 : memref<128x128xf32, #tpu.memory_space<vmem>>) offsets(%dma_start3A_208 : memref<128xi32, #tpu.memory_space<vmem>>) semaphore(%arg11 : memref<!tpu.dma_semaphore, #tpu.memory_space<semaphore_mem>>)
        } else {
        }
        %mul3A_161 = arith.constant 2 : i32
        %mul3A_162 = arith.muli %mul3A_161, %scan3A_123 : i32
        %add3A_163 = arith.constant 1 : i32
        %add3A_164 = arith.addi %mul3A_162, %add3A_163 : i32
        %dma_wait3A_165 = arith.constant 1 : i32
        %dma_wait3A_166 = arith.constant 0 : i32
        %dma_wait3A_167 = arith.constant 0 : i32
        %dma_wait3A_168 = tpu.memref_slice %arg8[%dma_wait3A_165, %dma_wait3A_166, %dma_wait3A_167] : memref<2x128x128xf32, #tpu.memory_space<vmem>> -> memref<1x128x128xf32, #tpu.memory_space<vmem>>
        %dma_wait3A_169 = tpu.memref_squeeze %dma_wait3A_168 : memref<1x128x128xf32, #tpu.memory_space<vmem>> -> memref<128x128xf32, #tpu.memory_space<vmem>>
        %dma_wait3A_170 = arith.constant 0 : i32
        %dma_wait3A_171 = tpu.memref_slice %arg6[%add3A_164, %dma_wait3A_170] : memref<8x128xi32, #tpu.memory_space<vmem>> -> memref<1x128xi32, #tpu.memory_space<vmem>>
        %dma_wait3A_172 = tpu.memref_squeeze %dma_wait3A_171 : memref<1x128xi32, #tpu.memory_space<vmem>> -> memref<128xi32, #tpu.memory_space<vmem>>
        %dma_wait3A_173 = arith.constant 0 : i32
        %dma_wait3A_174 = arith.constant 0 : i32
        %dma_wait3A_175 = tpu.memref_slice %arg2[%dma_wait3A_173, %dma_wait3A_174] : memref<10000x128xf32, #tpu.memory_space<hbm>> -> memref<10000x128xf32, #tpu.memory_space<hbm>>
        tpu.wait_indirect_dma semaphore(%arg11 : memref<!tpu.dma_semaphore, #tpu.memory_space<semaphore_mem>>) src(%dma_wait3A_175 : memref<10000x128xf32, #tpu.memory_space<hbm>>) dst(%dma_wait3A_169 : memref<128x128xf32, #tpu.memory_space<vmem>>)
        %dma_start3A_176 = arith.constant 1 : i32
        %dma_start3A_177 = arith.constant 0 : i32
        %dma_start3A_178 = arith.constant 0 : i32
        %dma_start3A_179 = tpu.memref_slice %arg8[%dma_start3A_176, %dma_start3A_177, %dma_start3A_178] : memref<2x128x128xf32, #tpu.memory_space<vmem>> -> memref<1x128x128xf32, #tpu.memory_space<vmem>>
        %dma_start3A_180 = tpu.memref_squeeze %dma_start3A_179 : memref<1x128x128xf32, #tpu.memory_space<vmem>> -> memref<128x128xf32, #tpu.memory_space<vmem>>
        %dma_start3A_181 = arith.constant 0 : i32
        %dma_start3A_182 = tpu.memref_slice %arg7[%add3A_164, %dma_start3A_181] : memref<8x128xi32, #tpu.memory_space<vmem>> -> memref<1x128xi32, #tpu.memory_space<vmem>>
        %dma_start3A_183 = tpu.memref_squeeze %dma_start3A_182 : memref<1x128xi32, #tpu.memory_space<vmem>> -> memref<128xi32, #tpu.memory_space<vmem>>
        %dma_start3A_184 = arith.constant 0 : i32
        %dma_start3A_185 = arith.constant 0 : i32
        %dma_start3A_186 = tpu.memref_slice %arg9[%dma_start3A_184, %dma_start3A_185] : memref<10112x128xf32, #tpu.memory_space<vmem_shared>> -> memref<10112x128xf32, #tpu.memory_space<vmem_shared>>
        tpu.enqueue_indirect_dma source(%dma_start3A_180 : memref<128x128xf32, #tpu.memory_space<vmem>>) target(%dma_start3A_186 : memref<10112x128xf32, #tpu.memory_space<vmem_shared>>) offsets(%dma_start3A_183 : memref<128xi32, #tpu.memory_space<vmem>>) semaphore(%arg13 : memref<!tpu.dma_semaphore, #tpu.memory_space<semaphore_mem>>) {add = true}
        %ge3A_187 = arith.constant 1 : i32
        %ge3A_188 = arith.cmpi sge, %add3A_164, %ge3A_187 : i32
        %convert_element_type3A_189 = arith.extui %ge3A_188 : i1 to i32
        %cond3A_190 = arith.constant 0 : i32
        %cond3A_191 = arith.cmpi ne, %convert_element_type3A_189, %cond3A_190 : i32
        scf.if %cond3A_191 {
          %dma_wait3A_199 = arith.constant 0 : i32
          %dma_wait3A_200 = arith.constant 0 : i32
          %dma_wait3A_201 = arith.constant 0 : i32
          %dma_wait3A_202 = tpu.memref_slice %arg8[%dma_wait3A_199, %dma_wait3A_200, %dma_wait3A_201] : memref<2x128x128xf32, #tpu.memory_space<vmem>> -> memref<1x128x128xf32, #tpu.memory_space<vmem>>
          %dma_wait3A_203 = tpu.memref_squeeze %dma_wait3A_202 : memref<1x128x128xf32, #tpu.memory_space<vmem>> -> memref<128x128xf32, #tpu.memory_space<vmem>>
          %dma_wait3A_204 = arith.constant 0 : i32
          %dma_wait3A_205 = tpu.memref_slice %arg7[%add3A_164, %dma_wait3A_204] : memref<8x128xi32, #tpu.memory_space<vmem>> -> memref<1x128xi32, #tpu.memory_space<vmem>>
          %dma_wait3A_206 = tpu.memref_squeeze %dma_wait3A_205 : memref<1x128xi32, #tpu.memory_space<vmem>> -> memref<128xi32, #tpu.memory_space<vmem>>
          %dma_wait3A_207 = arith.constant 0 : i32
          %dma_wait3A_208 = arith.constant 0 : i32
          %dma_wait3A_209 = tpu.memref_slice %arg9[%dma_wait3A_207, %dma_wait3A_208] : memref<10112x128xf32, #tpu.memory_space<vmem_shared>> -> memref<10112x128xf32, #tpu.memory_space<vmem_shared>>
          tpu.wait_indirect_dma semaphore(%arg12 : memref<!tpu.dma_semaphore, #tpu.memory_space<semaphore_mem>>) src(%dma_wait3A_203 : memref<128x128xf32, #tpu.memory_space<vmem>>) dst(%dma_wait3A_209 : memref<10112x128xf32, #tpu.memory_space<vmem_shared>>)
        } else {
        }
        %add3A_192 = arith.constant 1 : i32
        %add3A_193 = arith.addi %add3A_164, %add3A_192 : i32
        %lt3A_194 = arith.constant 8 : i32
        %lt3A_195 = arith.cmpi slt, %add3A_193, %lt3A_194 : i32
        %convert_element_type3A_196 = arith.extui %lt3A_195 : i1 to i32
        %cond3A_197 = arith.constant 0 : i32
        %cond3A_198 = arith.cmpi ne, %convert_element_type3A_196, %cond3A_197 : i32
        scf.if %cond3A_198 {
          %add3A_199 = arith.constant 1 : i32
          %add3A_200 = arith.addi %add3A_164, %add3A_199 : i32
          %dma_start3A_201 = arith.constant 0 : i32
          %dma_start3A_202 = arith.constant 0 : i32
          %dma_start3A_203 = arith.constant 0 : i32
          %dma_start3A_204 = tpu.memref_slice %arg8[%dma_start3A_201, %dma_start3A_202, %dma_start3A_203] : memref<2x128x128xf32, #tpu.memory_space<vmem>> -> memref<1x128x128xf32, #tpu.memory_space<vmem>>
          %dma_start3A_205 = tpu.memref_squeeze %dma_start3A_204 : memref<1x128x128xf32, #tpu.memory_space<vmem>> -> memref<128x128xf32, #tpu.memory_space<vmem>>
          %dma_start3A_206 = arith.constant 0 : i32
          %dma_start3A_207 = tpu.memref_slice %arg6[%add3A_200, %dma_start3A_206] : memref<8x128xi32, #tpu.memory_space<vmem>> -> memref<1x128xi32, #tpu.memory_space<vmem>>
          %dma_start3A_208 = tpu.memref_squeeze %dma_start3A_207 : memref<1x128xi32, #tpu.memory_space<vmem>> -> memref<128xi32, #tpu.memory_space<vmem>>
          %dma_start3A_209 = arith.constant 0 : i32
          %dma_start3A_210 = arith.constant 0 : i32
          %dma_start3A_211 = tpu.memref_slice %arg2[%dma_start3A_209, %dma_start3A_210] : memref<10000x128xf32, #tpu.memory_space<hbm>> -> memref<10000x128xf32, #tpu.memory_space<hbm>>
          tpu.enqueue_indirect_dma source(%dma_start3A_211 : memref<10000x128xf32, #tpu.memory_space<hbm>>) target(%dma_start3A_205 : memref<128x128xf32, #tpu.memory_space<vmem>>) offsets(%dma_start3A_208 : memref<128xi32, #tpu.memory_space<vmem>>) semaphore(%arg10 : memref<!tpu.dma_semaphore, #tpu.memory_space<semaphore_mem>>)
        } else {
        }
      }
      %scan3A_111 = arith.constant 4 : i32
      %dma_wait3A = arith.constant 1 : i32
      %dma_wait3A_112 = arith.constant 7 : i32
      %dma_wait3A_113 = arith.constant 0 : i32
      %dma_wait3A_114 = arith.constant 0 : i32
      %dma_wait3A_115 = tpu.memref_slice %arg8[%dma_wait3A, %dma_wait3A_113, %dma_wait3A_114] : memref<2x128x128xf32, #tpu.memory_space<vmem>> -> memref<1x128x128xf32, #tpu.memory_space<vmem>>
      %dma_wait3A_116 = tpu.memref_squeeze %dma_wait3A_115 : memref<1x128x128xf32, #tpu.memory_space<vmem>> -> memref<128x128xf32, #tpu.memory_space<vmem>>
      %dma_wait3A_117 = arith.constant 0 : i32
      %dma_wait3A_118 = tpu.memref_slice %arg7[%dma_wait3A_112, %dma_wait3A_117] : memref<8x128xi32, #tpu.memory_space<vmem>> -> memref<1x128xi32, #tpu.memory_space<vmem>>
      %dma_wait3A_119 = tpu.memref_squeeze %dma_wait3A_118 : memref<1x128xi32, #tpu.memory_space<vmem>> -> memref<128xi32, #tpu.memory_space<vmem>>
      %dma_wait3A_120 = arith.constant 0 : i32
      %dma_wait3A_121 = arith.constant 0 : i32
      %dma_wait3A_122 = tpu.memref_slice %arg9[%dma_wait3A_120, %dma_wait3A_121] : memref<10112x128xf32, #tpu.memory_space<vmem_shared>> -> memref<10112x128xf32, #tpu.memory_space<vmem_shared>>
      tpu.wait_indirect_dma semaphore(%arg13 : memref<!tpu.dma_semaphore, #tpu.memory_space<semaphore_mem>>) src(%dma_wait3A_116 : memref<128x128xf32, #tpu.memory_space<vmem>>) dst(%dma_wait3A_122 : memref<10112x128xf32, #tpu.memory_space<vmem_shared>>)
    }
    %scan3A_51 = arith.constant 5 : i32
    %barrier3A_52 = arith.constant 0 : index
    tpu.barrier barrier_id(%barrier3A_52)
    %add3A_53 = arith.constant 0 : i32
    %add3A_54 = arith.addi %arg1, %add3A_53 : i32
    %lt3A_55 = arith.constant 79 : i32
    %lt3A_56 = arith.cmpi slt, %add3A_54, %lt3A_55 : i32
    %convert_element_type3A_57 = arith.extui %lt3A_56 : i1 to i32
    %cond3A_58 = arith.constant 0 : i32
    %cond3A_59 = arith.cmpi ne, %convert_element_type3A_57, %cond3A_58 : i32
    scf.if %cond3A_59 {
      %mul3A_88 = arith.constant 128 : i32
      %mul3A_89 = arith.muli %add3A_54, %mul3A_88 : i32
      %mul3A_90 = arith.constant 128 : i32
      %mul3A_91 = arith.muli %add3A_54, %mul3A_90 : i32
      "tpu.region"() ({
        %run_scoped3A = tpu.sem_alloc : memref<!tpu.dma_semaphore, #tpu.memory_space<semaphore_mem>>
        %dma_start3A = arith.constant 0 : i32
        %dma_start3A_92 = arith.constant 0 : i32
        %dma_start3A_93 = tpu.memref_slice %arg5[%arg0, %dma_start3A, %dma_start3A_92] : memref<2x10112x128xf32, #tpu.memory_space<hbm>> -> memref<1x10112x128xf32, #tpu.memory_space<hbm>>
        %dma_start3A_94 = tpu.memref_squeeze %dma_start3A_93 : memref<1x10112x128xf32, #tpu.memory_space<hbm>> -> memref<10112x128xf32, #tpu.memory_space<hbm>>
        %dma_start3A_95 = arith.constant 0 : i32
        %dma_start3A_96 = tpu.memref_slice %dma_start3A_94[%mul3A_91, %dma_start3A_95] : memref<10112x128xf32, #tpu.memory_space<hbm>> -> memref<128x128xf32, #tpu.memory_space<hbm>>
        %dma_start3A_97 = arith.constant 0 : i32
        %dma_start3A_98 = tpu.memref_slice %arg9[%mul3A_89, %dma_start3A_97] : memref<10112x128xf32, #tpu.memory_space<vmem_shared>> -> memref<128x128xf32, #tpu.memory_space<vmem_shared>>
        tpu.enqueue_dma source(%dma_start3A_98 : memref<128x128xf32, #tpu.memory_space<vmem_shared>>) target(%dma_start3A_96 : memref<128x128xf32, #tpu.memory_space<hbm>>) target_semaphore(%run_scoped3A : memref<!tpu.dma_semaphore, #tpu.memory_space<semaphore_mem>>)
        %dma_wait3A = arith.constant 0 : i32
        %dma_wait3A_99 = arith.constant 0 : i32
        %dma_wait3A_100 = tpu.memref_slice %arg5[%arg0, %dma_wait3A, %dma_wait3A_99] : memref<2x10112x128xf32, #tpu.memory_space<hbm>> -> memref<1x10112x128xf32, #tpu.memory_space<hbm>>
        %dma_wait3A_101 = tpu.memref_squeeze %dma_wait3A_100 : memref<1x10112x128xf32, #tpu.memory_space<hbm>> -> memref<10112x128xf32, #tpu.memory_space<hbm>>
        %dma_wait3A_102 = arith.constant 0 : i32
        %dma_wait3A_103 = tpu.memref_slice %dma_wait3A_101[%mul3A_91, %dma_wait3A_102] : memref<10112x128xf32, #tpu.memory_space<hbm>> -> memref<128x128xf32, #tpu.memory_space<hbm>>
        %dma_wait3A_104 = arith.constant 0 : i32
        %dma_wait3A_105 = tpu.memref_slice %arg9[%mul3A_89, %dma_wait3A_104] : memref<10112x128xf32, #tpu.memory_space<vmem_shared>> -> memref<128x128xf32, #tpu.memory_space<vmem_shared>>
        tpu.wait_dma2 semaphore(%run_scoped3A : memref<!tpu.dma_semaphore, #tpu.memory_space<semaphore_mem>>) src(%dma_wait3A_105 : memref<128x128xf32, #tpu.memory_space<vmem_shared>>) dst(%dma_wait3A_103 : memref<128x128xf32, #tpu.memory_space<hbm>>)
        tpu.yield
      }) : () -> ()
    } else {
    }
    %add3A_60 = arith.constant 16 : i32
    %add3A_61 = arith.addi %arg1, %add3A_60 : i32
    %lt3A_62 = arith.constant 79 : i32
    %lt3A_63 = arith.cmpi slt, %add3A_61, %lt3A_62 : i32
    %convert_element_type3A_64 = arith.extui %lt3A_63 : i1 to i32
    %cond3A_65 = arith.constant 0 : i32
    %cond3A_66 = arith.cmpi ne, %convert_element_type3A_64, %cond3A_65 : i32
    scf.if %cond3A_66 {
      %mul3A_88 = arith.constant 128 : i32
      %mul3A_89 = arith.muli %add3A_61, %mul3A_88 : i32
      %mul3A_90 = arith.constant 128 : i32
      %mul3A_91 = arith.muli %add3A_61, %mul3A_90 : i32
      "tpu.region"() ({
        %run_scoped3A = tpu.sem_alloc : memref<!tpu.dma_semaphore, #tpu.memory_space<semaphore_mem>>
        %dma_start3A = arith.constant 0 : i32
        %dma_start3A_92 = arith.constant 0 : i32
        %dma_start3A_93 = tpu.memref_slice %arg5[%arg0, %dma_start3A, %dma_start3A_92] : memref<2x10112x128xf32, #tpu.memory_space<hbm>> -> memref<1x10112x128xf32, #tpu.memory_space<hbm>>
        %dma_start3A_94 = tpu.memref_squeeze %dma_start3A_93 : memref<1x10112x128xf32, #tpu.memory_space<hbm>> -> memref<10112x128xf32, #tpu.memory_space<hbm>>
        %dma_start3A_95 = arith.constant 0 : i32
        %dma_start3A_96 = tpu.memref_slice %dma_start3A_94[%mul3A_91, %dma_start3A_95] : memref<10112x128xf32, #tpu.memory_space<hbm>> -> memref<128x128xf32, #tpu.memory_space<hbm>>
        %dma_start3A_97 = arith.constant 0 : i32
        %dma_start3A_98 = tpu.memref_slice %arg9[%mul3A_89, %dma_start3A_97] : memref<10112x128xf32, #tpu.memory_space<vmem_shared>> -> memref<128x128xf32, #tpu.memory_space<vmem_shared>>
        tpu.enqueue_dma source(%dma_start3A_98 : memref<128x128xf32, #tpu.memory_space<vmem_shared>>) target(%dma_start3A_96 : memref<128x128xf32, #tpu.memory_space<hbm>>) target_semaphore(%run_scoped3A : memref<!tpu.dma_semaphore, #tpu.memory_space<semaphore_mem>>)
        %dma_wait3A = arith.constant 0 : i32
        %dma_wait3A_99 = arith.constant 0 : i32
        %dma_wait3A_100 = tpu.memref_slice %arg5[%arg0, %dma_wait3A, %dma_wait3A_99] : memref<2x10112x128xf32, #tpu.memory_space<hbm>> -> memref<1x10112x128xf32, #tpu.memory_space<hbm>>
        %dma_wait3A_101 = tpu.memref_squeeze %dma_wait3A_100 : memref<1x10112x128xf32, #tpu.memory_space<hbm>> -> memref<10112x128xf32, #tpu.memory_space<hbm>>
        %dma_wait3A_102 = arith.constant 0 : i32
        %dma_wait3A_103 = tpu.memref_slice %dma_wait3A_101[%mul3A_91, %dma_wait3A_102] : memref<10112x128xf32, #tpu.memory_space<hbm>> -> memref<128x128xf32, #tpu.memory_space<hbm>>
        %dma_wait3A_104 = arith.constant 0 : i32
        %dma_wait3A_105 = tpu.memref_slice %arg9[%mul3A_89, %dma_wait3A_104] : memref<10112x128xf32, #tpu.memory_space<vmem_shared>> -> memref<128x128xf32, #tpu.memory_space<vmem_shared>>
        tpu.wait_dma2 semaphore(%run_scoped3A : memref<!tpu.dma_semaphore, #tpu.memory_space<semaphore_mem>>) src(%dma_wait3A_105 : memref<128x128xf32, #tpu.memory_space<vmem_shared>>) dst(%dma_wait3A_103 : memref<128x128xf32, #tpu.memory_space<hbm>>)
        tpu.yield
      }) : () -> ()
    } else {
    }
    %add3A_67 = arith.constant 32 : i32
    %add3A_68 = arith.addi %arg1, %add3A_67 : i32
    %lt3A_69 = arith.constant 79 : i32
    %lt3A_70 = arith.cmpi slt, %add3A_68, %lt3A_69 : i32
    %convert_element_type3A_71 = arith.extui %lt3A_70 : i1 to i32
    %cond3A_72 = arith.constant 0 : i32
    %cond3A_73 = arith.cmpi ne, %convert_element_type3A_71, %cond3A_72 : i32
    scf.if %cond3A_73 {
      %mul3A_88 = arith.constant 128 : i32
      %mul3A_89 = arith.muli %add3A_68, %mul3A_88 : i32
      %mul3A_90 = arith.constant 128 : i32
      %mul3A_91 = arith.muli %add3A_68, %mul3A_90 : i32
      "tpu.region"() ({
        %run_scoped3A = tpu.sem_alloc : memref<!tpu.dma_semaphore, #tpu.memory_space<semaphore_mem>>
        %dma_start3A = arith.constant 0 : i32
        %dma_start3A_92 = arith.constant 0 : i32
        %dma_start3A_93 = tpu.memref_slice %arg5[%arg0, %dma_start3A, %dma_start3A_92] : memref<2x10112x128xf32, #tpu.memory_space<hbm>> -> memref<1x10112x128xf32, #tpu.memory_space<hbm>>
        %dma_start3A_94 = tpu.memref_squeeze %dma_start3A_93 : memref<1x10112x128xf32, #tpu.memory_space<hbm>> -> memref<10112x128xf32, #tpu.memory_space<hbm>>
        %dma_start3A_95 = arith.constant 0 : i32
        %dma_start3A_96 = tpu.memref_slice %dma_start3A_94[%mul3A_91, %dma_start3A_95] : memref<10112x128xf32, #tpu.memory_space<hbm>> -> memref<128x128xf32, #tpu.memory_space<hbm>>
        %dma_start3A_97 = arith.constant 0 : i32
        %dma_start3A_98 = tpu.memref_slice %arg9[%mul3A_89, %dma_start3A_97] : memref<10112x128xf32, #tpu.memory_space<vmem_shared>> -> memref<128x128xf32, #tpu.memory_space<vmem_shared>>
        tpu.enqueue_dma source(%dma_start3A_98 : memref<128x128xf32, #tpu.memory_space<vmem_shared>>) target(%dma_start3A_96 : memref<128x128xf32, #tpu.memory_space<hbm>>) target_semaphore(%run_scoped3A : memref<!tpu.dma_semaphore, #tpu.memory_space<semaphore_mem>>)
        %dma_wait3A = arith.constant 0 : i32
        %dma_wait3A_99 = arith.constant 0 : i32
        %dma_wait3A_100 = tpu.memref_slice %arg5[%arg0, %dma_wait3A, %dma_wait3A_99] : memref<2x10112x128xf32, #tpu.memory_space<hbm>> -> memref<1x10112x128xf32, #tpu.memory_space<hbm>>
        %dma_wait3A_101 = tpu.memref_squeeze %dma_wait3A_100 : memref<1x10112x128xf32, #tpu.memory_space<hbm>> -> memref<10112x128xf32, #tpu.memory_space<hbm>>
        %dma_wait3A_102 = arith.constant 0 : i32
        %dma_wait3A_103 = tpu.memref_slice %dma_wait3A_101[%mul3A_91, %dma_wait3A_102] : memref<10112x128xf32, #tpu.memory_space<hbm>> -> memref<128x128xf32, #tpu.memory_space<hbm>>
        %dma_wait3A_104 = arith.constant 0 : i32
        %dma_wait3A_105 = tpu.memref_slice %arg9[%mul3A_89, %dma_wait3A_104] : memref<10112x128xf32, #tpu.memory_space<vmem_shared>> -> memref<128x128xf32, #tpu.memory_space<vmem_shared>>
        tpu.wait_dma2 semaphore(%run_scoped3A : memref<!tpu.dma_semaphore, #tpu.memory_space<semaphore_mem>>) src(%dma_wait3A_105 : memref<128x128xf32, #tpu.memory_space<vmem_shared>>) dst(%dma_wait3A_103 : memref<128x128xf32, #tpu.memory_space<hbm>>)
        tpu.yield
      }) : () -> ()
    } else {
    }
    %add3A_74 = arith.constant 48 : i32
    %add3A_75 = arith.addi %arg1, %add3A_74 : i32
    %lt3A_76 = arith.constant 79 : i32
    %lt3A_77 = arith.cmpi slt, %add3A_75, %lt3A_76 : i32
    %convert_element_type3A_78 = arith.extui %lt3A_77 : i1 to i32
    %cond3A_79 = arith.constant 0 : i32
    %cond3A_80 = arith.cmpi ne, %convert_element_type3A_78, %cond3A_79 : i32
    scf.if %cond3A_80 {
      %mul3A_88 = arith.constant 128 : i32
      %mul3A_89 = arith.muli %add3A_75, %mul3A_88 : i32
      %mul3A_90 = arith.constant 128 : i32
      %mul3A_91 = arith.muli %add3A_75, %mul3A_90 : i32
      "tpu.region"() ({
        %run_scoped3A = tpu.sem_alloc : memref<!tpu.dma_semaphore, #tpu.memory_space<semaphore_mem>>
        %dma_start3A = arith.constant 0 : i32
        %dma_start3A_92 = arith.constant 0 : i32
        %dma_start3A_93 = tpu.memref_slice %arg5[%arg0, %dma_start3A, %dma_start3A_92] : memref<2x10112x128xf32, #tpu.memory_space<hbm>> -> memref<1x10112x128xf32, #tpu.memory_space<hbm>>
        %dma_start3A_94 = tpu.memref_squeeze %dma_start3A_93 : memref<1x10112x128xf32, #tpu.memory_space<hbm>> -> memref<10112x128xf32, #tpu.memory_space<hbm>>
        %dma_start3A_95 = arith.constant 0 : i32
        %dma_start3A_96 = tpu.memref_slice %dma_start3A_94[%mul3A_91, %dma_start3A_95] : memref<10112x128xf32, #tpu.memory_space<hbm>> -> memref<128x128xf32, #tpu.memory_space<hbm>>
        %dma_start3A_97 = arith.constant 0 : i32
        %dma_start3A_98 = tpu.memref_slice %arg9[%mul3A_89, %dma_start3A_97] : memref<10112x128xf32, #tpu.memory_space<vmem_shared>> -> memref<128x128xf32, #tpu.memory_space<vmem_shared>>
        tpu.enqueue_dma source(%dma_start3A_98 : memref<128x128xf32, #tpu.memory_space<vmem_shared>>) target(%dma_start3A_96 : memref<128x128xf32, #tpu.memory_space<hbm>>) target_semaphore(%run_scoped3A : memref<!tpu.dma_semaphore, #tpu.memory_space<semaphore_mem>>)
        %dma_wait3A = arith.constant 0 : i32
        %dma_wait3A_99 = arith.constant 0 : i32
        %dma_wait3A_100 = tpu.memref_slice %arg5[%arg0, %dma_wait3A, %dma_wait3A_99] : memref<2x10112x128xf32, #tpu.memory_space<hbm>> -> memref<1x10112x128xf32, #tpu.memory_space<hbm>>
        %dma_wait3A_101 = tpu.memref_squeeze %dma_wait3A_100 : memref<1x10112x128xf32, #tpu.memory_space<hbm>> -> memref<10112x128xf32, #tpu.memory_space<hbm>>
        %dma_wait3A_102 = arith.constant 0 : i32
        %dma_wait3A_103 = tpu.memref_slice %dma_wait3A_101[%mul3A_91, %dma_wait3A_102] : memref<10112x128xf32, #tpu.memory_space<hbm>> -> memref<128x128xf32, #tpu.memory_space<hbm>>
        %dma_wait3A_104 = arith.constant 0 : i32
        %dma_wait3A_105 = tpu.memref_slice %arg9[%mul3A_89, %dma_wait3A_104] : memref<10112x128xf32, #tpu.memory_space<vmem_shared>> -> memref<128x128xf32, #tpu.memory_space<vmem_shared>>
        tpu.wait_dma2 semaphore(%run_scoped3A : memref<!tpu.dma_semaphore, #tpu.memory_space<semaphore_mem>>) src(%dma_wait3A_105 : memref<128x128xf32, #tpu.memory_space<vmem_shared>>) dst(%dma_wait3A_103 : memref<128x128xf32, #tpu.memory_space<hbm>>)
        tpu.yield
      }) : () -> ()
    } else {
    }
    %add3A_81 = arith.constant 64 : i32
    %add3A_82 = arith.addi %arg1, %add3A_81 : i32
    %lt3A_83 = arith.constant 79 : i32
    %lt3A_84 = arith.cmpi slt, %add3A_82, %lt3A_83 : i32
    %convert_element_type3A_85 = arith.extui %lt3A_84 : i1 to i32
    %cond3A_86 = arith.constant 0 : i32
    %cond3A_87 = arith.cmpi ne, %convert_element_type3A_85, %cond3A_86 : i32
    scf.if %cond3A_87 {
      %mul3A_88 = arith.constant 128 : i32
      %mul3A_89 = arith.muli %add3A_82, %mul3A_88 : i32
      %mul3A_90 = arith.constant 128 : i32
      %mul3A_91 = arith.muli %add3A_82, %mul3A_90 : i32
      "tpu.region"() ({
        %run_scoped3A = tpu.sem_alloc : memref<!tpu.dma_semaphore, #tpu.memory_space<semaphore_mem>>
        %dma_start3A = arith.constant 0 : i32
        %dma_start3A_92 = arith.constant 0 : i32
        %dma_start3A_93 = tpu.memref_slice %arg5[%arg0, %dma_start3A, %dma_start3A_92] : memref<2x10112x128xf32, #tpu.memory_space<hbm>> -> memref<1x10112x128xf32, #tpu.memory_space<hbm>>
        %dma_start3A_94 = tpu.memref_squeeze %dma_start3A_93 : memref<1x10112x128xf32, #tpu.memory_space<hbm>> -> memref<10112x128xf32, #tpu.memory_space<hbm>>
        %dma_start3A_95 = arith.constant 0 : i32
        %dma_start3A_96 = tpu.memref_slice %dma_start3A_94[%mul3A_91, %dma_start3A_95] : memref<10112x128xf32, #tpu.memory_space<hbm>> -> memref<128x128xf32, #tpu.memory_space<hbm>>
        %dma_start3A_97 = arith.constant 0 : i32
        %dma_start3A_98 = tpu.memref_slice %arg9[%mul3A_89, %dma_start3A_97] : memref<10112x128xf32, #tpu.memory_space<vmem_shared>> -> memref<128x128xf32, #tpu.memory_space<vmem_shared>>
        tpu.enqueue_dma source(%dma_start3A_98 : memref<128x128xf32, #tpu.memory_space<vmem_shared>>) target(%dma_start3A_96 : memref<128x128xf32, #tpu.memory_space<hbm>>) target_semaphore(%run_scoped3A : memref<!tpu.dma_semaphore, #tpu.memory_space<semaphore_mem>>)
        %dma_wait3A = arith.constant 0 : i32
        %dma_wait3A_99 = arith.constant 0 : i32
        %dma_wait3A_100 = tpu.memref_slice %arg5[%arg0, %dma_wait3A, %dma_wait3A_99] : memref<2x10112x128xf32, #tpu.memory_space<hbm>> -> memref<1x10112x128xf32, #tpu.memory_space<hbm>>
        %dma_wait3A_101 = tpu.memref_squeeze %dma_wait3A_100 : memref<1x10112x128xf32, #tpu.memory_space<hbm>> -> memref<10112x128xf32, #tpu.memory_space<hbm>>
        %dma_wait3A_102 = arith.constant 0 : i32
        %dma_wait3A_103 = tpu.memref_slice %dma_wait3A_101[%mul3A_91, %dma_wait3A_102] : memref<10112x128xf32, #tpu.memory_space<hbm>> -> memref<128x128xf32, #tpu.memory_space<hbm>>
        %dma_wait3A_104 = arith.constant 0 : i32
        %dma_wait3A_105 = tpu.memref_slice %arg9[%mul3A_89, %dma_wait3A_104] : memref<10112x128xf32, #tpu.memory_space<vmem_shared>> -> memref<128x128xf32, #tpu.memory_space<vmem_shared>>
        tpu.wait_dma2 semaphore(%run_scoped3A : memref<!tpu.dma_semaphore, #tpu.memory_space<semaphore_mem>>) src(%dma_wait3A_105 : memref<128x128xf32, #tpu.memory_space<vmem_shared>>) dst(%dma_wait3A_103 : memref<128x128xf32, #tpu.memory_space<hbm>>)
        tpu.yield
      }) : () -> ()
    } else {
    }
    return
  }
}

#map = affine_map<(d0, d1) -> (0, 0, 0)>
#map1 = affine_map<(d0, d1) -> (0, 0)>
module attributes {stable_mosaic.version = 14 : i64} {
  func.func @_mp_body(%arg0: i32, %arg1: i32, %arg2: memref<2x10000x128xf32, #tpu.memory_space<hbm>>, %arg3: memref<1280x128xi32, #tpu.memory_space<hbm>>, %arg4: memref<1280x128xi32, #tpu.memory_space<hbm>>, %arg5: memref<2x10112x128xf32, #tpu.memory_space<hbm>>, %arg6: memref<8x128xi32, #tpu.memory_space<vmem>>, %arg7: memref<8x128xi32, #tpu.memory_space<vmem>>, %arg8: memref<2x128x128xf32, #tpu.memory_space<vmem>>, %arg9: memref<10112x128xf32, #tpu.memory_space<vmem_shared>>, %arg10: memref<!tpu.dma_semaphore, #tpu.memory_space<semaphore_mem>>, %arg11: memref<!tpu.dma_semaphore, #tpu.memory_space<semaphore_mem>>, %arg12: memref<!tpu.dma_semaphore, #tpu.memory_space<semaphore_mem>>, %arg13: memref<!tpu.dma_semaphore, #tpu.memory_space<semaphore_mem>>) attributes {dimension_semantics = [#tpu.dimension_semantics<core_parallel>, #tpu.dimension_semantics<subcore_parallel>], iteration_bounds = array<i64: 2, 16>, scalar_prefetch = 0 : i64, scratch_operands = 8 : i64, tpu.core_type = #tpu.core_type<sc_vector_subcore>, window_params = [{transform_indices = #map}, {transform_indices = #map1}, {transform_indices = #map1}, {transform_indices = #map}]} {
    %scan3A = arith.constant 0 : i32
    %scan3A_0 = arith.constant 0 : i32
    %scan3A_1 = arith.constant 0 : i32
    %scan3A_2 = arith.constant 128 : i32
    %scan3A_3 = arith.addi %scan3A_1, %scan3A_2 : i32
    %scan3A_4 = arith.constant 1 : i32
    scf.for %scan3A_85 = %scan3A_1 to %scan3A_3 step %scan3A_4  : i32 {
      %broadcast_in_dim3A = arith.constant 0.000000e+00 : f32
      %broadcast_in_dim3A_86 = vector.broadcast %broadcast_in_dim3A : f32 to vector<16xf32>
      %swap3A = arith.constant 0 : i32
      %swap3A_87 = arith.constant 0 : i32
      %swap3A_88 = tpu.memref_slice %arg8[%scan3A_0, %swap3A, %swap3A_87] : memref<2x128x128xf32, #tpu.memory_space<vmem>> -> memref<1x128x128xf32, #tpu.memory_space<vmem>>
      %swap3A_89 = tpu.memref_squeeze %swap3A_88 : memref<1x128x128xf32, #tpu.memory_space<vmem>> -> memref<128x128xf32, #tpu.memory_space<vmem>>
      %swap3A_90 = arith.index_cast %scan3A_85 : i32 to index
      %swap3A_91 = arith.constant 0 : index
      %swap3A_92 = tpu.vector_load %swap3A_89[%swap3A_90, %swap3A_91] {strides = array<i32>} : memref<128x128xf32, #tpu.memory_space<vmem>>, vector<1x16xf32>,
      %swap3A_93 = vector.shape_cast %swap3A_92 : vector<1x16xf32> to vector<16xf32>
      %swap3A_94 = vector.shape_cast %broadcast_in_dim3A_86 : vector<16xf32> to vector<1x16xf32>
      tpu.vector_store %swap3A_89[%swap3A_90, %swap3A_91], %swap3A_94 {strides = array<i32>} : memref<128x128xf32, #tpu.memory_space<vmem>>, vector<1x16xf32>,
      %broadcast_in_dim3A_95 = arith.constant 0.000000e+00 : f32
      %broadcast_in_dim3A_96 = vector.broadcast %broadcast_in_dim3A_95 : f32 to vector<16xf32>
      %swap3A_97 = arith.constant 0 : i32
      %swap3A_98 = arith.constant 0 : i32
      %swap3A_99 = tpu.memref_slice %arg8[%scan3A_0, %swap3A_97, %swap3A_98] : memref<2x128x128xf32, #tpu.memory_space<vmem>> -> memref<1x128x128xf32, #tpu.memory_space<vmem>>
      %swap3A_100 = tpu.memref_squeeze %swap3A_99 : memref<1x128x128xf32, #tpu.memory_space<vmem>> -> memref<128x128xf32, #tpu.memory_space<vmem>>
      %swap3A_101 = arith.index_cast %scan3A_85 : i32 to index
      %swap3A_102 = arith.constant 16 : index
      %swap3A_103 = tpu.vector_load %swap3A_100[%swap3A_101, %swap3A_102] {strides = array<i32>} : memref<128x128xf32, #tpu.memory_space<vmem>>, vector<1x16xf32>,
      %swap3A_104 = vector.shape_cast %swap3A_103 : vector<1x16xf32> to vector<16xf32>
      %swap3A_105 = vector.shape_cast %broadcast_in_dim3A_96 : vector<16xf32> to vector<1x16xf32>
      tpu.vector_store %swap3A_100[%swap3A_101, %swap3A_102], %swap3A_105 {strides = array<i32>} : memref<128x128xf32, #tpu.memory_space<vmem>>, vector<1x16xf32>,
      %broadcast_in_dim3A_106 = arith.constant 0.000000e+00 : f32
      %broadcast_in_dim3A_107 = vector.broadcast %broadcast_in_dim3A_106 : f32 to vector<16xf32>
      %swap3A_108 = arith.constant 0 : i32
      %swap3A_109 = arith.constant 0 : i32
      %swap3A_110 = tpu.memref_slice %arg8[%scan3A_0, %swap3A_108, %swap3A_109] : memref<2x128x128xf32, #tpu.memory_space<vmem>> -> memref<1x128x128xf32, #tpu.memory_space<vmem>>
      %swap3A_111 = tpu.memref_squeeze %swap3A_110 : memref<1x128x128xf32, #tpu.memory_space<vmem>> -> memref<128x128xf32, #tpu.memory_space<vmem>>
      %swap3A_112 = arith.index_cast %scan3A_85 : i32 to index
      %swap3A_113 = arith.constant 32 : index
      %swap3A_114 = tpu.vector_load %swap3A_111[%swap3A_112, %swap3A_113] {strides = array<i32>} : memref<128x128xf32, #tpu.memory_space<vmem>>, vector<1x16xf32>,
      %swap3A_115 = vector.shape_cast %swap3A_114 : vector<1x16xf32> to vector<16xf32>
      %swap3A_116 = vector.shape_cast %broadcast_in_dim3A_107 : vector<16xf32> to vector<1x16xf32>
      tpu.vector_store %swap3A_111[%swap3A_112, %swap3A_113], %swap3A_116 {strides = array<i32>} : memref<128x128xf32, #tpu.memory_space<vmem>>, vector<1x16xf32>,
      %broadcast_in_dim3A_117 = arith.constant 0.000000e+00 : f32
      %broadcast_in_dim3A_118 = vector.broadcast %broadcast_in_dim3A_117 : f32 to vector<16xf32>
      %swap3A_119 = arith.constant 0 : i32
      %swap3A_120 = arith.constant 0 : i32
      %swap3A_121 = tpu.memref_slice %arg8[%scan3A_0, %swap3A_119, %swap3A_120] : memref<2x128x128xf32, #tpu.memory_space<vmem>> -> memref<1x128x128xf32, #tpu.memory_space<vmem>>
      %swap3A_122 = tpu.memref_squeeze %swap3A_121 : memref<1x128x128xf32, #tpu.memory_space<vmem>> -> memref<128x128xf32, #tpu.memory_space<vmem>>
      %swap3A_123 = arith.index_cast %scan3A_85 : i32 to index
      %swap3A_124 = arith.constant 48 : index
      %swap3A_125 = tpu.vector_load %swap3A_122[%swap3A_123, %swap3A_124] {strides = array<i32>} : memref<128x128xf32, #tpu.memory_space<vmem>>, vector<1x16xf32>,
      %swap3A_126 = vector.shape_cast %swap3A_125 : vector<1x16xf32> to vector<16xf32>
      %swap3A_127 = vector.shape_cast %broadcast_in_dim3A_118 : vector<16xf32> to vector<1x16xf32>
      tpu.vector_store %swap3A_122[%swap3A_123, %swap3A_124], %swap3A_127 {strides = array<i32>} : memref<128x128xf32, #tpu.memory_space<vmem>>, vector<1x16xf32>,
      %broadcast_in_dim3A_128 = arith.constant 0.000000e+00 : f32
      %broadcast_in_dim3A_129 = vector.broadcast %broadcast_in_dim3A_128 : f32 to vector<16xf32>
      %swap3A_130 = arith.constant 0 : i32
      %swap3A_131 = arith.constant 0 : i32
      %swap3A_132 = tpu.memref_slice %arg8[%scan3A_0, %swap3A_130, %swap3A_131] : memref<2x128x128xf32, #tpu.memory_space<vmem>> -> memref<1x128x128xf32, #tpu.memory_space<vmem>>
      %swap3A_133 = tpu.memref_squeeze %swap3A_132 : memref<1x128x128xf32, #tpu.memory_space<vmem>> -> memref<128x128xf32, #tpu.memory_space<vmem>>
      %swap3A_134 = arith.index_cast %scan3A_85 : i32 to index
      %swap3A_135 = arith.constant 64 : index
      %swap3A_136 = tpu.vector_load %swap3A_133[%swap3A_134, %swap3A_135] {strides = array<i32>} : memref<128x128xf32, #tpu.memory_space<vmem>>, vector<1x16xf32>,
      %swap3A_137 = vector.shape_cast %swap3A_136 : vector<1x16xf32> to vector<16xf32>
      %swap3A_138 = vector.shape_cast %broadcast_in_dim3A_129 : vector<16xf32> to vector<1x16xf32>
      tpu.vector_store %swap3A_133[%swap3A_134, %swap3A_135], %swap3A_138 {strides = array<i32>} : memref<128x128xf32, #tpu.memory_space<vmem>>, vector<1x16xf32>,
      %broadcast_in_dim3A_139 = arith.constant 0.000000e+00 : f32
      %broadcast_in_dim3A_140 = vector.broadcast %broadcast_in_dim3A_139 : f32 to vector<16xf32>
      %swap3A_141 = arith.constant 0 : i32
      %swap3A_142 = arith.constant 0 : i32
      %swap3A_143 = tpu.memref_slice %arg8[%scan3A_0, %swap3A_141, %swap3A_142] : memref<2x128x128xf32, #tpu.memory_space<vmem>> -> memref<1x128x128xf32, #tpu.memory_space<vmem>>
      %swap3A_144 = tpu.memref_squeeze %swap3A_143 : memref<1x128x128xf32, #tpu.memory_space<vmem>> -> memref<128x128xf32, #tpu.memory_space<vmem>>
      %swap3A_145 = arith.index_cast %scan3A_85 : i32 to index
      %swap3A_146 = arith.constant 80 : index
      %swap3A_147 = tpu.vector_load %swap3A_144[%swap3A_145, %swap3A_146] {strides = array<i32>} : memref<128x128xf32, #tpu.memory_space<vmem>>, vector<1x16xf32>,
      %swap3A_148 = vector.shape_cast %swap3A_147 : vector<1x16xf32> to vector<16xf32>
      %swap3A_149 = vector.shape_cast %broadcast_in_dim3A_140 : vector<16xf32> to vector<1x16xf32>
      tpu.vector_store %swap3A_144[%swap3A_145, %swap3A_146], %swap3A_149 {strides = array<i32>} : memref<128x128xf32, #tpu.memory_space<vmem>>, vector<1x16xf32>,
      %broadcast_in_dim3A_150 = arith.constant 0.000000e+00 : f32
      %broadcast_in_dim3A_151 = vector.broadcast %broadcast_in_dim3A_150 : f32 to vector<16xf32>
      %swap3A_152 = arith.constant 0 : i32
      %swap3A_153 = arith.constant 0 : i32
      %swap3A_154 = tpu.memref_slice %arg8[%scan3A_0, %swap3A_152, %swap3A_153] : memref<2x128x128xf32, #tpu.memory_space<vmem>> -> memref<1x128x128xf32, #tpu.memory_space<vmem>>
      %swap3A_155 = tpu.memref_squeeze %swap3A_154 : memref<1x128x128xf32, #tpu.memory_space<vmem>> -> memref<128x128xf32, #tpu.memory_space<vmem>>
      %swap3A_156 = arith.index_cast %scan3A_85 : i32 to index
      %swap3A_157 = arith.constant 96 : index
      %swap3A_158 = tpu.vector_load %swap3A_155[%swap3A_156, %swap3A_157] {strides = array<i32>} : memref<128x128xf32, #tpu.memory_space<vmem>>, vector<1x16xf32>,
      %swap3A_159 = vector.shape_cast %swap3A_158 : vector<1x16xf32> to vector<16xf32>
      %swap3A_160 = vector.shape_cast %broadcast_in_dim3A_151 : vector<16xf32> to vector<1x16xf32>
      tpu.vector_store %swap3A_155[%swap3A_156, %swap3A_157], %swap3A_160 {strides = array<i32>} : memref<128x128xf32, #tpu.memory_space<vmem>>, vector<1x16xf32>,
      %broadcast_in_dim3A_161 = arith.constant 0.000000e+00 : f32
      %broadcast_in_dim3A_162 = vector.broadcast %broadcast_in_dim3A_161 : f32 to vector<16xf32>
      %swap3A_163 = arith.constant 0 : i32
      %swap3A_164 = arith.constant 0 : i32
      %swap3A_165 = tpu.memref_slice %arg8[%scan3A_0, %swap3A_163, %swap3A_164] : memref<2x128x128xf32, #tpu.memory_space<vmem>> -> memref<1x128x128xf32, #tpu.memory_space<vmem>>
      %swap3A_166 = tpu.memref_squeeze %swap3A_165 : memref<1x128x128xf32, #tpu.memory_space<vmem>> -> memref<128x128xf32, #tpu.memory_space<vmem>>
      %swap3A_167 = arith.index_cast %scan3A_85 : i32 to index
      %swap3A_168 = arith.constant 112 : index
      %swap3A_169 = tpu.vector_load %swap3A_166[%swap3A_167, %swap3A_168] {strides = array<i32>} : memref<128x128xf32, #tpu.memory_space<vmem>>, vector<1x16xf32>,
      %swap3A_170 = vector.shape_cast %swap3A_169 : vector<1x16xf32> to vector<16xf32>
      %swap3A_171 = vector.shape_cast %broadcast_in_dim3A_162 : vector<16xf32> to vector<1x16xf32>
      tpu.vector_store %swap3A_166[%swap3A_167, %swap3A_168], %swap3A_171 {strides = array<i32>} : memref<128x128xf32, #tpu.memory_space<vmem>>, vector<1x16xf32>,
    }
    %scan3A_5 = arith.constant 128 : i32
    %add3A = arith.constant 0 : i32
    %add3A_6 = arith.addi %arg1, %add3A : i32
    %lt3A = arith.constant 79 : i32
    %lt3A_7 = arith.cmpi slt, %add3A_6, %lt3A : i32
    %convert_element_type3A = arith.extui %lt3A_7 : i1 to i32
    %cond3A = arith.constant 0 : i32
    %cond3A_8 = arith.constant 0 : i32
    %cond3A_9 = arith.cmpi ne, %convert_element_type3A, %cond3A_8 : i32
    scf.if %cond3A_9 {
      %mul3A_85 = arith.constant 128 : i32
      %mul3A_86 = arith.muli %add3A_6, %mul3A_85 : i32
      "tpu.region"() ({
        %run_scoped3A = tpu.sem_alloc : memref<!tpu.dma_semaphore, #tpu.memory_space<semaphore_mem>>
        %dma_start3A = arith.constant 0 : i32
        %dma_start3A_87 = arith.constant 0 : i32
        %dma_start3A_88 = tpu.memref_slice %arg8[%cond3A, %dma_start3A, %dma_start3A_87] : memref<2x128x128xf32, #tpu.memory_space<vmem>> -> memref<1x128x128xf32, #tpu.memory_space<vmem>>
        %dma_start3A_89 = tpu.memref_squeeze %dma_start3A_88 : memref<1x128x128xf32, #tpu.memory_space<vmem>> -> memref<128x128xf32, #tpu.memory_space<vmem>>
        %dma_start3A_90 = arith.constant 0 : i32
        %dma_start3A_91 = tpu.memref_slice %arg9[%mul3A_86, %dma_start3A_90] : memref<10112x128xf32, #tpu.memory_space<vmem_shared>> -> memref<128x128xf32, #tpu.memory_space<vmem_shared>>
        %dma_start3A_92 = arith.constant 0 : i32
        %dma_start3A_93 = tpu.memref_slice %arg9[%mul3A_86, %dma_start3A_92] : memref<10112x128xf32, #tpu.memory_space<vmem_shared>> -> memref<128x128xf32, #tpu.memory_space<vmem_shared>>
        %dma_start3A_94 = arith.constant 0 : i32
        %dma_start3A_95 = arith.constant 0 : i32
        %dma_start3A_96 = tpu.memref_slice %arg8[%cond3A, %dma_start3A_94, %dma_start3A_95] : memref<2x128x128xf32, #tpu.memory_space<vmem>> -> memref<1x128x128xf32, #tpu.memory_space<vmem>>
        %dma_start3A_97 = tpu.memref_squeeze %dma_start3A_96 : memref<1x128x128xf32, #tpu.memory_space<vmem>> -> memref<128x128xf32, #tpu.memory_space<vmem>>
        tpu.enqueue_dma source(%dma_start3A_97 : memref<128x128xf32, #tpu.memory_space<vmem>>) target(%dma_start3A_93 : memref<128x128xf32, #tpu.memory_space<vmem_shared>>) target_semaphore(%run_scoped3A : memref<!tpu.dma_semaphore, #tpu.memory_space<semaphore_mem>>)
        %dma_wait3A = arith.constant 0 : i32
        %dma_wait3A_98 = arith.constant 0 : i32
        %dma_wait3A_99 = tpu.memref_slice %arg8[%cond3A, %dma_wait3A, %dma_wait3A_98] : memref<2x128x128xf32, #tpu.memory_space<vmem>> -> memref<1x128x128xf32, #tpu.memory_space<vmem>>
        %dma_wait3A_100 = tpu.memref_squeeze %dma_wait3A_99 : memref<1x128x128xf32, #tpu.memory_space<vmem>> -> memref<128x128xf32, #tpu.memory_space<vmem>>
        %dma_wait3A_101 = arith.constant 0 : i32
        %dma_wait3A_102 = tpu.memref_slice %arg9[%mul3A_86, %dma_wait3A_101] : memref<10112x128xf32, #tpu.memory_space<vmem_shared>> -> memref<128x128xf32, #tpu.memory_space<vmem_shared>>
        %dma_wait3A_103 = arith.constant 0 : i32
        %dma_wait3A_104 = tpu.memref_slice %arg9[%mul3A_86, %dma_wait3A_103] : memref<10112x128xf32, #tpu.memory_space<vmem_shared>> -> memref<128x128xf32, #tpu.memory_space<vmem_shared>>
        %dma_wait3A_105 = arith.constant 0 : i32
        %dma_wait3A_106 = arith.constant 0 : i32
        %dma_wait3A_107 = tpu.memref_slice %arg8[%cond3A, %dma_wait3A_105, %dma_wait3A_106] : memref<2x128x128xf32, #tpu.memory_space<vmem>> -> memref<1x128x128xf32, #tpu.memory_space<vmem>>
        %dma_wait3A_108 = tpu.memref_squeeze %dma_wait3A_107 : memref<1x128x128xf32, #tpu.memory_space<vmem>> -> memref<128x128xf32, #tpu.memory_space<vmem>>
        tpu.wait_dma2 semaphore(%run_scoped3A : memref<!tpu.dma_semaphore, #tpu.memory_space<semaphore_mem>>) src(%dma_wait3A_108 : memref<128x128xf32, #tpu.memory_space<vmem>>) dst(%dma_wait3A_104 : memref<128x128xf32, #tpu.memory_space<vmem_shared>>)
        tpu.yield
      }) : () -> ()
    } else {
    }
    %add3A_10 = arith.constant 16 : i32
    %add3A_11 = arith.addi %arg1, %add3A_10 : i32
    %lt3A_12 = arith.constant 79 : i32
    %lt3A_13 = arith.cmpi slt, %add3A_11, %lt3A_12 : i32
    %convert_element_type3A_14 = arith.extui %lt3A_13 : i1 to i32
    %cond3A_15 = arith.constant 0 : i32
    %cond3A_16 = arith.constant 0 : i32
    %cond3A_17 = arith.cmpi ne, %convert_element_type3A_14, %cond3A_16 : i32
    scf.if %cond3A_17 {
      %mul3A_85 = arith.constant 128 : i32
      %mul3A_86 = arith.muli %add3A_11, %mul3A_85 : i32
      "tpu.region"() ({
        %run_scoped3A = tpu.sem_alloc : memref<!tpu.dma_semaphore, #tpu.memory_space<semaphore_mem>>
        %dma_start3A = arith.constant 0 : i32
        %dma_start3A_87 = arith.constant 0 : i32
        %dma_start3A_88 = tpu.memref_slice %arg8[%cond3A_15, %dma_start3A, %dma_start3A_87] : memref<2x128x128xf32, #tpu.memory_space<vmem>> -> memref<1x128x128xf32, #tpu.memory_space<vmem>>
        %dma_start3A_89 = tpu.memref_squeeze %dma_start3A_88 : memref<1x128x128xf32, #tpu.memory_space<vmem>> -> memref<128x128xf32, #tpu.memory_space<vmem>>
        %dma_start3A_90 = arith.constant 0 : i32
        %dma_start3A_91 = tpu.memref_slice %arg9[%mul3A_86, %dma_start3A_90] : memref<10112x128xf32, #tpu.memory_space<vmem_shared>> -> memref<128x128xf32, #tpu.memory_space<vmem_shared>>
        %dma_start3A_92 = arith.constant 0 : i32
        %dma_start3A_93 = tpu.memref_slice %arg9[%mul3A_86, %dma_start3A_92] : memref<10112x128xf32, #tpu.memory_space<vmem_shared>> -> memref<128x128xf32, #tpu.memory_space<vmem_shared>>
        %dma_start3A_94 = arith.constant 0 : i32
        %dma_start3A_95 = arith.constant 0 : i32
        %dma_start3A_96 = tpu.memref_slice %arg8[%cond3A_15, %dma_start3A_94, %dma_start3A_95] : memref<2x128x128xf32, #tpu.memory_space<vmem>> -> memref<1x128x128xf32, #tpu.memory_space<vmem>>
        %dma_start3A_97 = tpu.memref_squeeze %dma_start3A_96 : memref<1x128x128xf32, #tpu.memory_space<vmem>> -> memref<128x128xf32, #tpu.memory_space<vmem>>
        tpu.enqueue_dma source(%dma_start3A_97 : memref<128x128xf32, #tpu.memory_space<vmem>>) target(%dma_start3A_93 : memref<128x128xf32, #tpu.memory_space<vmem_shared>>) target_semaphore(%run_scoped3A : memref<!tpu.dma_semaphore, #tpu.memory_space<semaphore_mem>>)
        %dma_wait3A = arith.constant 0 : i32
        %dma_wait3A_98 = arith.constant 0 : i32
        %dma_wait3A_99 = tpu.memref_slice %arg8[%cond3A_15, %dma_wait3A, %dma_wait3A_98] : memref<2x128x128xf32, #tpu.memory_space<vmem>> -> memref<1x128x128xf32, #tpu.memory_space<vmem>>
        %dma_wait3A_100 = tpu.memref_squeeze %dma_wait3A_99 : memref<1x128x128xf32, #tpu.memory_space<vmem>> -> memref<128x128xf32, #tpu.memory_space<vmem>>
        %dma_wait3A_101 = arith.constant 0 : i32
        %dma_wait3A_102 = tpu.memref_slice %arg9[%mul3A_86, %dma_wait3A_101] : memref<10112x128xf32, #tpu.memory_space<vmem_shared>> -> memref<128x128xf32, #tpu.memory_space<vmem_shared>>
        %dma_wait3A_103 = arith.constant 0 : i32
        %dma_wait3A_104 = tpu.memref_slice %arg9[%mul3A_86, %dma_wait3A_103] : memref<10112x128xf32, #tpu.memory_space<vmem_shared>> -> memref<128x128xf32, #tpu.memory_space<vmem_shared>>
        %dma_wait3A_105 = arith.constant 0 : i32
        %dma_wait3A_106 = arith.constant 0 : i32
        %dma_wait3A_107 = tpu.memref_slice %arg8[%cond3A_15, %dma_wait3A_105, %dma_wait3A_106] : memref<2x128x128xf32, #tpu.memory_space<vmem>> -> memref<1x128x128xf32, #tpu.memory_space<vmem>>
        %dma_wait3A_108 = tpu.memref_squeeze %dma_wait3A_107 : memref<1x128x128xf32, #tpu.memory_space<vmem>> -> memref<128x128xf32, #tpu.memory_space<vmem>>
        tpu.wait_dma2 semaphore(%run_scoped3A : memref<!tpu.dma_semaphore, #tpu.memory_space<semaphore_mem>>) src(%dma_wait3A_108 : memref<128x128xf32, #tpu.memory_space<vmem>>) dst(%dma_wait3A_104 : memref<128x128xf32, #tpu.memory_space<vmem_shared>>)
        tpu.yield
      }) : () -> ()
    } else {
    }
    %add3A_18 = arith.constant 32 : i32
    %add3A_19 = arith.addi %arg1, %add3A_18 : i32
    %lt3A_20 = arith.constant 79 : i32
    %lt3A_21 = arith.cmpi slt, %add3A_19, %lt3A_20 : i32
    %convert_element_type3A_22 = arith.extui %lt3A_21 : i1 to i32
    %cond3A_23 = arith.constant 0 : i32
    %cond3A_24 = arith.constant 0 : i32
    %cond3A_25 = arith.cmpi ne, %convert_element_type3A_22, %cond3A_24 : i32
    scf.if %cond3A_25 {
      %mul3A_85 = arith.constant 128 : i32
      %mul3A_86 = arith.muli %add3A_19, %mul3A_85 : i32
      "tpu.region"() ({
        %run_scoped3A = tpu.sem_alloc : memref<!tpu.dma_semaphore, #tpu.memory_space<semaphore_mem>>
        %dma_start3A = arith.constant 0 : i32
        %dma_start3A_87 = arith.constant 0 : i32
        %dma_start3A_88 = tpu.memref_slice %arg8[%cond3A_23, %dma_start3A, %dma_start3A_87] : memref<2x128x128xf32, #tpu.memory_space<vmem>> -> memref<1x128x128xf32, #tpu.memory_space<vmem>>
        %dma_start3A_89 = tpu.memref_squeeze %dma_start3A_88 : memref<1x128x128xf32, #tpu.memory_space<vmem>> -> memref<128x128xf32, #tpu.memory_space<vmem>>
        %dma_start3A_90 = arith.constant 0 : i32
        %dma_start3A_91 = tpu.memref_slice %arg9[%mul3A_86, %dma_start3A_90] : memref<10112x128xf32, #tpu.memory_space<vmem_shared>> -> memref<128x128xf32, #tpu.memory_space<vmem_shared>>
        %dma_start3A_92 = arith.constant 0 : i32
        %dma_start3A_93 = tpu.memref_slice %arg9[%mul3A_86, %dma_start3A_92] : memref<10112x128xf32, #tpu.memory_space<vmem_shared>> -> memref<128x128xf32, #tpu.memory_space<vmem_shared>>
        %dma_start3A_94 = arith.constant 0 : i32
        %dma_start3A_95 = arith.constant 0 : i32
        %dma_start3A_96 = tpu.memref_slice %arg8[%cond3A_23, %dma_start3A_94, %dma_start3A_95] : memref<2x128x128xf32, #tpu.memory_space<vmem>> -> memref<1x128x128xf32, #tpu.memory_space<vmem>>
        %dma_start3A_97 = tpu.memref_squeeze %dma_start3A_96 : memref<1x128x128xf32, #tpu.memory_space<vmem>> -> memref<128x128xf32, #tpu.memory_space<vmem>>
        tpu.enqueue_dma source(%dma_start3A_97 : memref<128x128xf32, #tpu.memory_space<vmem>>) target(%dma_start3A_93 : memref<128x128xf32, #tpu.memory_space<vmem_shared>>) target_semaphore(%run_scoped3A : memref<!tpu.dma_semaphore, #tpu.memory_space<semaphore_mem>>)
        %dma_wait3A = arith.constant 0 : i32
        %dma_wait3A_98 = arith.constant 0 : i32
        %dma_wait3A_99 = tpu.memref_slice %arg8[%cond3A_23, %dma_wait3A, %dma_wait3A_98] : memref<2x128x128xf32, #tpu.memory_space<vmem>> -> memref<1x128x128xf32, #tpu.memory_space<vmem>>
        %dma_wait3A_100 = tpu.memref_squeeze %dma_wait3A_99 : memref<1x128x128xf32, #tpu.memory_space<vmem>> -> memref<128x128xf32, #tpu.memory_space<vmem>>
        %dma_wait3A_101 = arith.constant 0 : i32
        %dma_wait3A_102 = tpu.memref_slice %arg9[%mul3A_86, %dma_wait3A_101] : memref<10112x128xf32, #tpu.memory_space<vmem_shared>> -> memref<128x128xf32, #tpu.memory_space<vmem_shared>>
        %dma_wait3A_103 = arith.constant 0 : i32
        %dma_wait3A_104 = tpu.memref_slice %arg9[%mul3A_86, %dma_wait3A_103] : memref<10112x128xf32, #tpu.memory_space<vmem_shared>> -> memref<128x128xf32, #tpu.memory_space<vmem_shared>>
        %dma_wait3A_105 = arith.constant 0 : i32
        %dma_wait3A_106 = arith.constant 0 : i32
        %dma_wait3A_107 = tpu.memref_slice %arg8[%cond3A_23, %dma_wait3A_105, %dma_wait3A_106] : memref<2x128x128xf32, #tpu.memory_space<vmem>> -> memref<1x128x128xf32, #tpu.memory_space<vmem>>
        %dma_wait3A_108 = tpu.memref_squeeze %dma_wait3A_107 : memref<1x128x128xf32, #tpu.memory_space<vmem>> -> memref<128x128xf32, #tpu.memory_space<vmem>>
        tpu.wait_dma2 semaphore(%run_scoped3A : memref<!tpu.dma_semaphore, #tpu.memory_space<semaphore_mem>>) src(%dma_wait3A_108 : memref<128x128xf32, #tpu.memory_space<vmem>>) dst(%dma_wait3A_104 : memref<128x128xf32, #tpu.memory_space<vmem_shared>>)
        tpu.yield
      }) : () -> ()
    } else {
    }
    %add3A_26 = arith.constant 48 : i32
    %add3A_27 = arith.addi %arg1, %add3A_26 : i32
    %lt3A_28 = arith.constant 79 : i32
    %lt3A_29 = arith.cmpi slt, %add3A_27, %lt3A_28 : i32
    %convert_element_type3A_30 = arith.extui %lt3A_29 : i1 to i32
    %cond3A_31 = arith.constant 0 : i32
    %cond3A_32 = arith.constant 0 : i32
    %cond3A_33 = arith.cmpi ne, %convert_element_type3A_30, %cond3A_32 : i32
    scf.if %cond3A_33 {
      %mul3A_85 = arith.constant 128 : i32
      %mul3A_86 = arith.muli %add3A_27, %mul3A_85 : i32
      "tpu.region"() ({
        %run_scoped3A = tpu.sem_alloc : memref<!tpu.dma_semaphore, #tpu.memory_space<semaphore_mem>>
        %dma_start3A = arith.constant 0 : i32
        %dma_start3A_87 = arith.constant 0 : i32
        %dma_start3A_88 = tpu.memref_slice %arg8[%cond3A_31, %dma_start3A, %dma_start3A_87] : memref<2x128x128xf32, #tpu.memory_space<vmem>> -> memref<1x128x128xf32, #tpu.memory_space<vmem>>
        %dma_start3A_89 = tpu.memref_squeeze %dma_start3A_88 : memref<1x128x128xf32, #tpu.memory_space<vmem>> -> memref<128x128xf32, #tpu.memory_space<vmem>>
        %dma_start3A_90 = arith.constant 0 : i32
        %dma_start3A_91 = tpu.memref_slice %arg9[%mul3A_86, %dma_start3A_90] : memref<10112x128xf32, #tpu.memory_space<vmem_shared>> -> memref<128x128xf32, #tpu.memory_space<vmem_shared>>
        %dma_start3A_92 = arith.constant 0 : i32
        %dma_start3A_93 = tpu.memref_slice %arg9[%mul3A_86, %dma_start3A_92] : memref<10112x128xf32, #tpu.memory_space<vmem_shared>> -> memref<128x128xf32, #tpu.memory_space<vmem_shared>>
        %dma_start3A_94 = arith.constant 0 : i32
        %dma_start3A_95 = arith.constant 0 : i32
        %dma_start3A_96 = tpu.memref_slice %arg8[%cond3A_31, %dma_start3A_94, %dma_start3A_95] : memref<2x128x128xf32, #tpu.memory_space<vmem>> -> memref<1x128x128xf32, #tpu.memory_space<vmem>>
        %dma_start3A_97 = tpu.memref_squeeze %dma_start3A_96 : memref<1x128x128xf32, #tpu.memory_space<vmem>> -> memref<128x128xf32, #tpu.memory_space<vmem>>
        tpu.enqueue_dma source(%dma_start3A_97 : memref<128x128xf32, #tpu.memory_space<vmem>>) target(%dma_start3A_93 : memref<128x128xf32, #tpu.memory_space<vmem_shared>>) target_semaphore(%run_scoped3A : memref<!tpu.dma_semaphore, #tpu.memory_space<semaphore_mem>>)
        %dma_wait3A = arith.constant 0 : i32
        %dma_wait3A_98 = arith.constant 0 : i32
        %dma_wait3A_99 = tpu.memref_slice %arg8[%cond3A_31, %dma_wait3A, %dma_wait3A_98] : memref<2x128x128xf32, #tpu.memory_space<vmem>> -> memref<1x128x128xf32, #tpu.memory_space<vmem>>
        %dma_wait3A_100 = tpu.memref_squeeze %dma_wait3A_99 : memref<1x128x128xf32, #tpu.memory_space<vmem>> -> memref<128x128xf32, #tpu.memory_space<vmem>>
        %dma_wait3A_101 = arith.constant 0 : i32
        %dma_wait3A_102 = tpu.memref_slice %arg9[%mul3A_86, %dma_wait3A_101] : memref<10112x128xf32, #tpu.memory_space<vmem_shared>> -> memref<128x128xf32, #tpu.memory_space<vmem_shared>>
        %dma_wait3A_103 = arith.constant 0 : i32
        %dma_wait3A_104 = tpu.memref_slice %arg9[%mul3A_86, %dma_wait3A_103] : memref<10112x128xf32, #tpu.memory_space<vmem_shared>> -> memref<128x128xf32, #tpu.memory_space<vmem_shared>>
        %dma_wait3A_105 = arith.constant 0 : i32
        %dma_wait3A_106 = arith.constant 0 : i32
        %dma_wait3A_107 = tpu.memref_slice %arg8[%cond3A_31, %dma_wait3A_105, %dma_wait3A_106] : memref<2x128x128xf32, #tpu.memory_space<vmem>> -> memref<1x128x128xf32, #tpu.memory_space<vmem>>
        %dma_wait3A_108 = tpu.memref_squeeze %dma_wait3A_107 : memref<1x128x128xf32, #tpu.memory_space<vmem>> -> memref<128x128xf32, #tpu.memory_space<vmem>>
        tpu.wait_dma2 semaphore(%run_scoped3A : memref<!tpu.dma_semaphore, #tpu.memory_space<semaphore_mem>>) src(%dma_wait3A_108 : memref<128x128xf32, #tpu.memory_space<vmem>>) dst(%dma_wait3A_104 : memref<128x128xf32, #tpu.memory_space<vmem_shared>>)
        tpu.yield
      }) : () -> ()
    } else {
    }
    %add3A_34 = arith.constant 64 : i32
    %add3A_35 = arith.addi %arg1, %add3A_34 : i32
    %lt3A_36 = arith.constant 79 : i32
    %lt3A_37 = arith.cmpi slt, %add3A_35, %lt3A_36 : i32
    %convert_element_type3A_38 = arith.extui %lt3A_37 : i1 to i32
    %cond3A_39 = arith.constant 0 : i32
    %cond3A_40 = arith.constant 0 : i32
    %cond3A_41 = arith.cmpi ne, %convert_element_type3A_38, %cond3A_40 : i32
    scf.if %cond3A_41 {
      %mul3A_85 = arith.constant 128 : i32
      %mul3A_86 = arith.muli %add3A_35, %mul3A_85 : i32
      "tpu.region"() ({
        %run_scoped3A = tpu.sem_alloc : memref<!tpu.dma_semaphore, #tpu.memory_space<semaphore_mem>>
        %dma_start3A = arith.constant 0 : i32
        %dma_start3A_87 = arith.constant 0 : i32
        %dma_start3A_88 = tpu.memref_slice %arg8[%cond3A_39, %dma_start3A, %dma_start3A_87] : memref<2x128x128xf32, #tpu.memory_space<vmem>> -> memref<1x128x128xf32, #tpu.memory_space<vmem>>
        %dma_start3A_89 = tpu.memref_squeeze %dma_start3A_88 : memref<1x128x128xf32, #tpu.memory_space<vmem>> -> memref<128x128xf32, #tpu.memory_space<vmem>>
        %dma_start3A_90 = arith.constant 0 : i32
        %dma_start3A_91 = tpu.memref_slice %arg9[%mul3A_86, %dma_start3A_90] : memref<10112x128xf32, #tpu.memory_space<vmem_shared>> -> memref<128x128xf32, #tpu.memory_space<vmem_shared>>
        %dma_start3A_92 = arith.constant 0 : i32
        %dma_start3A_93 = tpu.memref_slice %arg9[%mul3A_86, %dma_start3A_92] : memref<10112x128xf32, #tpu.memory_space<vmem_shared>> -> memref<128x128xf32, #tpu.memory_space<vmem_shared>>
        %dma_start3A_94 = arith.constant 0 : i32
        %dma_start3A_95 = arith.constant 0 : i32
        %dma_start3A_96 = tpu.memref_slice %arg8[%cond3A_39, %dma_start3A_94, %dma_start3A_95] : memref<2x128x128xf32, #tpu.memory_space<vmem>> -> memref<1x128x128xf32, #tpu.memory_space<vmem>>
        %dma_start3A_97 = tpu.memref_squeeze %dma_start3A_96 : memref<1x128x128xf32, #tpu.memory_space<vmem>> -> memref<128x128xf32, #tpu.memory_space<vmem>>
        tpu.enqueue_dma source(%dma_start3A_97 : memref<128x128xf32, #tpu.memory_space<vmem>>) target(%dma_start3A_93 : memref<128x128xf32, #tpu.memory_space<vmem_shared>>) target_semaphore(%run_scoped3A : memref<!tpu.dma_semaphore, #tpu.memory_space<semaphore_mem>>)
        %dma_wait3A = arith.constant 0 : i32
        %dma_wait3A_98 = arith.constant 0 : i32
        %dma_wait3A_99 = tpu.memref_slice %arg8[%cond3A_39, %dma_wait3A, %dma_wait3A_98] : memref<2x128x128xf32, #tpu.memory_space<vmem>> -> memref<1x128x128xf32, #tpu.memory_space<vmem>>
        %dma_wait3A_100 = tpu.memref_squeeze %dma_wait3A_99 : memref<1x128x128xf32, #tpu.memory_space<vmem>> -> memref<128x128xf32, #tpu.memory_space<vmem>>
        %dma_wait3A_101 = arith.constant 0 : i32
        %dma_wait3A_102 = tpu.memref_slice %arg9[%mul3A_86, %dma_wait3A_101] : memref<10112x128xf32, #tpu.memory_space<vmem_shared>> -> memref<128x128xf32, #tpu.memory_space<vmem_shared>>
        %dma_wait3A_103 = arith.constant 0 : i32
        %dma_wait3A_104 = tpu.memref_slice %arg9[%mul3A_86, %dma_wait3A_103] : memref<10112x128xf32, #tpu.memory_space<vmem_shared>> -> memref<128x128xf32, #tpu.memory_space<vmem_shared>>
        %dma_wait3A_105 = arith.constant 0 : i32
        %dma_wait3A_106 = arith.constant 0 : i32
        %dma_wait3A_107 = tpu.memref_slice %arg8[%cond3A_39, %dma_wait3A_105, %dma_wait3A_106] : memref<2x128x128xf32, #tpu.memory_space<vmem>> -> memref<1x128x128xf32, #tpu.memory_space<vmem>>
        %dma_wait3A_108 = tpu.memref_squeeze %dma_wait3A_107 : memref<1x128x128xf32, #tpu.memory_space<vmem>> -> memref<128x128xf32, #tpu.memory_space<vmem>>
        tpu.wait_dma2 semaphore(%run_scoped3A : memref<!tpu.dma_semaphore, #tpu.memory_space<semaphore_mem>>) src(%dma_wait3A_108 : memref<128x128xf32, #tpu.memory_space<vmem>>) dst(%dma_wait3A_104 : memref<128x128xf32, #tpu.memory_space<vmem_shared>>)
        tpu.yield
      }) : () -> ()
    } else {
    }
    %barrier3A = arith.constant 0 : index
    tpu.barrier barrier_id(%barrier3A)
    %mul3A = arith.constant 80 : i32
    %mul3A_42 = arith.muli %arg1, %mul3A : i32
    %scan3A_43 = arith.constant 0 : i32
    %scan3A_44 = arith.constant 0 : i32
    %scan3A_45 = arith.constant 10 : i32
    %scan3A_46 = arith.addi %scan3A_44, %scan3A_45 : i32
    %scan3A_47 = arith.constant 1 : i32
    scf.for %scan3A_85 = %scan3A_44 to %scan3A_46 step %scan3A_47  : i32 {
      %mul3A_86 = arith.constant 8 : i32
      %mul3A_87 = arith.muli %scan3A_85, %mul3A_86 : i32
      %add3A_88 = arith.addi %mul3A_42, %mul3A_87 : i32
      "tpu.region"() ({
        %run_scoped3A = tpu.sem_alloc : memref<!tpu.dma_semaphore, #tpu.memory_space<semaphore_mem>>
        %dma_start3A_124 = arith.constant 0 : i32
        %dma_start3A_125 = tpu.memref_slice %arg3[%add3A_88, %dma_start3A_124] : memref<1280x128xi32, #tpu.memory_space<hbm>> -> memref<8x128xi32, #tpu.memory_space<hbm>>
        %dma_start3A_126 = arith.constant 0 : i32
        %dma_start3A_127 = tpu.memref_slice %arg3[%add3A_88, %dma_start3A_126] : memref<1280x128xi32, #tpu.memory_space<hbm>> -> memref<8x128xi32, #tpu.memory_space<hbm>>
        tpu.enqueue_dma source(%dma_start3A_127 : memref<8x128xi32, #tpu.memory_space<hbm>>) target(%arg6 : memref<8x128xi32, #tpu.memory_space<vmem>>) target_semaphore(%run_scoped3A : memref<!tpu.dma_semaphore, #tpu.memory_space<semaphore_mem>>)
        %dma_wait3A_128 = arith.constant 0 : i32
        %dma_wait3A_129 = tpu.memref_slice %arg3[%add3A_88, %dma_wait3A_128] : memref<1280x128xi32, #tpu.memory_space<hbm>> -> memref<8x128xi32, #tpu.memory_space<hbm>>
        %dma_wait3A_130 = arith.constant 0 : i32
        %dma_wait3A_131 = tpu.memref_slice %arg3[%add3A_88, %dma_wait3A_130] : memref<1280x128xi32, #tpu.memory_space<hbm>> -> memref<8x128xi32, #tpu.memory_space<hbm>>
        tpu.wait_dma2 semaphore(%run_scoped3A : memref<!tpu.dma_semaphore, #tpu.memory_space<semaphore_mem>>) src(%dma_wait3A_131 : memref<8x128xi32, #tpu.memory_space<hbm>>) dst(%arg6 : memref<8x128xi32, #tpu.memory_space<vmem>>)
        tpu.yield
      }) : () -> ()
      %mul3A_89 = arith.constant 8 : i32
      %mul3A_90 = arith.muli %scan3A_85, %mul3A_89 : i32
      %add3A_91 = arith.addi %mul3A_42, %mul3A_90 : i32
      "tpu.region"() ({
        %run_scoped3A = tpu.sem_alloc : memref<!tpu.dma_semaphore, #tpu.memory_space<semaphore_mem>>
        %dma_start3A_124 = arith.constant 0 : i32
        %dma_start3A_125 = tpu.memref_slice %arg4[%add3A_91, %dma_start3A_124] : memref<1280x128xi32, #tpu.memory_space<hbm>> -> memref<8x128xi32, #tpu.memory_space<hbm>>
        %dma_start3A_126 = arith.constant 0 : i32
        %dma_start3A_127 = tpu.memref_slice %arg4[%add3A_91, %dma_start3A_126] : memref<1280x128xi32, #tpu.memory_space<hbm>> -> memref<8x128xi32, #tpu.memory_space<hbm>>
        tpu.enqueue_dma source(%dma_start3A_127 : memref<8x128xi32, #tpu.memory_space<hbm>>) target(%arg7 : memref<8x128xi32, #tpu.memory_space<vmem>>) target_semaphore(%run_scoped3A : memref<!tpu.dma_semaphore, #tpu.memory_space<semaphore_mem>>)
        %dma_wait3A_128 = arith.constant 0 : i32
        %dma_wait3A_129 = tpu.memref_slice %arg4[%add3A_91, %dma_wait3A_128] : memref<1280x128xi32, #tpu.memory_space<hbm>> -> memref<8x128xi32, #tpu.memory_space<hbm>>
        %dma_wait3A_130 = arith.constant 0 : i32
        %dma_wait3A_131 = tpu.memref_slice %arg4[%add3A_91, %dma_wait3A_130] : memref<1280x128xi32, #tpu.memory_space<hbm>> -> memref<8x128xi32, #tpu.memory_space<hbm>>
        tpu.wait_dma2 semaphore(%run_scoped3A : memref<!tpu.dma_semaphore, #tpu.memory_space<semaphore_mem>>) src(%dma_wait3A_131 : memref<8x128xi32, #tpu.memory_space<hbm>>) dst(%arg7 : memref<8x128xi32, #tpu.memory_space<vmem>>)
        tpu.yield
      }) : () -> ()
      %dma_start3A = arith.constant 0 : i32
      %dma_start3A_92 = arith.constant 0 : i32
      %dma_start3A_93 = arith.constant 0 : i32
      %dma_start3A_94 = arith.constant 0 : i32
      %dma_start3A_95 = tpu.memref_slice %arg8[%dma_start3A_92, %dma_start3A_93, %dma_start3A_94] : memref<2x128x128xf32, #tpu.memory_space<vmem>> -> memref<1x128x128xf32, #tpu.memory_space<vmem>>
      %dma_start3A_96 = tpu.memref_squeeze %dma_start3A_95 : memref<1x128x128xf32, #tpu.memory_space<vmem>> -> memref<128x128xf32, #tpu.memory_space<vmem>>
      %dma_start3A_97 = arith.constant 0 : i32
      %dma_start3A_98 = tpu.memref_slice %arg6[%dma_start3A, %dma_start3A_97] : memref<8x128xi32, #tpu.memory_space<vmem>> -> memref<1x128xi32, #tpu.memory_space<vmem>>
      %dma_start3A_99 = tpu.memref_squeeze %dma_start3A_98 : memref<1x128xi32, #tpu.memory_space<vmem>> -> memref<128xi32, #tpu.memory_space<vmem>>
      %dma_start3A_100 = arith.constant 0 : i32
      %dma_start3A_101 = arith.constant 0 : i32
      %dma_start3A_102 = tpu.memref_slice %arg2[%arg0, %dma_start3A_100, %dma_start3A_101] : memref<2x10000x128xf32, #tpu.memory_space<hbm>> -> memref<1x10000x128xf32, #tpu.memory_space<hbm>>
      %dma_start3A_103 = tpu.memref_squeeze %dma_start3A_102 : memref<1x10000x128xf32, #tpu.memory_space<hbm>> -> memref<10000x128xf32, #tpu.memory_space<hbm>>
      %dma_start3A_104 = arith.constant 0 : i32
      %dma_start3A_105 = arith.constant 0 : i32
      %dma_start3A_106 = tpu.memref_slice %dma_start3A_103[%dma_start3A_104, %dma_start3A_105] : memref<10000x128xf32, #tpu.memory_space<hbm>> -> memref<10000x128xf32, #tpu.memory_space<hbm>>
      tpu.enqueue_indirect_dma source(%dma_start3A_106 : memref<10000x128xf32, #tpu.memory_space<hbm>>) target(%dma_start3A_96 : memref<128x128xf32, #tpu.memory_space<vmem>>) offsets(%dma_start3A_99 : memref<128xi32, #tpu.memory_space<vmem>>) semaphore(%arg10 : memref<!tpu.dma_semaphore, #tpu.memory_space<semaphore_mem>>)
      %scan3A_107 = arith.constant 0 : i32
      %scan3A_108 = arith.constant 0 : i32
      %scan3A_109 = arith.constant 4 : i32
      %scan3A_110 = arith.addi %scan3A_108, %scan3A_109 : i32
      %scan3A_111 = arith.constant 1 : i32
      scf.for %scan3A_124 = %scan3A_108 to %scan3A_110 step %scan3A_111  : i32 {
        %mul3A_125 = arith.constant 2 : i32
        %mul3A_126 = arith.muli %mul3A_125, %scan3A_124 : i32
        %add3A_127 = arith.constant 0 : i32
        %add3A_128 = arith.addi %mul3A_126, %add3A_127 : i32
        %dma_wait3A_129 = arith.constant 0 : i32
        %dma_wait3A_130 = arith.constant 0 : i32
        %dma_wait3A_131 = arith.constant 0 : i32
        %dma_wait3A_132 = tpu.memref_slice %arg8[%dma_wait3A_129, %dma_wait3A_130, %dma_wait3A_131] : memref<2x128x128xf32, #tpu.memory_space<vmem>> -> memref<1x128x128xf32, #tpu.memory_space<vmem>>
        %dma_wait3A_133 = tpu.memref_squeeze %dma_wait3A_132 : memref<1x128x128xf32, #tpu.memory_space<vmem>> -> memref<128x128xf32, #tpu.memory_space<vmem>>
        %dma_wait3A_134 = arith.constant 0 : i32
        %dma_wait3A_135 = tpu.memref_slice %arg6[%add3A_128, %dma_wait3A_134] : memref<8x128xi32, #tpu.memory_space<vmem>> -> memref<1x128xi32, #tpu.memory_space<vmem>>
        %dma_wait3A_136 = tpu.memref_squeeze %dma_wait3A_135 : memref<1x128xi32, #tpu.memory_space<vmem>> -> memref<128xi32, #tpu.memory_space<vmem>>
        %dma_wait3A_137 = arith.constant 0 : i32
        %dma_wait3A_138 = arith.constant 0 : i32
        %dma_wait3A_139 = tpu.memref_slice %arg2[%arg0, %dma_wait3A_137, %dma_wait3A_138] : memref<2x10000x128xf32, #tpu.memory_space<hbm>> -> memref<1x10000x128xf32, #tpu.memory_space<hbm>>
        %dma_wait3A_140 = tpu.memref_squeeze %dma_wait3A_139 : memref<1x10000x128xf32, #tpu.memory_space<hbm>> -> memref<10000x128xf32, #tpu.memory_space<hbm>>
        %dma_wait3A_141 = arith.constant 0 : i32
        %dma_wait3A_142 = arith.constant 0 : i32
        %dma_wait3A_143 = tpu.memref_slice %dma_wait3A_140[%dma_wait3A_141, %dma_wait3A_142] : memref<10000x128xf32, #tpu.memory_space<hbm>> -> memref<10000x128xf32, #tpu.memory_space<hbm>>
        tpu.wait_indirect_dma semaphore(%arg10 : memref<!tpu.dma_semaphore, #tpu.memory_space<semaphore_mem>>) src(%dma_wait3A_143 : memref<10000x128xf32, #tpu.memory_space<hbm>>) dst(%dma_wait3A_133 : memref<128x128xf32, #tpu.memory_space<vmem>>)
        %dma_start3A_144 = arith.constant 0 : i32
        %dma_start3A_145 = arith.constant 0 : i32
        %dma_start3A_146 = arith.constant 0 : i32
        %dma_start3A_147 = tpu.memref_slice %arg8[%dma_start3A_144, %dma_start3A_145, %dma_start3A_146] : memref<2x128x128xf32, #tpu.memory_space<vmem>> -> memref<1x128x128xf32, #tpu.memory_space<vmem>>
        %dma_start3A_148 = tpu.memref_squeeze %dma_start3A_147 : memref<1x128x128xf32, #tpu.memory_space<vmem>> -> memref<128x128xf32, #tpu.memory_space<vmem>>
        %dma_start3A_149 = arith.constant 0 : i32
        %dma_start3A_150 = tpu.memref_slice %arg7[%add3A_128, %dma_start3A_149] : memref<8x128xi32, #tpu.memory_space<vmem>> -> memref<1x128xi32, #tpu.memory_space<vmem>>
        %dma_start3A_151 = tpu.memref_squeeze %dma_start3A_150 : memref<1x128xi32, #tpu.memory_space<vmem>> -> memref<128xi32, #tpu.memory_space<vmem>>
        %dma_start3A_152 = arith.constant 0 : i32
        %dma_start3A_153 = arith.constant 0 : i32
        %dma_start3A_154 = tpu.memref_slice %arg9[%dma_start3A_152, %dma_start3A_153] : memref<10112x128xf32, #tpu.memory_space<vmem_shared>> -> memref<10112x128xf32, #tpu.memory_space<vmem_shared>>
        tpu.enqueue_indirect_dma source(%dma_start3A_148 : memref<128x128xf32, #tpu.memory_space<vmem>>) target(%dma_start3A_154 : memref<10112x128xf32, #tpu.memory_space<vmem_shared>>) offsets(%dma_start3A_151 : memref<128xi32, #tpu.memory_space<vmem>>) semaphore(%arg12 : memref<!tpu.dma_semaphore, #tpu.memory_space<semaphore_mem>>) {add = true}
        %ge3A = arith.constant 1 : i32
        %ge3A_155 = arith.cmpi sge, %add3A_128, %ge3A : i32
        %convert_element_type3A_156 = arith.extui %ge3A_155 : i1 to i32
        %cond3A_157 = arith.constant 0 : i32
        %cond3A_158 = arith.cmpi ne, %convert_element_type3A_156, %cond3A_157 : i32
        scf.if %cond3A_158 {
          %dma_wait3A_208 = arith.constant 1 : i32
          %dma_wait3A_209 = arith.constant 0 : i32
          %dma_wait3A_210 = arith.constant 0 : i32
          %dma_wait3A_211 = tpu.memref_slice %arg8[%dma_wait3A_208, %dma_wait3A_209, %dma_wait3A_210] : memref<2x128x128xf32, #tpu.memory_space<vmem>> -> memref<1x128x128xf32, #tpu.memory_space<vmem>>
          %dma_wait3A_212 = tpu.memref_squeeze %dma_wait3A_211 : memref<1x128x128xf32, #tpu.memory_space<vmem>> -> memref<128x128xf32, #tpu.memory_space<vmem>>
          %dma_wait3A_213 = arith.constant 0 : i32
          %dma_wait3A_214 = tpu.memref_slice %arg7[%add3A_128, %dma_wait3A_213] : memref<8x128xi32, #tpu.memory_space<vmem>> -> memref<1x128xi32, #tpu.memory_space<vmem>>
          %dma_wait3A_215 = tpu.memref_squeeze %dma_wait3A_214 : memref<1x128xi32, #tpu.memory_space<vmem>> -> memref<128xi32, #tpu.memory_space<vmem>>
          %dma_wait3A_216 = arith.constant 0 : i32
          %dma_wait3A_217 = arith.constant 0 : i32
          %dma_wait3A_218 = tpu.memref_slice %arg9[%dma_wait3A_216, %dma_wait3A_217] : memref<10112x128xf32, #tpu.memory_space<vmem_shared>> -> memref<10112x128xf32, #tpu.memory_space<vmem_shared>>
          tpu.wait_indirect_dma semaphore(%arg13 : memref<!tpu.dma_semaphore, #tpu.memory_space<semaphore_mem>>) src(%dma_wait3A_212 : memref<128x128xf32, #tpu.memory_space<vmem>>) dst(%dma_wait3A_218 : memref<10112x128xf32, #tpu.memory_space<vmem_shared>>)
        } else {
        }
        %add3A_159 = arith.constant 1 : i32
        %add3A_160 = arith.addi %add3A_128, %add3A_159 : i32
        %lt3A_161 = arith.constant 8 : i32
        %lt3A_162 = arith.cmpi slt, %add3A_160, %lt3A_161 : i32
        %convert_element_type3A_163 = arith.extui %lt3A_162 : i1 to i32
        %cond3A_164 = arith.constant 0 : i32
        %cond3A_165 = arith.cmpi ne, %convert_element_type3A_163, %cond3A_164 : i32
        scf.if %cond3A_165 {
          %add3A_208 = arith.constant 1 : i32
          %add3A_209 = arith.addi %add3A_128, %add3A_208 : i32
          %dma_start3A_210 = arith.constant 1 : i32
          %dma_start3A_211 = arith.constant 0 : i32
          %dma_start3A_212 = arith.constant 0 : i32
          %dma_start3A_213 = tpu.memref_slice %arg8[%dma_start3A_210, %dma_start3A_211, %dma_start3A_212] : memref<2x128x128xf32, #tpu.memory_space<vmem>> -> memref<1x128x128xf32, #tpu.memory_space<vmem>>
          %dma_start3A_214 = tpu.memref_squeeze %dma_start3A_213 : memref<1x128x128xf32, #tpu.memory_space<vmem>> -> memref<128x128xf32, #tpu.memory_space<vmem>>
          %dma_start3A_215 = arith.constant 0 : i32
          %dma_start3A_216 = tpu.memref_slice %arg6[%add3A_209, %dma_start3A_215] : memref<8x128xi32, #tpu.memory_space<vmem>> -> memref<1x128xi32, #tpu.memory_space<vmem>>
          %dma_start3A_217 = tpu.memref_squeeze %dma_start3A_216 : memref<1x128xi32, #tpu.memory_space<vmem>> -> memref<128xi32, #tpu.memory_space<vmem>>
          %dma_start3A_218 = arith.constant 0 : i32
          %dma_start3A_219 = arith.constant 0 : i32
          %dma_start3A_220 = tpu.memref_slice %arg2[%arg0, %dma_start3A_218, %dma_start3A_219] : memref<2x10000x128xf32, #tpu.memory_space<hbm>> -> memref<1x10000x128xf32, #tpu.memory_space<hbm>>
          %dma_start3A_221 = tpu.memref_squeeze %dma_start3A_220 : memref<1x10000x128xf32, #tpu.memory_space<hbm>> -> memref<10000x128xf32, #tpu.memory_space<hbm>>
          %dma_start3A_222 = arith.constant 0 : i32
          %dma_start3A_223 = arith.constant 0 : i32
          %dma_start3A_224 = tpu.memref_slice %dma_start3A_221[%dma_start3A_222, %dma_start3A_223] : memref<10000x128xf32, #tpu.memory_space<hbm>> -> memref<10000x128xf32, #tpu.memory_space<hbm>>
          tpu.enqueue_indirect_dma source(%dma_start3A_224 : memref<10000x128xf32, #tpu.memory_space<hbm>>) target(%dma_start3A_214 : memref<128x128xf32, #tpu.memory_space<vmem>>) offsets(%dma_start3A_217 : memref<128xi32, #tpu.memory_space<vmem>>) semaphore(%arg11 : memref<!tpu.dma_semaphore, #tpu.memory_space<semaphore_mem>>)
        } else {
        }
        %mul3A_166 = arith.constant 2 : i32
        %mul3A_167 = arith.muli %mul3A_166, %scan3A_124 : i32
        %add3A_168 = arith.constant 1 : i32
        %add3A_169 = arith.addi %mul3A_167, %add3A_168 : i32
        %dma_wait3A_170 = arith.constant 1 : i32
        %dma_wait3A_171 = arith.constant 0 : i32
        %dma_wait3A_172 = arith.constant 0 : i32
        %dma_wait3A_173 = tpu.memref_slice %arg8[%dma_wait3A_170, %dma_wait3A_171, %dma_wait3A_172] : memref<2x128x128xf32, #tpu.memory_space<vmem>> -> memref<1x128x128xf32, #tpu.memory_space<vmem>>
        %dma_wait3A_174 = tpu.memref_squeeze %dma_wait3A_173 : memref<1x128x128xf32, #tpu.memory_space<vmem>> -> memref<128x128xf32, #tpu.memory_space<vmem>>
        %dma_wait3A_175 = arith.constant 0 : i32
        %dma_wait3A_176 = tpu.memref_slice %arg6[%add3A_169, %dma_wait3A_175] : memref<8x128xi32, #tpu.memory_space<vmem>> -> memref<1x128xi32, #tpu.memory_space<vmem>>
        %dma_wait3A_177 = tpu.memref_squeeze %dma_wait3A_176 : memref<1x128xi32, #tpu.memory_space<vmem>> -> memref<128xi32, #tpu.memory_space<vmem>>
        %dma_wait3A_178 = arith.constant 0 : i32
        %dma_wait3A_179 = arith.constant 0 : i32
        %dma_wait3A_180 = tpu.memref_slice %arg2[%arg0, %dma_wait3A_178, %dma_wait3A_179] : memref<2x10000x128xf32, #tpu.memory_space<hbm>> -> memref<1x10000x128xf32, #tpu.memory_space<hbm>>
        %dma_wait3A_181 = tpu.memref_squeeze %dma_wait3A_180 : memref<1x10000x128xf32, #tpu.memory_space<hbm>> -> memref<10000x128xf32, #tpu.memory_space<hbm>>
        %dma_wait3A_182 = arith.constant 0 : i32
        %dma_wait3A_183 = arith.constant 0 : i32
        %dma_wait3A_184 = tpu.memref_slice %dma_wait3A_181[%dma_wait3A_182, %dma_wait3A_183] : memref<10000x128xf32, #tpu.memory_space<hbm>> -> memref<10000x128xf32, #tpu.memory_space<hbm>>
        tpu.wait_indirect_dma semaphore(%arg11 : memref<!tpu.dma_semaphore, #tpu.memory_space<semaphore_mem>>) src(%dma_wait3A_184 : memref<10000x128xf32, #tpu.memory_space<hbm>>) dst(%dma_wait3A_174 : memref<128x128xf32, #tpu.memory_space<vmem>>)
        %dma_start3A_185 = arith.constant 1 : i32
        %dma_start3A_186 = arith.constant 0 : i32
        %dma_start3A_187 = arith.constant 0 : i32
        %dma_start3A_188 = tpu.memref_slice %arg8[%dma_start3A_185, %dma_start3A_186, %dma_start3A_187] : memref<2x128x128xf32, #tpu.memory_space<vmem>> -> memref<1x128x128xf32, #tpu.memory_space<vmem>>
        %dma_start3A_189 = tpu.memref_squeeze %dma_start3A_188 : memref<1x128x128xf32, #tpu.memory_space<vmem>> -> memref<128x128xf32, #tpu.memory_space<vmem>>
        %dma_start3A_190 = arith.constant 0 : i32
        %dma_start3A_191 = tpu.memref_slice %arg7[%add3A_169, %dma_start3A_190] : memref<8x128xi32, #tpu.memory_space<vmem>> -> memref<1x128xi32, #tpu.memory_space<vmem>>
        %dma_start3A_192 = tpu.memref_squeeze %dma_start3A_191 : memref<1x128xi32, #tpu.memory_space<vmem>> -> memref<128xi32, #tpu.memory_space<vmem>>
        %dma_start3A_193 = arith.constant 0 : i32
        %dma_start3A_194 = arith.constant 0 : i32
        %dma_start3A_195 = tpu.memref_slice %arg9[%dma_start3A_193, %dma_start3A_194] : memref<10112x128xf32, #tpu.memory_space<vmem_shared>> -> memref<10112x128xf32, #tpu.memory_space<vmem_shared>>
        tpu.enqueue_indirect_dma source(%dma_start3A_189 : memref<128x128xf32, #tpu.memory_space<vmem>>) target(%dma_start3A_195 : memref<10112x128xf32, #tpu.memory_space<vmem_shared>>) offsets(%dma_start3A_192 : memref<128xi32, #tpu.memory_space<vmem>>) semaphore(%arg13 : memref<!tpu.dma_semaphore, #tpu.memory_space<semaphore_mem>>) {add = true}
        %ge3A_196 = arith.constant 1 : i32
        %ge3A_197 = arith.cmpi sge, %add3A_169, %ge3A_196 : i32
        %convert_element_type3A_198 = arith.extui %ge3A_197 : i1 to i32
        %cond3A_199 = arith.constant 0 : i32
        %cond3A_200 = arith.cmpi ne, %convert_element_type3A_198, %cond3A_199 : i32
        scf.if %cond3A_200 {
          %dma_wait3A_208 = arith.constant 0 : i32
          %dma_wait3A_209 = arith.constant 0 : i32
          %dma_wait3A_210 = arith.constant 0 : i32
          %dma_wait3A_211 = tpu.memref_slice %arg8[%dma_wait3A_208, %dma_wait3A_209, %dma_wait3A_210] : memref<2x128x128xf32, #tpu.memory_space<vmem>> -> memref<1x128x128xf32, #tpu.memory_space<vmem>>
          %dma_wait3A_212 = tpu.memref_squeeze %dma_wait3A_211 : memref<1x128x128xf32, #tpu.memory_space<vmem>> -> memref<128x128xf32, #tpu.memory_space<vmem>>
          %dma_wait3A_213 = arith.constant 0 : i32
          %dma_wait3A_214 = tpu.memref_slice %arg7[%add3A_169, %dma_wait3A_213] : memref<8x128xi32, #tpu.memory_space<vmem>> -> memref<1x128xi32, #tpu.memory_space<vmem>>
          %dma_wait3A_215 = tpu.memref_squeeze %dma_wait3A_214 : memref<1x128xi32, #tpu.memory_space<vmem>> -> memref<128xi32, #tpu.memory_space<vmem>>
          %dma_wait3A_216 = arith.constant 0 : i32
          %dma_wait3A_217 = arith.constant 0 : i32
          %dma_wait3A_218 = tpu.memref_slice %arg9[%dma_wait3A_216, %dma_wait3A_217] : memref<10112x128xf32, #tpu.memory_space<vmem_shared>> -> memref<10112x128xf32, #tpu.memory_space<vmem_shared>>
          tpu.wait_indirect_dma semaphore(%arg12 : memref<!tpu.dma_semaphore, #tpu.memory_space<semaphore_mem>>) src(%dma_wait3A_212 : memref<128x128xf32, #tpu.memory_space<vmem>>) dst(%dma_wait3A_218 : memref<10112x128xf32, #tpu.memory_space<vmem_shared>>)
        } else {
        }
        %add3A_201 = arith.constant 1 : i32
        %add3A_202 = arith.addi %add3A_169, %add3A_201 : i32
        %lt3A_203 = arith.constant 8 : i32
        %lt3A_204 = arith.cmpi slt, %add3A_202, %lt3A_203 : i32
        %convert_element_type3A_205 = arith.extui %lt3A_204 : i1 to i32
        %cond3A_206 = arith.constant 0 : i32
        %cond3A_207 = arith.cmpi ne, %convert_element_type3A_205, %cond3A_206 : i32
        scf.if %cond3A_207 {
          %add3A_208 = arith.constant 1 : i32
          %add3A_209 = arith.addi %add3A_169, %add3A_208 : i32
          %dma_start3A_210 = arith.constant 0 : i32
          %dma_start3A_211 = arith.constant 0 : i32
          %dma_start3A_212 = arith.constant 0 : i32
          %dma_start3A_213 = tpu.memref_slice %arg8[%dma_start3A_210, %dma_start3A_211, %dma_start3A_212] : memref<2x128x128xf32, #tpu.memory_space<vmem>> -> memref<1x128x128xf32, #tpu.memory_space<vmem>>
          %dma_start3A_214 = tpu.memref_squeeze %dma_start3A_213 : memref<1x128x128xf32, #tpu.memory_space<vmem>> -> memref<128x128xf32, #tpu.memory_space<vmem>>
          %dma_start3A_215 = arith.constant 0 : i32
          %dma_start3A_216 = tpu.memref_slice %arg6[%add3A_209, %dma_start3A_215] : memref<8x128xi32, #tpu.memory_space<vmem>> -> memref<1x128xi32, #tpu.memory_space<vmem>>
          %dma_start3A_217 = tpu.memref_squeeze %dma_start3A_216 : memref<1x128xi32, #tpu.memory_space<vmem>> -> memref<128xi32, #tpu.memory_space<vmem>>
          %dma_start3A_218 = arith.constant 0 : i32
          %dma_start3A_219 = arith.constant 0 : i32
          %dma_start3A_220 = tpu.memref_slice %arg2[%arg0, %dma_start3A_218, %dma_start3A_219] : memref<2x10000x128xf32, #tpu.memory_space<hbm>> -> memref<1x10000x128xf32, #tpu.memory_space<hbm>>
          %dma_start3A_221 = tpu.memref_squeeze %dma_start3A_220 : memref<1x10000x128xf32, #tpu.memory_space<hbm>> -> memref<10000x128xf32, #tpu.memory_space<hbm>>
          %dma_start3A_222 = arith.constant 0 : i32
          %dma_start3A_223 = arith.constant 0 : i32
          %dma_start3A_224 = tpu.memref_slice %dma_start3A_221[%dma_start3A_222, %dma_start3A_223] : memref<10000x128xf32, #tpu.memory_space<hbm>> -> memref<10000x128xf32, #tpu.memory_space<hbm>>
          tpu.enqueue_indirect_dma source(%dma_start3A_224 : memref<10000x128xf32, #tpu.memory_space<hbm>>) target(%dma_start3A_214 : memref<128x128xf32, #tpu.memory_space<vmem>>) offsets(%dma_start3A_217 : memref<128xi32, #tpu.memory_space<vmem>>) semaphore(%arg10 : memref<!tpu.dma_semaphore, #tpu.memory_space<semaphore_mem>>)
        } else {
        }
      }
      %scan3A_112 = arith.constant 4 : i32
      %dma_wait3A = arith.constant 1 : i32
      %dma_wait3A_113 = arith.constant 7 : i32
      %dma_wait3A_114 = arith.constant 0 : i32
      %dma_wait3A_115 = arith.constant 0 : i32
      %dma_wait3A_116 = tpu.memref_slice %arg8[%dma_wait3A, %dma_wait3A_114, %dma_wait3A_115] : memref<2x128x128xf32, #tpu.memory_space<vmem>> -> memref<1x128x128xf32, #tpu.memory_space<vmem>>
      %dma_wait3A_117 = tpu.memref_squeeze %dma_wait3A_116 : memref<1x128x128xf32, #tpu.memory_space<vmem>> -> memref<128x128xf32, #tpu.memory_space<vmem>>
      %dma_wait3A_118 = arith.constant 0 : i32
      %dma_wait3A_119 = tpu.memref_slice %arg7[%dma_wait3A_113, %dma_wait3A_118] : memref<8x128xi32, #tpu.memory_space<vmem>> -> memref<1x128xi32, #tpu.memory_space<vmem>>
      %dma_wait3A_120 = tpu.memref_squeeze %dma_wait3A_119 : memref<1x128xi32, #tpu.memory_space<vmem>> -> memref<128xi32, #tpu.memory_space<vmem>>
      %dma_wait3A_121 = arith.constant 0 : i32
      %dma_wait3A_122 = arith.constant 0 : i32
      %dma_wait3A_123 = tpu.memref_slice %arg9[%dma_wait3A_121, %dma_wait3A_122] : memref<10112x128xf32, #tpu.memory_space<vmem_shared>> -> memref<10112x128xf32, #tpu.memory_space<vmem_shared>>
      tpu.wait_indirect_dma semaphore(%arg13 : memref<!tpu.dma_semaphore, #tpu.memory_space<semaphore_mem>>) src(%dma_wait3A_117 : memref<128x128xf32, #tpu.memory_space<vmem>>) dst(%dma_wait3A_123 : memref<10112x128xf32, #tpu.memory_space<vmem_shared>>)
    }
    %scan3A_48 = arith.constant 10 : i32
    %barrier3A_49 = arith.constant 0 : index
    tpu.barrier barrier_id(%barrier3A_49)
    %add3A_50 = arith.constant 0 : i32
    %add3A_51 = arith.addi %arg1, %add3A_50 : i32
    %lt3A_52 = arith.constant 79 : i32
    %lt3A_53 = arith.cmpi slt, %add3A_51, %lt3A_52 : i32
    %convert_element_type3A_54 = arith.extui %lt3A_53 : i1 to i32
    %cond3A_55 = arith.constant 0 : i32
    %cond3A_56 = arith.cmpi ne, %convert_element_type3A_54, %cond3A_55 : i32
    scf.if %cond3A_56 {
      %mul3A_85 = arith.constant 128 : i32
      %mul3A_86 = arith.muli %add3A_51, %mul3A_85 : i32
      %mul3A_87 = arith.constant 128 : i32
      %mul3A_88 = arith.muli %add3A_51, %mul3A_87 : i32
      "tpu.region"() ({
        %run_scoped3A = tpu.sem_alloc : memref<!tpu.dma_semaphore, #tpu.memory_space<semaphore_mem>>
        %dma_start3A = arith.constant 0 : i32
        %dma_start3A_89 = arith.constant 0 : i32
        %dma_start3A_90 = tpu.memref_slice %arg5[%arg0, %dma_start3A, %dma_start3A_89] : memref<2x10112x128xf32, #tpu.memory_space<hbm>> -> memref<1x10112x128xf32, #tpu.memory_space<hbm>>
        %dma_start3A_91 = tpu.memref_squeeze %dma_start3A_90 : memref<1x10112x128xf32, #tpu.memory_space<hbm>> -> memref<10112x128xf32, #tpu.memory_space<hbm>>
        %dma_start3A_92 = arith.constant 0 : i32
        %dma_start3A_93 = tpu.memref_slice %dma_start3A_91[%mul3A_88, %dma_start3A_92] : memref<10112x128xf32, #tpu.memory_space<hbm>> -> memref<128x128xf32, #tpu.memory_space<hbm>>
        %dma_start3A_94 = arith.constant 0 : i32
        %dma_start3A_95 = tpu.memref_slice %arg9[%mul3A_86, %dma_start3A_94] : memref<10112x128xf32, #tpu.memory_space<vmem_shared>> -> memref<128x128xf32, #tpu.memory_space<vmem_shared>>
        tpu.enqueue_dma source(%dma_start3A_95 : memref<128x128xf32, #tpu.memory_space<vmem_shared>>) target(%dma_start3A_93 : memref<128x128xf32, #tpu.memory_space<hbm>>) target_semaphore(%run_scoped3A : memref<!tpu.dma_semaphore, #tpu.memory_space<semaphore_mem>>)
        %dma_wait3A = arith.constant 0 : i32
        %dma_wait3A_96 = arith.constant 0 : i32
        %dma_wait3A_97 = tpu.memref_slice %arg5[%arg0, %dma_wait3A, %dma_wait3A_96] : memref<2x10112x128xf32, #tpu.memory_space<hbm>> -> memref<1x10112x128xf32, #tpu.memory_space<hbm>>
        %dma_wait3A_98 = tpu.memref_squeeze %dma_wait3A_97 : memref<1x10112x128xf32, #tpu.memory_space<hbm>> -> memref<10112x128xf32, #tpu.memory_space<hbm>>
        %dma_wait3A_99 = arith.constant 0 : i32
        %dma_wait3A_100 = tpu.memref_slice %dma_wait3A_98[%mul3A_88, %dma_wait3A_99] : memref<10112x128xf32, #tpu.memory_space<hbm>> -> memref<128x128xf32, #tpu.memory_space<hbm>>
        %dma_wait3A_101 = arith.constant 0 : i32
        %dma_wait3A_102 = tpu.memref_slice %arg9[%mul3A_86, %dma_wait3A_101] : memref<10112x128xf32, #tpu.memory_space<vmem_shared>> -> memref<128x128xf32, #tpu.memory_space<vmem_shared>>
        tpu.wait_dma2 semaphore(%run_scoped3A : memref<!tpu.dma_semaphore, #tpu.memory_space<semaphore_mem>>) src(%dma_wait3A_102 : memref<128x128xf32, #tpu.memory_space<vmem_shared>>) dst(%dma_wait3A_100 : memref<128x128xf32, #tpu.memory_space<hbm>>)
        tpu.yield
      }) : () -> ()
    } else {
    }
    %add3A_57 = arith.constant 16 : i32
    %add3A_58 = arith.addi %arg1, %add3A_57 : i32
    %lt3A_59 = arith.constant 79 : i32
    %lt3A_60 = arith.cmpi slt, %add3A_58, %lt3A_59 : i32
    %convert_element_type3A_61 = arith.extui %lt3A_60 : i1 to i32
    %cond3A_62 = arith.constant 0 : i32
    %cond3A_63 = arith.cmpi ne, %convert_element_type3A_61, %cond3A_62 : i32
    scf.if %cond3A_63 {
      %mul3A_85 = arith.constant 128 : i32
      %mul3A_86 = arith.muli %add3A_58, %mul3A_85 : i32
      %mul3A_87 = arith.constant 128 : i32
      %mul3A_88 = arith.muli %add3A_58, %mul3A_87 : i32
      "tpu.region"() ({
        %run_scoped3A = tpu.sem_alloc : memref<!tpu.dma_semaphore, #tpu.memory_space<semaphore_mem>>
        %dma_start3A = arith.constant 0 : i32
        %dma_start3A_89 = arith.constant 0 : i32
        %dma_start3A_90 = tpu.memref_slice %arg5[%arg0, %dma_start3A, %dma_start3A_89] : memref<2x10112x128xf32, #tpu.memory_space<hbm>> -> memref<1x10112x128xf32, #tpu.memory_space<hbm>>
        %dma_start3A_91 = tpu.memref_squeeze %dma_start3A_90 : memref<1x10112x128xf32, #tpu.memory_space<hbm>> -> memref<10112x128xf32, #tpu.memory_space<hbm>>
        %dma_start3A_92 = arith.constant 0 : i32
        %dma_start3A_93 = tpu.memref_slice %dma_start3A_91[%mul3A_88, %dma_start3A_92] : memref<10112x128xf32, #tpu.memory_space<hbm>> -> memref<128x128xf32, #tpu.memory_space<hbm>>
        %dma_start3A_94 = arith.constant 0 : i32
        %dma_start3A_95 = tpu.memref_slice %arg9[%mul3A_86, %dma_start3A_94] : memref<10112x128xf32, #tpu.memory_space<vmem_shared>> -> memref<128x128xf32, #tpu.memory_space<vmem_shared>>
        tpu.enqueue_dma source(%dma_start3A_95 : memref<128x128xf32, #tpu.memory_space<vmem_shared>>) target(%dma_start3A_93 : memref<128x128xf32, #tpu.memory_space<hbm>>) target_semaphore(%run_scoped3A : memref<!tpu.dma_semaphore, #tpu.memory_space<semaphore_mem>>)
        %dma_wait3A = arith.constant 0 : i32
        %dma_wait3A_96 = arith.constant 0 : i32
        %dma_wait3A_97 = tpu.memref_slice %arg5[%arg0, %dma_wait3A, %dma_wait3A_96] : memref<2x10112x128xf32, #tpu.memory_space<hbm>> -> memref<1x10112x128xf32, #tpu.memory_space<hbm>>
        %dma_wait3A_98 = tpu.memref_squeeze %dma_wait3A_97 : memref<1x10112x128xf32, #tpu.memory_space<hbm>> -> memref<10112x128xf32, #tpu.memory_space<hbm>>
        %dma_wait3A_99 = arith.constant 0 : i32
        %dma_wait3A_100 = tpu.memref_slice %dma_wait3A_98[%mul3A_88, %dma_wait3A_99] : memref<10112x128xf32, #tpu.memory_space<hbm>> -> memref<128x128xf32, #tpu.memory_space<hbm>>
        %dma_wait3A_101 = arith.constant 0 : i32
        %dma_wait3A_102 = tpu.memref_slice %arg9[%mul3A_86, %dma_wait3A_101] : memref<10112x128xf32, #tpu.memory_space<vmem_shared>> -> memref<128x128xf32, #tpu.memory_space<vmem_shared>>
        tpu.wait_dma2 semaphore(%run_scoped3A : memref<!tpu.dma_semaphore, #tpu.memory_space<semaphore_mem>>) src(%dma_wait3A_102 : memref<128x128xf32, #tpu.memory_space<vmem_shared>>) dst(%dma_wait3A_100 : memref<128x128xf32, #tpu.memory_space<hbm>>)
        tpu.yield
      }) : () -> ()
    } else {
    }
    %add3A_64 = arith.constant 32 : i32
    %add3A_65 = arith.addi %arg1, %add3A_64 : i32
    %lt3A_66 = arith.constant 79 : i32
    %lt3A_67 = arith.cmpi slt, %add3A_65, %lt3A_66 : i32
    %convert_element_type3A_68 = arith.extui %lt3A_67 : i1 to i32
    %cond3A_69 = arith.constant 0 : i32
    %cond3A_70 = arith.cmpi ne, %convert_element_type3A_68, %cond3A_69 : i32
    scf.if %cond3A_70 {
      %mul3A_85 = arith.constant 128 : i32
      %mul3A_86 = arith.muli %add3A_65, %mul3A_85 : i32
      %mul3A_87 = arith.constant 128 : i32
      %mul3A_88 = arith.muli %add3A_65, %mul3A_87 : i32
      "tpu.region"() ({
        %run_scoped3A = tpu.sem_alloc : memref<!tpu.dma_semaphore, #tpu.memory_space<semaphore_mem>>
        %dma_start3A = arith.constant 0 : i32
        %dma_start3A_89 = arith.constant 0 : i32
        %dma_start3A_90 = tpu.memref_slice %arg5[%arg0, %dma_start3A, %dma_start3A_89] : memref<2x10112x128xf32, #tpu.memory_space<hbm>> -> memref<1x10112x128xf32, #tpu.memory_space<hbm>>
        %dma_start3A_91 = tpu.memref_squeeze %dma_start3A_90 : memref<1x10112x128xf32, #tpu.memory_space<hbm>> -> memref<10112x128xf32, #tpu.memory_space<hbm>>
        %dma_start3A_92 = arith.constant 0 : i32
        %dma_start3A_93 = tpu.memref_slice %dma_start3A_91[%mul3A_88, %dma_start3A_92] : memref<10112x128xf32, #tpu.memory_space<hbm>> -> memref<128x128xf32, #tpu.memory_space<hbm>>
        %dma_start3A_94 = arith.constant 0 : i32
        %dma_start3A_95 = tpu.memref_slice %arg9[%mul3A_86, %dma_start3A_94] : memref<10112x128xf32, #tpu.memory_space<vmem_shared>> -> memref<128x128xf32, #tpu.memory_space<vmem_shared>>
        tpu.enqueue_dma source(%dma_start3A_95 : memref<128x128xf32, #tpu.memory_space<vmem_shared>>) target(%dma_start3A_93 : memref<128x128xf32, #tpu.memory_space<hbm>>) target_semaphore(%run_scoped3A : memref<!tpu.dma_semaphore, #tpu.memory_space<semaphore_mem>>)
        %dma_wait3A = arith.constant 0 : i32
        %dma_wait3A_96 = arith.constant 0 : i32
        %dma_wait3A_97 = tpu.memref_slice %arg5[%arg0, %dma_wait3A, %dma_wait3A_96] : memref<2x10112x128xf32, #tpu.memory_space<hbm>> -> memref<1x10112x128xf32, #tpu.memory_space<hbm>>
        %dma_wait3A_98 = tpu.memref_squeeze %dma_wait3A_97 : memref<1x10112x128xf32, #tpu.memory_space<hbm>> -> memref<10112x128xf32, #tpu.memory_space<hbm>>
        %dma_wait3A_99 = arith.constant 0 : i32
        %dma_wait3A_100 = tpu.memref_slice %dma_wait3A_98[%mul3A_88, %dma_wait3A_99] : memref<10112x128xf32, #tpu.memory_space<hbm>> -> memref<128x128xf32, #tpu.memory_space<hbm>>
        %dma_wait3A_101 = arith.constant 0 : i32
        %dma_wait3A_102 = tpu.memref_slice %arg9[%mul3A_86, %dma_wait3A_101] : memref<10112x128xf32, #tpu.memory_space<vmem_shared>> -> memref<128x128xf32, #tpu.memory_space<vmem_shared>>
        tpu.wait_dma2 semaphore(%run_scoped3A : memref<!tpu.dma_semaphore, #tpu.memory_space<semaphore_mem>>) src(%dma_wait3A_102 : memref<128x128xf32, #tpu.memory_space<vmem_shared>>) dst(%dma_wait3A_100 : memref<128x128xf32, #tpu.memory_space<hbm>>)
        tpu.yield
      }) : () -> ()
    } else {
    }
    %add3A_71 = arith.constant 48 : i32
    %add3A_72 = arith.addi %arg1, %add3A_71 : i32
    %lt3A_73 = arith.constant 79 : i32
    %lt3A_74 = arith.cmpi slt, %add3A_72, %lt3A_73 : i32
    %convert_element_type3A_75 = arith.extui %lt3A_74 : i1 to i32
    %cond3A_76 = arith.constant 0 : i32
    %cond3A_77 = arith.cmpi ne, %convert_element_type3A_75, %cond3A_76 : i32
    scf.if %cond3A_77 {
      %mul3A_85 = arith.constant 128 : i32
      %mul3A_86 = arith.muli %add3A_72, %mul3A_85 : i32
      %mul3A_87 = arith.constant 128 : i32
      %mul3A_88 = arith.muli %add3A_72, %mul3A_87 : i32
      "tpu.region"() ({
        %run_scoped3A = tpu.sem_alloc : memref<!tpu.dma_semaphore, #tpu.memory_space<semaphore_mem>>
        %dma_start3A = arith.constant 0 : i32
        %dma_start3A_89 = arith.constant 0 : i32
        %dma_start3A_90 = tpu.memref_slice %arg5[%arg0, %dma_start3A, %dma_start3A_89] : memref<2x10112x128xf32, #tpu.memory_space<hbm>> -> memref<1x10112x128xf32, #tpu.memory_space<hbm>>
        %dma_start3A_91 = tpu.memref_squeeze %dma_start3A_90 : memref<1x10112x128xf32, #tpu.memory_space<hbm>> -> memref<10112x128xf32, #tpu.memory_space<hbm>>
        %dma_start3A_92 = arith.constant 0 : i32
        %dma_start3A_93 = tpu.memref_slice %dma_start3A_91[%mul3A_88, %dma_start3A_92] : memref<10112x128xf32, #tpu.memory_space<hbm>> -> memref<128x128xf32, #tpu.memory_space<hbm>>
        %dma_start3A_94 = arith.constant 0 : i32
        %dma_start3A_95 = tpu.memref_slice %arg9[%mul3A_86, %dma_start3A_94] : memref<10112x128xf32, #tpu.memory_space<vmem_shared>> -> memref<128x128xf32, #tpu.memory_space<vmem_shared>>
        tpu.enqueue_dma source(%dma_start3A_95 : memref<128x128xf32, #tpu.memory_space<vmem_shared>>) target(%dma_start3A_93 : memref<128x128xf32, #tpu.memory_space<hbm>>) target_semaphore(%run_scoped3A : memref<!tpu.dma_semaphore, #tpu.memory_space<semaphore_mem>>)
        %dma_wait3A = arith.constant 0 : i32
        %dma_wait3A_96 = arith.constant 0 : i32
        %dma_wait3A_97 = tpu.memref_slice %arg5[%arg0, %dma_wait3A, %dma_wait3A_96] : memref<2x10112x128xf32, #tpu.memory_space<hbm>> -> memref<1x10112x128xf32, #tpu.memory_space<hbm>>
        %dma_wait3A_98 = tpu.memref_squeeze %dma_wait3A_97 : memref<1x10112x128xf32, #tpu.memory_space<hbm>> -> memref<10112x128xf32, #tpu.memory_space<hbm>>
        %dma_wait3A_99 = arith.constant 0 : i32
        %dma_wait3A_100 = tpu.memref_slice %dma_wait3A_98[%mul3A_88, %dma_wait3A_99] : memref<10112x128xf32, #tpu.memory_space<hbm>> -> memref<128x128xf32, #tpu.memory_space<hbm>>
        %dma_wait3A_101 = arith.constant 0 : i32
        %dma_wait3A_102 = tpu.memref_slice %arg9[%mul3A_86, %dma_wait3A_101] : memref<10112x128xf32, #tpu.memory_space<vmem_shared>> -> memref<128x128xf32, #tpu.memory_space<vmem_shared>>
        tpu.wait_dma2 semaphore(%run_scoped3A : memref<!tpu.dma_semaphore, #tpu.memory_space<semaphore_mem>>) src(%dma_wait3A_102 : memref<128x128xf32, #tpu.memory_space<vmem_shared>>) dst(%dma_wait3A_100 : memref<128x128xf32, #tpu.memory_space<hbm>>)
        tpu.yield
      }) : () -> ()
    } else {
    }
    %add3A_78 = arith.constant 64 : i32
    %add3A_79 = arith.addi %arg1, %add3A_78 : i32
    %lt3A_80 = arith.constant 79 : i32
    %lt3A_81 = arith.cmpi slt, %add3A_79, %lt3A_80 : i32
    %convert_element_type3A_82 = arith.extui %lt3A_81 : i1 to i32
    %cond3A_83 = arith.constant 0 : i32
    %cond3A_84 = arith.cmpi ne, %convert_element_type3A_82, %cond3A_83 : i32
    scf.if %cond3A_84 {
      %mul3A_85 = arith.constant 128 : i32
      %mul3A_86 = arith.muli %add3A_79, %mul3A_85 : i32
      %mul3A_87 = arith.constant 128 : i32
      %mul3A_88 = arith.muli %add3A_79, %mul3A_87 : i32
      "tpu.region"() ({
        %run_scoped3A = tpu.sem_alloc : memref<!tpu.dma_semaphore, #tpu.memory_space<semaphore_mem>>
        %dma_start3A = arith.constant 0 : i32
        %dma_start3A_89 = arith.constant 0 : i32
        %dma_start3A_90 = tpu.memref_slice %arg5[%arg0, %dma_start3A, %dma_start3A_89] : memref<2x10112x128xf32, #tpu.memory_space<hbm>> -> memref<1x10112x128xf32, #tpu.memory_space<hbm>>
        %dma_start3A_91 = tpu.memref_squeeze %dma_start3A_90 : memref<1x10112x128xf32, #tpu.memory_space<hbm>> -> memref<10112x128xf32, #tpu.memory_space<hbm>>
        %dma_start3A_92 = arith.constant 0 : i32
        %dma_start3A_93 = tpu.memref_slice %dma_start3A_91[%mul3A_88, %dma_start3A_92] : memref<10112x128xf32, #tpu.memory_space<hbm>> -> memref<128x128xf32, #tpu.memory_space<hbm>>
        %dma_start3A_94 = arith.constant 0 : i32
        %dma_start3A_95 = tpu.memref_slice %arg9[%mul3A_86, %dma_start3A_94] : memref<10112x128xf32, #tpu.memory_space<vmem_shared>> -> memref<128x128xf32, #tpu.memory_space<vmem_shared>>
        tpu.enqueue_dma source(%dma_start3A_95 : memref<128x128xf32, #tpu.memory_space<vmem_shared>>) target(%dma_start3A_93 : memref<128x128xf32, #tpu.memory_space<hbm>>) target_semaphore(%run_scoped3A : memref<!tpu.dma_semaphore, #tpu.memory_space<semaphore_mem>>)
        %dma_wait3A = arith.constant 0 : i32
        %dma_wait3A_96 = arith.constant 0 : i32
        %dma_wait3A_97 = tpu.memref_slice %arg5[%arg0, %dma_wait3A, %dma_wait3A_96] : memref<2x10112x128xf32, #tpu.memory_space<hbm>> -> memref<1x10112x128xf32, #tpu.memory_space<hbm>>
        %dma_wait3A_98 = tpu.memref_squeeze %dma_wait3A_97 : memref<1x10112x128xf32, #tpu.memory_space<hbm>> -> memref<10112x128xf32, #tpu.memory_space<hbm>>
        %dma_wait3A_99 = arith.constant 0 : i32
        %dma_wait3A_100 = tpu.memref_slice %dma_wait3A_98[%mul3A_88, %dma_wait3A_99] : memref<10112x128xf32, #tpu.memory_space<hbm>> -> memref<128x128xf32, #tpu.memory_space<hbm>>
        %dma_wait3A_101 = arith.constant 0 : i32
        %dma_wait3A_102 = tpu.memref_slice %arg9[%mul3A_86, %dma_wait3A_101] : memref<10112x128xf32, #tpu.memory_space<vmem_shared>> -> memref<128x128xf32, #tpu.memory_space<vmem_shared>>
        tpu.wait_dma2 semaphore(%run_scoped3A : memref<!tpu.dma_semaphore, #tpu.memory_space<semaphore_mem>>) src(%dma_wait3A_102 : memref<128x128xf32, #tpu.memory_space<vmem_shared>>) dst(%dma_wait3A_100 : memref<128x128xf32, #tpu.memory_space<hbm>>)
        tpu.yield
      }) : () -> ()
    } else {
    }
    return
  }
}

module attributes {stable_mosaic.version = 14 : i64} {
  func.func @_mm1_body(%arg0: i32, %arg1: memref<1000x256xf32, #tpu.memory_space<vmem>>, %arg2: memref<1000x1xf32, #tpu.memory_space<vmem>>, %arg3: memref<256x256xf32, #tpu.memory_space<vmem>>, %arg4: memref<2x1000x128xf32, #tpu.memory_space<vmem>>) attributes {dimension_semantics = [#tpu.dimension_semantics<arbitrary>], iteration_bounds = array<i64: 10>, scalar_prefetch = 0 : i64, scratch_operands = 0 : i64, tpu.core_type = #tpu.core_type<tc>, window_params = [{transform_indices = @transform_0, window_bounds = array<i64: 1000, 256>}, {transform_indices = @transform_1, window_bounds = array<i64: 1000, 1>}, {pipeline_mode = #tpu.pipeline_mode<synchronous>, transform_indices = @transform_2, window_bounds = array<i64: 256, 256>}, {transform_indices = @transform_3, window_bounds = array<i64: 2, 1000, 128>}]} {
    %get3A = arith.constant 0 : index
    %get3A_0 = arith.constant 0 : index
    %get3A_1 = vector.load %arg2[%get3A, %get3A_0] : memref<1000x1xf32, #tpu.memory_space<vmem>>, vector<1000x1xf32>
    %max3A = arith.constant 1.000000e+00 : f32
    %max3A_2 = vector.broadcast %max3A : f32 to vector<1000x1xf32>
    %max3A_3 = arith.maximumf %get3A_1, %max3A_2 : vector<1000x1xf32>
    %rsqrt3A = math.rsqrt %max3A_3 : vector<1000x1xf32>
    %get3A_4 = arith.constant 0 : index
    %get3A_5 = arith.constant 0 : index
    %get3A_6 = vector.load %arg1[%get3A_4, %get3A_5] : memref<1000x256xf32, #tpu.memory_space<vmem>>, vector<1000x256xf32>
    %mul3A = vector.broadcast %rsqrt3A : vector<1000x1xf32> to vector<1000x256xf32>
    %mul3A_7 = arith.mulf %get3A_6, %mul3A : vector<1000x256xf32>
    %get3A_8 = arith.constant 0 : index
    %get3A_9 = arith.constant 0 : index
    %get3A_10 = vector.load %arg3[%get3A_8, %get3A_9] : memref<256x256xf32, #tpu.memory_space<vmem>>, vector<256x128xf32>
    %dot_general3A = arith.constant dense<0.000000e+00> : vector<1000x128xf32>
    %dot_general3A_11 = tpu.matmul %mul3A_7, %get3A_10, %dot_general3A {dimension_numbers = #tpu.dot_dimension_numbers<[1], [0], [0], [1], [0, 0, 1, 1], [], []>, transpose_lhs_hint = false} : vector<1000x256xf32>, vector<256x128xf32>, vector<1000x128xf32> -> vector<1000x128xf32>
    %swap3A = arith.constant 0 : index
    %swap3A_12 = arith.constant 0 : index
    %swap3A_13 = arith.constant 0 : index
    %swap3A_14 = vector.load %arg4[%swap3A, %swap3A_12, %swap3A_13] : memref<2x1000x128xf32, #tpu.memory_space<vmem>>, vector<1x1000x128xf32>
    %swap3A_15 = vector.shape_cast %swap3A_14 : vector<1x1000x128xf32> to vector<1000x128xf32>
    %swap3A_16 = vector.shape_cast %dot_general3A_11 : vector<1000x128xf32> to vector<1x1000x128xf32>
    tpu.vector_store %arg4[%swap3A, %swap3A_12, %swap3A_13], %swap3A_16 {strides = array<i32>} : memref<2x1000x128xf32, #tpu.memory_space<vmem>>, vector<1x1000x128xf32>,
    %get3A_17 = arith.constant 0 : index
    %get3A_18 = arith.constant 128 : index
    %get3A_19 = vector.load %arg3[%get3A_17, %get3A_18] : memref<256x256xf32, #tpu.memory_space<vmem>>, vector<256x128xf32>
    %dot_general3A_20 = arith.constant dense<0.000000e+00> : vector<1000x128xf32>
    %dot_general3A_21 = tpu.matmul %mul3A_7, %get3A_19, %dot_general3A_20 {dimension_numbers = #tpu.dot_dimension_numbers<[1], [0], [0], [1], [0, 0, 1, 1], [], []>, transpose_lhs_hint = false} : vector<1000x256xf32>, vector<256x128xf32>, vector<1000x128xf32> -> vector<1000x128xf32>
    %swap3A_22 = arith.constant 1 : index
    %swap3A_23 = arith.constant 0 : index
    %swap3A_24 = arith.constant 0 : index
    %swap3A_25 = vector.load %arg4[%swap3A_22, %swap3A_23, %swap3A_24] : memref<2x1000x128xf32, #tpu.memory_space<vmem>>, vector<1x1000x128xf32>
    %swap3A_26 = vector.shape_cast %swap3A_25 : vector<1x1000x128xf32> to vector<1000x128xf32>
    %swap3A_27 = vector.shape_cast %dot_general3A_21 : vector<1000x128xf32> to vector<1x1000x128xf32>
    tpu.vector_store %arg4[%swap3A_22, %swap3A_23, %swap3A_24], %swap3A_27 {strides = array<i32>} : memref<2x1000x128xf32, #tpu.memory_space<vmem>>, vector<1x1000x128xf32>,
    return
  }
  func.func @transform_0(%arg0: i32) -> (i32, i32) {
    %c0_i32 = arith.constant 0 : i32
    %c0_i32_0 = arith.constant 0 : i32
    return %arg0, %c0_i32 : i32, i32
  }
  func.func @transform_1(%arg0: i32) -> (i32, i32) {
    %c0_i32 = arith.constant 0 : i32
    %c0_i32_0 = arith.constant 0 : i32
    return %arg0, %c0_i32 : i32, i32
  }
  func.func @transform_2(%arg0: i32) -> (i32, i32) {
    %c0_i32 = arith.constant 0 : i32
    %c0_i32_0 = arith.constant 0 : i32
    %c0_i32_1 = arith.constant 0 : i32
    return %c0_i32, %c0_i32_0 : i32, i32
  }
  func.func @transform_3(%arg0: i32) -> (i32, i32, i32) {
    %c0_i32 = arith.constant 0 : i32
    %c0_i32_0 = arith.constant 0 : i32
    %c0_i32_1 = arith.constant 0 : i32
    return %c0_i32, %arg0, %c0_i32_0 : i32, i32, i32
  }
}

module attributes {stable_mosaic.version = 14 : i64} {
  func.func @_mm2_body(%arg0: i32, %arg1: memref<2x1000x128xf32, #tpu.memory_space<vmem>>, %arg2: memref<1000x1xf32, #tpu.memory_space<vmem>>, %arg3: memref<1000x1xf32, #tpu.memory_space<vmem>>, %arg4: memref<256x128xf32, #tpu.memory_space<vmem>>, %arg5: memref<1000x128xf32, #tpu.memory_space<vmem>>) attributes {dimension_semantics = [#tpu.dimension_semantics<arbitrary>], iteration_bounds = array<i64: 10>, scalar_prefetch = 0 : i64, scratch_operands = 0 : i64, tpu.core_type = #tpu.core_type<tc>, window_params = [{transform_indices = @transform_0, window_bounds = array<i64: 2, 1000, 128>}, {transform_indices = @transform_1, window_bounds = array<i64: 1000, 1>}, {transform_indices = @transform_2, window_bounds = array<i64: 1000, 1>}, {pipeline_mode = #tpu.pipeline_mode<synchronous>, transform_indices = @transform_3, window_bounds = array<i64: 256, 128>}, {transform_indices = @transform_4, window_bounds = array<i64: 1000, 128>}]} {
    %get3A = arith.constant 0 : index
    %get3A_0 = arith.constant 0 : index
    %get3A_1 = vector.load %arg2[%get3A, %get3A_0] : memref<1000x1xf32, #tpu.memory_space<vmem>>, vector<1000x1xf32>
    %max3A = arith.constant 1.000000e+00 : f32
    %max3A_2 = vector.broadcast %max3A : f32 to vector<1000x1xf32>
    %max3A_3 = arith.maximumf %get3A_1, %max3A_2 : vector<1000x1xf32>
    %rsqrt3A = math.rsqrt %max3A_3 : vector<1000x1xf32>
    %get3A_4 = arith.constant 0 : index
    %get3A_5 = arith.constant 0 : index
    %get3A_6 = vector.load %arg3[%get3A_4, %get3A_5] : memref<1000x1xf32, #tpu.memory_space<vmem>>, vector<1000x1xf32>
    %max3A_7 = arith.constant 1.000000e+00 : f32
    %max3A_8 = vector.broadcast %max3A_7 : f32 to vector<1000x1xf32>
    %max3A_9 = arith.maximumf %get3A_6, %max3A_8 : vector<1000x1xf32>
    %rsqrt3A_10 = math.rsqrt %max3A_9 : vector<1000x1xf32>
    %mul3A = arith.mulf %rsqrt3A, %rsqrt3A_10 : vector<1000x1xf32>
    %get3A_11 = arith.constant 0 : index
    %get3A_12 = arith.constant 0 : index
    %get3A_13 = arith.constant 0 : index
    %get3A_14 = vector.load %arg1[%get3A_11, %get3A_12, %get3A_13] : memref<2x1000x128xf32, #tpu.memory_space<vmem>>, vector<1x1000x128xf32>
    %get3A_15 = vector.shape_cast %get3A_14 : vector<1x1000x128xf32> to vector<1000x128xf32>
    %max3A_16 = arith.constant 0.000000e+00 : f32
    %max3A_17 = vector.broadcast %max3A_16 : f32 to vector<1000x128xf32>
    %max3A_18 = arith.maximumf %get3A_15, %max3A_17 : vector<1000x128xf32>
    %mul3A_19 = vector.broadcast %mul3A : vector<1000x1xf32> to vector<1000x128xf32>
    %mul3A_20 = arith.mulf %max3A_18, %mul3A_19 : vector<1000x128xf32>
    %get3A_21 = arith.constant 1 : index
    %get3A_22 = arith.constant 0 : index
    %get3A_23 = arith.constant 0 : index
    %get3A_24 = vector.load %arg1[%get3A_21, %get3A_22, %get3A_23] : memref<2x1000x128xf32, #tpu.memory_space<vmem>>, vector<1x1000x128xf32>
    %get3A_25 = vector.shape_cast %get3A_24 : vector<1x1000x128xf32> to vector<1000x128xf32>
    %max3A_26 = arith.constant 0.000000e+00 : f32
    %max3A_27 = vector.broadcast %max3A_26 : f32 to vector<1000x128xf32>
    %max3A_28 = arith.maximumf %get3A_25, %max3A_27 : vector<1000x128xf32>
    %mul3A_29 = vector.broadcast %mul3A : vector<1000x1xf32> to vector<1000x128xf32>
    %mul3A_30 = arith.mulf %max3A_28, %mul3A_29 : vector<1000x128xf32>
    %get3A_31 = arith.constant 0 : index
    %get3A_32 = arith.constant 0 : index
    %get3A_33 = vector.load %arg4[%get3A_31, %get3A_32] : memref<256x128xf32, #tpu.memory_space<vmem>>, vector<128x128xf32>
    %dot_general3A = arith.constant dense<0.000000e+00> : vector<1000x128xf32>
    %dot_general3A_34 = tpu.matmul %mul3A_20, %get3A_33, %dot_general3A {dimension_numbers = #tpu.dot_dimension_numbers<[1], [0], [0], [1], [0, 0, 1, 1], [], []>, transpose_lhs_hint = false} : vector<1000x128xf32>, vector<128x128xf32>, vector<1000x128xf32> -> vector<1000x128xf32>
    %get3A_35 = arith.constant 128 : index
    %get3A_36 = arith.constant 0 : index
    %get3A_37 = vector.load %arg4[%get3A_35, %get3A_36] : memref<256x128xf32, #tpu.memory_space<vmem>>, vector<128x128xf32>
    %dot_general3A_38 = arith.constant dense<0.000000e+00> : vector<1000x128xf32>
    %dot_general3A_39 = tpu.matmul %mul3A_30, %get3A_37, %dot_general3A_38 {dimension_numbers = #tpu.dot_dimension_numbers<[1], [0], [0], [1], [0, 0, 1, 1], [], []>, transpose_lhs_hint = false} : vector<1000x128xf32>, vector<128x128xf32>, vector<1000x128xf32> -> vector<1000x128xf32>
    %add3A = arith.addf %dot_general3A_34, %dot_general3A_39 : vector<1000x128xf32>
    %swap3A = arith.constant 0 : index
    %swap3A_40 = arith.constant 0 : index
    %swap3A_41 = vector.load %arg5[%swap3A, %swap3A_40] : memref<1000x128xf32, #tpu.memory_space<vmem>>, vector<1000x128xf32>
    tpu.vector_store %arg5[%swap3A, %swap3A_40], %add3A {strides = array<i32>} : memref<1000x128xf32, #tpu.memory_space<vmem>>, vector<1000x128xf32>,
    return
  }
  func.func @transform_0(%arg0: i32) -> (i32, i32, i32) {
    %c0_i32 = arith.constant 0 : i32
    %c0_i32_0 = arith.constant 0 : i32
    %c0_i32_1 = arith.constant 0 : i32
    return %c0_i32, %arg0, %c0_i32_0 : i32, i32, i32
  }
  func.func @transform_1(%arg0: i32) -> (i32, i32) {
    %c0_i32 = arith.constant 0 : i32
    %c0_i32_0 = arith.constant 0 : i32
    return %arg0, %c0_i32 : i32, i32
  }
  func.func @transform_2(%arg0: i32) -> (i32, i32) {
    %c0_i32 = arith.constant 0 : i32
    %c0_i32_0 = arith.constant 0 : i32
    return %arg0, %c0_i32 : i32, i32
  }
  func.func @transform_3(%arg0: i32) -> (i32, i32) {
    %c0_i32 = arith.constant 0 : i32
    %c0_i32_0 = arith.constant 0 : i32
    %c0_i32_1 = arith.constant 0 : i32
    return %c0_i32, %c0_i32_0 : i32, i32
  }
  func.func @transform_4(%arg0: i32) -> (i32, i32) {
    %c0_i32 = arith.constant 0 : i32
    %c0_i32_0 = arith.constant 0 : i32
    return %arg0, %c0_i32 : i32, i32
  }
}

module attributes {stable_mosaic.version = 14 : i64} {
  func.func @_fin_body(%arg0: i32, %arg1: memref<2x1000x128xf32, #tpu.memory_space<vmem>>, %arg2: memref<1000x1xf32, #tpu.memory_space<vmem>>, %arg3: memref<1000x128xf32, #tpu.memory_space<vmem>>) attributes {dimension_semantics = [#tpu.dimension_semantics<arbitrary>], iteration_bounds = array<i64: 10>, scalar_prefetch = 0 : i64, scratch_operands = 0 : i64, tpu.core_type = #tpu.core_type<tc>, window_params = [{transform_indices = @transform_0, window_bounds = array<i64: 2, 1000, 128>}, {transform_indices = @transform_1, window_bounds = array<i64: 1000, 1>}, {transform_indices = @transform_2, window_bounds = array<i64: 1000, 128>}]} {
    %get3A = arith.constant 0 : index
    %get3A_0 = arith.constant 0 : index
    %get3A_1 = vector.load %arg2[%get3A, %get3A_0] : memref<1000x1xf32, #tpu.memory_space<vmem>>, vector<1000x1xf32>
    %max3A = arith.constant 1.000000e+00 : f32
    %max3A_2 = vector.broadcast %max3A : f32 to vector<1000x1xf32>
    %max3A_3 = arith.maximumf %get3A_1, %max3A_2 : vector<1000x1xf32>
    %rsqrt3A = math.rsqrt %max3A_3 : vector<1000x1xf32>
    %get3A_4 = arith.constant 0 : index
    %get3A_5 = arith.constant 0 : index
    %get3A_6 = arith.constant 0 : index
    %get3A_7 = vector.load %arg1[%get3A_4, %get3A_5, %get3A_6] : memref<2x1000x128xf32, #tpu.memory_space<vmem>>, vector<1x1000x128xf32>
    %get3A_8 = vector.shape_cast %get3A_7 : vector<1x1000x128xf32> to vector<1000x128xf32>
    %get3A_9 = arith.constant 1 : index
    %get3A_10 = arith.constant 0 : index
    %get3A_11 = arith.constant 0 : index
    %get3A_12 = vector.load %arg1[%get3A_9, %get3A_10, %get3A_11] : memref<2x1000x128xf32, #tpu.memory_space<vmem>>, vector<1x1000x128xf32>
    %get3A_13 = vector.shape_cast %get3A_12 : vector<1x1000x128xf32> to vector<1000x128xf32>
    %add3A = arith.addf %get3A_8, %get3A_13 : vector<1000x128xf32>
    %mul3A = vector.broadcast %rsqrt3A : vector<1000x1xf32> to vector<1000x128xf32>
    %mul3A_14 = arith.mulf %add3A, %mul3A : vector<1000x128xf32>
    %swap3A = arith.constant 0 : index
    %swap3A_15 = arith.constant 0 : index
    %swap3A_16 = vector.load %arg3[%swap3A, %swap3A_15] : memref<1000x128xf32, #tpu.memory_space<vmem>>, vector<1000x128xf32>
    tpu.vector_store %arg3[%swap3A, %swap3A_15], %mul3A_14 {strides = array<i32>} : memref<1000x128xf32, #tpu.memory_space<vmem>>, vector<1000x128xf32>,
    return
  }
  func.func @transform_0(%arg0: i32) -> (i32, i32, i32) {
    %c0_i32 = arith.constant 0 : i32
    %c0_i32_0 = arith.constant 0 : i32
    %c0_i32_1 = arith.constant 0 : i32
    return %c0_i32, %arg0, %c0_i32_0 : i32, i32, i32
  }
  func.func @transform_1(%arg0: i32) -> (i32, i32) {
    %c0_i32 = arith.constant 0 : i32
    %c0_i32_0 = arith.constant 0 : i32
    return %arg0, %c0_i32 : i32, i32
  }
  func.func @transform_2(%arg0: i32) -> (i32, i32) {
    %c0_i32 = arith.constant 0 : i32
    %c0_i32_0 = arith.constant 0 : i32
    return %arg0, %c0_i32 : i32, i32
  }
}

</mosaic_0001>

<sc_bundles>
// kernel: kernel.11.cloned.1.call-start
scs
__scs_entry_jumppad:
0x0: {  	(pc) =	sbr.rel $0x88, $3  }
0x1: {  	(tag) =	ssettag $0x0;
	lr =	simm.s32 $0x1  }
0x2: {  	[smem:$0x3F9D] =	sst lr;
	_ =	strace $0xD0000000  }
0x3: {  	_ = 	snop  }
0x4: {  	_ = 	snop  }
0x5: {  	_ = 	snop  }
0x6: {  	_ = 	snop  }
0x7: {  	_ = 	snop  }
__scs_overlays_trampoline_lowered:
0x8: {  	[smem:$0x3FAC] =	sst s0  }
0x9: {  	[smem:$0x3FAD] =	sst s1  }
0xa: {  	[smem:$0x3FAE] =	sst s2  }
0xb: {  	[smem:$0x3FAF] =	sst s3  }
0xc: {  	[smem:$0x3FB0] =	sst s4  }
0xd: {  	[smem:$0x3FB1] =	sst s5  }
0xe: {  	[smem:$0x3FB2] =	sst s6  }
0xf: {  	[smem:$0x3FB3] =	sst s7  }
0x10: {  	[smem:$0x3FB4] =	sst s8  }
0x11: {  	[smem:$0x3FB5] =	sst s9;
	s0 =	simm.s32 @!p0 $0x0  }
0x12: {  	s1 =	sld [smem:$0x3F9B];
	s0 =	simm.s32 @p0 $0x1  }
0x13: {  	[smem:$0x3FB6] =	sst s0;
	s0 =	simm.s32 @!p1 $0x0  }
0x14: {  	s2 =	sld [smem:$0x3F9A];
	s0 =	simm.s32 @p1 $0x1  }
0x15: {  	[smem:$0x3FB7] =	sst s0;
	s0 =	simm.s32 @!p2 $0x0  }
0x16: {  	s3 =	sld [smem:$0x3FDB];
	s0 =	simm.s32 @p2 $0x1  }
0x17: {  	s4 =	simm.s32 $0x1BF5;
	[smem:$0x3FB9] =	sst s0  }
0x18: {  	s0 =	sld [smem:$0x3F9C];
	_ =	swait.ge [sflag:s4], $0x0  }
0x19: {  	s7 =	sld [smem:$0x3F9D]  }
0x1a: {  	s8 =	sadd.s32 $0xFFFFE003, lr  }
0x1b: {  	s9 =	sadd.s32 $0xFFFFFEF7, lr;
	s5 =	simm.s32 $0xFFFFFFFF;
	p2 =	slt.u32 s8, $0xFFFFF086  }
0x1c: {  	p1 =	slt.u32 s9, $0xF7A;
	s5 =	simm.s32 @!p2 $0x0  }
0x1d: {  	s5 =	simm.s32 @p1 $0x1;
	p0 =	seq.s32 s7, s2  }
0x1e: {  	s7 =	smul.u32 @!p0 $0xF7A, s2;
	p2 =	seq.s32 @!p0 s5, $0x0  }
0x1f: {  	s9 =	smul.u32 $0xF7A, s1;
	s8 =	simm.s32 @!p0 $0x1BF5;
	p2 =	por !p2, p0  }
0x20: {  	[sflag:s8] =	ssyncset.s32 @!p0 $0xFFFFF086;
	s6 =	sadd.s32 @!p0 s3, s7;
	s7 =	simm.s32 @!p0 $0x108  }
0x21: {  	s3 =	sadd.s32 s3, s9;
	s6 =	sadd.s32 @!p0 $0x88, s6;
	s7 =	simm.s32 @p2 $0x1082  }
0x22: {  	[simem:s7], [sflag:s8] =	dma.local @!p0 [hbm:s6], $0xF7A  }
0x23: {  	s9 =	sor.u32 $0xD0000000, s2;
	s6 =	simm.s32 $0x108;
	_ =	swait.ge @!p0 [sflag:s8], $0x0  }
0x24: {  	s3 =	sadd.s32 $0x88, s3;
	s6 =	simm.s32 @!p1 $0x1082;
	[sflag:s4] =	ssyncset.s32 $0xFFFFF086  }
0x25: {  	[simem:s6], [sflag:s4] =	dma.local [hbm:s3], $0xF7A  }
0x26: {  	[smem:$0x3F9D] =	sst s1;
	(tag) =	ssettag s2;
	_ =	strace s9  }
0x27: {  	s1 =	sld [smem:$0x3FAD]  }
0x28: {  	s2 =	sld [smem:$0x3FAE]  }
0x29: {  	s4 =	sld [smem:$0x3FB0]  }
0x2a: {  	p0 =	seq.s32 s5, $0x0;
	s5 =	sld [smem:$0x3FB1]  }
0x2b: {  	s6 =	sld [smem:$0x3FB2]  }
0x2c: {  	s7 =	sld [smem:$0x3FB3]  }
0x2d: {  	s3 =	simm.s32 $0x108;
	s8 =	sld [smem:$0x3FB4]  }
0x2e: {  	s3 =	simm.s32 @!p0 $0x1082;
	s9 =	sld [smem:$0x3FB5]  }
0x2f: {  	lr =	sadd.s32 s0, s3;
	s0 =	sld [smem:$0x3FAC]  }
0x30: {  	s3 =	sld [smem:$0x3FAF]  }
0x31: {  	[smem:$0x3FB8] =	sst s10  }
0x32: {  	s10 =	sld [smem:$0x3FB6];
	_ =	sdelay $0x3  }
0x33: {  	p0 =	seq.s32 s10, $0x1;
	s10 =	sld [smem:$0x3FB8];
	_ =	sdelay $0x3  }
0x34: {  	[smem:$0x3FB8] =	sst s10  }
0x35: {  	s10 =	sld [smem:$0x3FB7];
	_ =	sdelay $0x3  }
0x36: {  	p1 =	seq.s32 s10, $0x1;
	s10 =	sld [smem:$0x3FB8];
	_ =	sdelay $0x3  }
0x37: {  	[smem:$0x3FB8] =	sst s10  }
0x38: {  	s10 =	sld [smem:$0x3FB9]  }
0x39: {  	_ = 	snop;
	(pc) =	sbr.ind lr, $3  }
0x3a: {  	_ = 	snop  }
0x3b: {  	_ = 	snop  }
0x3c: {  	p2 =	seq.s32 s10, $0x1;
	s10 =	sld [smem:$0x3FB8]  }
0x3d: {  	_ =	shalt  }
0x3e: {  	_ =	shalt  }
0x3f: {  	_ =	shalt  }
0x40: {  	_ =	shalt  }
0x41: {  	_ =	shalt  }
0x42: {  	_ =	shalt  }
0x43: {  	_ =	shalt  }
0x44: {  	_ =	shalt  }
0x45: {  	_ =	shalt  }
0x46: {  	_ =	shalt  }
0x47: {  	_ =	shalt  }
0x48: {  	_ =	shalt  }
0x49: {  	_ =	shalt  }
0x4a: {  	_ =	shalt  }
0x4b: {  	_ =	shalt  }
0x4c: {  	_ =	shalt  }
0x4d: {  	_ =	shalt  }
0x4e: {  	_ =	shalt  }
0x4f: {  	_ =	shalt  }
0x50: {  	_ =	shalt  }
0x51: {  	_ =	shalt  }
0x52: {  	_ =	shalt  }
0x53: {  	_ =	shalt  }
0x54: {  	_ =	shalt  }
0x55: {  	_ =	shalt  }
0x56: {  	_ =	shalt  }
0x57: {  	_ =	shalt  }
0x58: {  	_ =	shalt  }
0x59: {  	_ =	shalt  }
0x5a: {  	_ =	shalt  }
0x5b: {  	_ =	shalt  }
0x5c: {  	_ =	shalt  }
0x5d: {  	_ =	shalt  }
0x5e: {  	_ =	shalt  }
0x5f: {  	_ =	shalt  }
0x60: {  	_ =	shalt  }
0x61: {  	_ =	shalt  }
0x62: {  	_ =	shalt  }
0x63: {  	_ =	shalt  }
0x64: {  	_ =	shalt  }
0x65: {  	_ =	shalt  }
0x66: {  	_ =	shalt  }
0x67: {  	_ =	shalt  }
0x68: {  	_ =	shalt  }
0x69: {  	_ =	shalt  }
0x6a: {  	_ =	shalt  }
0x6b: {  	_ =	shalt  }
0x6c: {  	_ =	shalt  }
0x6d: {  	_ =	shalt  }
0x6e: {  	_ =	shalt  }
0x6f: {  	_ =	shalt  }
0x70: {  	_ =	shalt  }
0x71: {  	_ =	shalt  }
0x72: {  	_ =	shalt  }
0x73: {  	_ =	shalt  }
0x74: {  	_ =	shalt  }
0x75: {  	_ =	shalt  }
0x76: {  	_ =	shalt  }
0x77: {  	_ =	shalt  }
0x78: {  	_ =	shalt  }
0x79: {  	_ =	shalt  }
0x7a: {  	_ =	shalt  }
0x7b: {  	_ =	shalt  }
0x7c: {  	_ =	shalt  }
0x7d: {  	_ =	shalt  }
0x7e: {  	_ =	shalt  }
0x7f: {  	_ =	shalt  }
0x80: {  	_ =	shalt  }
0x81: {  	_ =	shalt  }
0x82: {  	_ =	shalt  }
0x83: {  	_ =	shalt  }
0x84: {  	_ =	shalt  }
0x85: {  	_ =	shalt  }
0x86: {  	_ =	shalt  }
0x87: {  	_ =	shalt  }
.Lfunc_end0:
.L_simem_size_0:
called_computation.1_lowered:
.L_overlay_start_0:
0x88: {  	s2 =	sld [smem:$0x3FD9]  }
0x89: {  	s3 =	sld [smem:$0x3FFE];
	_ =	sdelay $0x1  }
0x8a: {  	s1 =	srdreg.scid  }
0x8b: {  	s0 =	sand.u32 $0x1, s1  }
0x8c: {  	s16 =	sshll.u32 s0, $0xA;
	s2 =	sadd.s32 s3, s2  }
0x8d: {  	s2 =	sadd.s32 s2, s16  }
0x8e: {  	[smem:$0x3FC4] =	sst s2  }
0x8f: {  	_ = 	snop  }
0x90: {  	(tm) =	ssettm $0x1  }
0x91: {  	s17 =	sld [smem:$0x3FFB];
	_ =	sdelay $0x3  }
0x92: {  	_ =	strace s17  }
0x93: {  	s2 =	sld [smem:$0x3FFC];
	_ =	sdelay $0x3  }
0x94: {  	_ =	strace s2  }
0x95: {  	s2 =	sld [smem:$0x3FFD];
	_ =	sdelay $0x3  }
0x96: {  	_ =	strace s2  }
0x97: {  	_ =	strace $0x8FFFFFFF  }
0x98: {  	s18 =	sld [smem:$0x3FDB];
	_ =	sdelay $0x1  }
0x99: {  	s19 =	simm.s32 $_scs_section_size  }
0x9a: {  	s4 =	simm.s32 $_size__tile_overlayer_lowered;
	s5 =	simm.s32 $_tile_overlayer_lowered  }
0x9b: {  	s22 =	simm.s32 $0x1BFF;
	s21 =	sshll.u32 s5, $0x1;
	s2 =	sadd.s32 s19, s18  }
0x9c: {  	s6 =	simm.s32 $0x0;
	s20 =	sshll.u32 s4, $0x1;
	s4 =	sadd.s32 s21, s2  }
0x9d: {  	[timem:s6], [sflag:s22] =	dma.local [hbm:s4], s20  }
0x9e: {  	_ =	swait.ge [sflag:s22], s20  }
0x9f: {  	s3 =	ssub.s32 $0x0, s20;
	[sflag:s22] =	ssyncset.done $0x0  }
0xa0: {  	[sflag:s22] =	ssyncadd.s32 s3;
	_ =	sdelay $0x1  }
0xa1: {  	s23 =	simm.s32 $0x1B8B  }
0xa2: {  	_ =	swait.ge [sflag:s23], $0x1  }
0xa3: {  	[sflag:s23] =	ssyncset.done $0x0  }
0xa4: {  	s25 =	simm.s32 $0x1B8E;
	s24 =	sld [smem:$0x3FFE];
	[sflag:s23] =	ssyncadd.s32 $0xFFFFFFFF  }
0xa5: {  	s26 =	simm.s32 $execute0_lowered;
	[smem:$0x3FD2] =	sst s25  }
0xa6: {  	s4 =	sshll.u32 s26, $0x1;
	_ =	strace $0x80000049;
	[dreg:$0x1] =	wrdreg $0xFFFFFFFF  }
0xa7: {  	s28 =	simm.s32 $_size_execute0_lowered;
	s2 =	sadd.s32 s2, s4;
	[dreg:$0x0] =	wrdreg $0x0  }
0xa8: {  	s4 =	sshll.u32 s28, $0x1;
	[dreg:$0x2] =	wrdreg s2  }
0xa9: {  	[dreg:$0x3] =	wrdreg s4  }
0xaa: {  	[dreg:$0x4] =	wrdreg $0xC0  }
0xab: {  	_ =	task [dreg:s6], $0x5FFFF  }
0xac: {  	[dreg:$0x1] =	wrdreg $0xFFFFFFFF  }
0xad: {  	[dreg:$0x0] =	wrdreg $0x60  }
0xae: {  	[dreg:$0x2] =	wrdreg s24  }
0xaf: {  	[dreg:$0x3] =	wrdreg $0x88000  }
0xb0: {  	[dreg:$0x4] =	wrdreg $0x9  }
0xb1: {  	_ =	task.clear_ibuf [dreg:s6], $0x5FFFF;
	_ =	strace $0x90000049  }
0xb2: {  	s29 =	simm.s32 $0x9;
	_ =	strace $0x8000004B  }
0xb3: {  	_ =	swait.ge [sflag:s29], $0x1  }
0xb4: {  	[sflag:s29] =	ssyncadd.s32 $0xFFFFFFFF  }
0xb5: {  	_ =	strace $0x9000004B  }
0xb6: {  	_ =	sfence  }
0xb7: {  	s30 =	sld [smem:$0x0];
	_ =	sdelay $0x2  }
0xb8: {  	s31 =	sshll.u32 s1, $0xD;
	s1 =	sshrl.u32 s1, $0x2  }
0xb9: {  	s3 =	sand.u32 $0x4000, s31;
	s1 =	sadd.s32 s1, s30  }
0xba: {  	s0 =	sor.u32 s3, s0;
	s1 =	sshll.u32 s1, $0x11  }
0xbb: {  	s0 =	sor.u32 s1, s0  }
0xbc: {  	s0 =	sadd.s32 $0x8F2B, s0  }
0xbd: {  	[sflag:s0] =	ssyncadd.remote.s32 $0x1  }
0xbe: {  	_ =	sfence.sel $0xFFFF  }
0xbf: {  	[dreg:$0x0] =	wrdreg $0xFFFFFFFF;
	(pc) =	sbr.abs _section_cstart, $3  }
0xc0: {  	[dreg:$0x1] =	wrdreg $0xFFFFFFFF  }
0xc1: {  	_ =	task.clear_ibuf [dreg:s6], $0x2FFFF;
	_ =	strace $0x9FFFFFFF  }
0xc2: {  	(tm) =	ssettm $0x7FFFFFFF  }
0xc3: {  	_ =	shalt  }
tec
execute0_lowered:
.L_overlay_start_1:
0x0: {  	(tag) =	ssettag $0x1  }
0x1: {  	s0 =	rddreg [dreg:$0x0]  }
0x2: {  	s1 =	rddreg [dreg:$0x1];
	s2 =	srdreg.scid;
	s3 =	simm.s32 $0x0  }
0x3: {  	s13 =	stileid.u32;
	s14 =	simm.s32 $0x400;
	s15 =	simm.s32 $0x80  }
0x4: {  	s28 =	simm.s32 $0x500;
	s29 =	simm.s32 $0x4;
	s30 =	simm.s32 $0x180  }
0x5: {  	s31 =	simm.s32 $0x580;
	s2 =	sand.u32 $0x1, s2;
	[smem:$0x7FF] =	sst s3  }
0x6: {  	s5 =	smul.u32 $0x500, s13;
	s7 =	sor.u32 $0x10, s13;
	s17 =	sshll.u32 s13, $0xE  }
0x7: {  	s19 =	sor.u32 $0x20, s13;
	s10 =	sor.u32 $0x30, s13;
	s11 =	sor.u32 $0x40, s13  }
0x8: {  	s22 =	sshll.u32 s13, $0xB;
	p0 =	seq.s32 s13, $0xF;
	s4 =	smul.u32 $0x27100, s2  }
0x9: {  	s13 =	simm.s32 $0x5;
	_ =	strace $0x8000004A;
	s6 =	smul.u32 $0x27800, s2  }
0xa: {  	s2 =	ssub.s32 $0x2, s2;
	s8 =	sshll.u32 s7, $0xE;
	s20 =	sshll.u32 s19, $0xE  }
0xb: {  	s21 =	sshll.u32 s10, $0xE;
	s9 =	sshll.u32 s11, $0xE;
	s7 =	sshll.u32 s7, $0xB  }
0xc: {  	s10 =	sshll.u32 s10, $0xB;
	s5 =	sadd.s32 s5, s0;
	s16 =	sshrl.u32 s2, $0x1  }
0xd: {  	s18 =	sadd.s32 s8, s1;
	s8 =	sadd.s32 s20, s1;
	s9 =	sadd.s32 s9, s1  }
0xe: {  	s20 =	sshll.u32 s11, $0xB;
	s4 =	sadd.s32 s4, s0;
	[dreg:$0x5] =	wrdreg s18  }
0xf: {  	s0 =	sadd.s32 s6, s0;
	s2 =	ssub.s32 s2, s16;
	[dreg:$0x6] =	wrdreg s8  }
0x10: {  	s6 =	sadd.s32 s17, s1;
	s8 =	sadd.s32 s21, s1;
	[dreg:$0x8] =	wrdreg s9  }
0x11: {  	s12 =	sadd.s32 $0x6200, s5;
	s11 =	sadd.s32 $0x1200, s5;
	s16 =	simm.s32 $0x1  }
0x12: {  	s17 =	simm.s32 $0x4800;
	s18 =	simm.s32 $0x2;
	s21 =	simm.s32 $0x300  }
0x13: {  	[dreg:$0x4] =	wrdreg s6;
	s9 =	sadd.s32 $0xB200, s4;
	s0 =	sadd.s32 $0x59400, s0  }
0x14: {  	s6 =	sshll.u32 s19, $0xB;
	s2 =	smax.u32 s2, $0x1;
	[dreg:$0x3] =	wrdreg s12  }
0x15: {  	s12 =	simm.s32 $0x800;
	s19 =	simm.s32 $0x480;
	[dreg:$0x7] =	wrdreg s8  }
0x16: {  	[dreg:$0x9] =	wrdreg s2;
	s23 =	sadd.s32 s22, s0;
	s24 =	sadd.s32 s7, s0  }
0x17: {  	s25 =	sadd.s32 s6, s0;
	s26 =	sadd.s32 s10, s0;
	[dreg:$0xa] =	wrdreg s23  }
0x18: {  	s0 =	sadd.s32 @!p0 s20, s0;
	s2 =	simm.s32 $0x600;
	[dreg:$0xb] =	wrdreg s24  }
0x19: {  	s10 =	simm.s32 $0x280;
	s20 =	simm.s32 $0x680;
	[dreg:$0xc] =	wrdreg s25  }
0x1a: {  	s22 =	simm.s32 $0x700;
	s6 =	simm.s32 $0x0;
	[dreg:$0xd] =	wrdreg s26  }
0x1b: {  	[dreg:$0xe] =	wrdreg s0;
	s25 =	simm.s32 $0x3;
	s26 =	simm.s32 $0x100  }
0x1c: {  	v0 =	vimm.f32 $0.0e+00;
	s0 =	simm.s32 $0x200;
	s23 =	simm.s32 $0x380;
	s24 =	simm.s32 $0x780  }
.LBB2_1:
0x1d: {  	[dreg:$0xf] =	wrdreg s6;
	s5 =	simm.s32 $0x0;
	s6 =	simm.s32 $0x200  }
.LBB2_2:
0x1e: {  	p1 =	sne.s32 s6, $0xFE00;
	[tilespmem:s5+$0x870] =	vst v0  }
0x1f: {  	[tilespmem:s5+$0x800] =	vst v0  }
0x20: {  	[tilespmem:s5+$0x810] =	vst v0  }
.Ltmp0:
0x21: {  	[tilespmem:s5+$0x820] =	vst v0;
	(pc) =	sbr.rel @p1 .LBB2_2-.Ltmp0, $4  }
0x22: {  	[tilespmem:s5+$0x830] =	vst v0  }
0x23: {  	[tilespmem:s5+$0x840] =	vst v0  }
0x24: {  	[tilespmem:s5+$0x850] =	vst v0  }
0x25: {  	[tilespmem:s5+$0x860] =	vst v0;
	s5 =	sshra.s32 s6, $0x2;
	s6 =	sadd.s32 $0x200, s6  }
0x26: {  	[tilespmem:s5+$0x870] =	vst v0  }
0x27: {  	[tilespmem:s5+$0x800] =	vst v0  }
0x28: {  	[tilespmem:s5+$0x810] =	vst v0  }
0x29: {  	[tilespmem:s5+$0x820] =	vst v0  }
0x2a: {  	[tilespmem:s5+$0x830] =	vst v0  }
0x2b: {  	[tilespmem:s5+$0x840] =	vst v0  }
0x2c: {  	[tilespmem:s5+$0x850] =	vst v0  }
0x2d: {  	[tilespmem:s5+$0x860] =	vst v0;
	s4 =	rddreg [dreg:$0x4]  }
0x2e: {  	[spmem:s4] =	stream.linear.scatter [tilespmem:s12], [sflag:$0x5], $0x4000, $0x38;
	[tilespmem:$0x1C400] =	vst v63  }
0x2f: {  	_ =	swait.ge [sflag:s13], $0x4000  }
0x30: {  	[sflag:s13] =	ssyncset.done $0x0  }
0x31: {  	s5 =	rddreg [dreg:$0x5];
	[sflag:s13] =	ssyncadd.s32 $0xFFFFC000  }
0x32: {  	[spmem:s5] =	stream.linear.scatter [tilespmem:s12], [sflag:$0x5], $0x4000, $0x38;
	[tilespmem:$0x1C400] =	vst v63  }
0x33: {  	_ =	swait.ge [sflag:s13], $0x4000  }
0x34: {  	[sflag:s13] =	ssyncset.done $0x0  }
0x35: {  	s6 =	rddreg [dreg:$0x6];
	[sflag:s13] =	ssyncadd.s32 $0xFFFFC000  }
0x36: {  	[spmem:s6] =	stream.linear.scatter [tilespmem:s12], [sflag:$0x5], $0x4000, $0x38;
	[tilespmem:$0x1C400] =	vst v63  }
0x37: {  	_ =	swait.ge [sflag:s13], $0x4000  }
0x38: {  	[sflag:s13] =	ssyncset.done $0x0  }
0x39: {  	[sflag:s13] =	ssyncadd.s32 $0xFFFFC000  }
0x3a: {  	[spmem:s8] =	stream.linear.scatter [tilespmem:s12], [sflag:$0x5], $0x4000, $0x38;
	[tilespmem:$0x1C400] =	vst v63  }
0x3b: {  	_ =	swait.ge [sflag:s13], $0x4000  }
0x3c: {  	[sflag:s13] =	ssyncset.done $0x0  }
0x3d: {  	s5 =	simm.s32 @!p0 $0x800;
	s4 =	rddreg [dreg:$0x8];
	[sflag:s13] =	ssyncadd.s32 $0xFFFFC000  }
0x3e: {  	[spmem:s4] =	stream.linear.scatter @!p0 [tilespmem:s5], [sflag:$0x5], $0x4000, $0x38;
	[tilespmem:$0x1C400] =	vst v63  }
0x3f: {  	s5 =	simm.s32 @!p0 $0x5  }
0x40: {  	_ =	swait.ge @!p0 [sflag:s5], $0x4000  }
0x41: {  	[sflag:s5] =	ssyncset.done @!p0 $0x0  }
0x42: {  	[sflag:s5] =	ssyncadd.s32 @!p0 $0xFFFFC000  }
0x43: {  	s7 =	sadd.s32 $0x0, s11;
	[bflag:$0x0] =	sbarrier.arrive $0xFFFF  }
0x44: {  	[tilespmem:s3], [sflag:$0x5] =	stream.linear.gather [hbm4b:s7+s3], $0x400, $0x38;
	[tilespmem:$0x1C400] =	vst v63  }
0x45: {  	_ =	swait.ge [sflag:s13], $0x400  }
0x46: {  	s8 =	rddreg [dreg:$0x3];
	[sflag:s13] =	ssyncset.done $0x0  }
0x47: {  	[sflag:s13] =	ssyncadd.s32 $0xFFFFFC00;
	s5 =	sadd.s32 $0x0, s8  }
0x48: {  	[tilespmem:s14], [sflag:$0x5] =	stream.linear.gather [hbm4b:s5+s3], $0x400, $0x38;
	[tilespmem:$0x1C400] =	vst v63  }
0x49: {  	_ =	swait.ge [sflag:s13], $0x400  }
0x4a: {  	[sflag:s13] =	ssyncset.done $0x0  }
0x4b: {  	[sflag:s13] =	ssyncadd.s32 $0xFFFFFC00  }
0x4c: {  	[tilespmem:s12], [sflag:$0x1] =	stream.indirect.gather [hbm4b:s9+s15], $0x80, s3, s15, $0xb8;
	[tilespmem:$0x1C400] =	vst v63  }
0x4d: {  	_ =	swait.ge [sflag:s16], $0x4000  }
0x4e: {  	[sflag:s16] =	ssyncset.done $0x0  }
0x4f: {  	[sflag:s16] =	ssyncadd.s32 $0xFFFFC000  }
0x50: {  	[spmem:s1] =	stream.indirect.scatter.add.f32 [tilespmem:s12], [sflag:$0x3], $0x80, s14, s15, $0xb8;
	[tilespmem:$0x1C400] =	vst v63  }
0x51: {  	_ = 	snop  }
0x52: {  	[tilespmem:s17], [sflag:$0x2] =	stream.indirect.gather [hbm4b:s9+s15], $0x80, s15, s15, $0xb8;
	[tilespmem:$0x1C400] =	vst v63  }
0x53: {  	_ =	swait.ge [sflag:s18], $0x4000  }
0x54: {  	[sflag:s18] =	ssyncset.done $0x0  }
0x55: {  	[sflag:s18] =	ssyncadd.s32 $0xFFFFC000  }
0x56: {  	[spmem:s1] =	stream.indirect.scatter.add.f32 [tilespmem:s17], [sflag:$0x4], $0x80, s19, s15, $0xb8;
	[tilespmem:$0x1C400] =	vst v63  }
0x57: {  	_ =	swait.ge [sflag:s25], $0x4000  }
0x58: {  	[sflag:s25] =	ssyncset.done $0x0  }
0x59: {  	[sflag:s25] =	ssyncadd.s32 $0xFFFFC000  }
0x5a: {  	[tilespmem:s12], [sflag:$0x1] =	stream.indirect.gather [hbm4b:s9+s15], $0x80, s26, s15, $0xb8;
	[tilespmem:$0x1C400] =	vst v63  }
0x5b: {  	_ =	swait.ge [sflag:s16], $0x4000  }
0x5c: {  	[sflag:s16] =	ssyncset.done $0x0  }
0x5d: {  	[sflag:s16] =	ssyncadd.s32 $0xFFFFC000  }
0x5e: {  	[spmem:s1] =	stream.indirect.scatter.add.f32 [tilespmem:s12], [sflag:$0x3], $0x80, s28, s15, $0xb8;
	[tilespmem:$0x1C400] =	vst v63  }
0x5f: {  	_ =	swait.ge [sflag:s29], $0x4000  }
0x60: {  	[sflag:s29] =	ssyncset.done $0x0  }
0x61: {  	[sflag:s29] =	ssyncadd.s32 $0xFFFFC000  }
0x62: {  	[tilespmem:s17], [sflag:$0x2] =	stream.indirect.gather [hbm4b:s9+s15], $0x80, s30, s15, $0xb8;
	[tilespmem:$0x1C400] =	vst v63  }
0x63: {  	_ =	swait.ge [sflag:s18], $0x4000  }
0x64: {  	[sflag:s18] =	ssyncset.done $0x0  }
0x65: {  	[sflag:s18] =	ssyncadd.s32 $0xFFFFC000  }
0x66: {  	[spmem:s1] =	stream.indirect.scatter.add.f32 [tilespmem:s17], [sflag:$0x4], $0x80, s31, s15, $0xb8;
	[tilespmem:$0x1C400] =	vst v63  }
0x67: {  	_ =	swait.ge [sflag:s25], $0x4000  }
0x68: {  	[sflag:s25] =	ssyncset.done $0x0  }
0x69: {  	[sflag:s25] =	ssyncadd.s32 $0xFFFFC000  }
0x6a: {  	[tilespmem:s12], [sflag:$0x1] =	stream.indirect.gather [hbm4b:s9+s15], $0x80, s0, s15, $0xb8;
	[tilespmem:$0x1C400] =	vst v63  }
0x6b: {  	_ =	swait.ge [sflag:s16], $0x4000  }
0x6c: {  	[sflag:s16] =	ssyncset.done $0x0  }
0x6d: {  	[sflag:s16] =	ssyncadd.s32 $0xFFFFC000  }
0x6e: {  	[spmem:s1] =	stream.indirect.scatter.add.f32 [tilespmem:s12], [sflag:$0x3], $0x80, s2, s15, $0xb8;
	[tilespmem:$0x1C400] =	vst v63  }
0x6f: {  	_ =	swait.ge [sflag:s29], $0x4000  }
0x70: {  	[sflag:s29] =	ssyncset.done $0x0  }
0x71: {  	[sflag:s29] =	ssyncadd.s32 $0xFFFFC000  }
0x72: {  	[tilespmem:s17], [sflag:$0x2] =	stream.indirect.gather [hbm4b:s9+s15], $0x80, s10, s15, $0xb8;
	[tilespmem:$0x1C400] =	vst v63  }
0x73: {  	_ =	swait.ge [sflag:s18], $0x4000  }
0x74: {  	[sflag:s18] =	ssyncset.done $0x0  }
0x75: {  	[sflag:s18] =	ssyncadd.s32 $0xFFFFC000  }
0x76: {  	[spmem:s1] =	stream.indirect.scatter.add.f32 [tilespmem:s17], [sflag:$0x4], $0x80, s20, s15, $0xb8;
	[tilespmem:$0x1C400] =	vst v63  }
0x77: {  	_ =	swait.ge [sflag:s25], $0x4000  }
0x78: {  	[sflag:s25] =	ssyncset.done $0x0  }
0x79: {  	[sflag:s25] =	ssyncadd.s32 $0xFFFFC000  }
0x7a: {  	[tilespmem:s12], [sflag:$0x1] =	stream.indirect.gather [hbm4b:s9+s15], $0x80, s21, s15, $0xb8;
	[tilespmem:$0x1C400] =	vst v63  }
0x7b: {  	_ =	swait.ge [sflag:s16], $0x4000  }
0x7c: {  	[sflag:s16] =	ssyncset.done $0x0  }
0x7d: {  	[sflag:s16] =	ssyncadd.s32 $0xFFFFC000  }
0x7e: {  	[spmem:s1] =	stream.indirect.scatter.add.f32 [tilespmem:s12], [sflag:$0x3], $0x80, s22, s15, $0xb8;
	[tilespmem:$0x1C400] =	vst v63  }
0x7f: {  	_ =	swait.ge [sflag:s29], $0x4000  }
0x80: {  	[sflag:s29] =	ssyncset.done $0x0  }
0x81: {  	[sflag:s29] =	ssyncadd.s32 $0xFFFFC000  }
0x82: {  	[tilespmem:s17], [sflag:$0x2] =	stream.indirect.gather [hbm4b:s9+s15], $0x80, s23, s15, $0xb8;
	[tilespmem:$0x1C400] =	vst v63  }
0x83: {  	_ =	swait.ge [sflag:s18], $0x4000  }
0x84: {  	[sflag:s18] =	ssyncset.done $0x0  }
0x85: {  	[sflag:s18] =	ssyncadd.s32 $0xFFFFC000  }
0x86: {  	[spmem:s1] =	stream.indirect.scatter.add.f32 [tilespmem:s17], [sflag:$0x4], $0x80, s24, s15, $0xb8;
	[tilespmem:$0x1C400] =	vst v63  }
0x87: {  	_ =	swait.ge [sflag:s25], $0x4000  }
0x88: {  	[sflag:s25] =	ssyncset.done $0x0  }
0x89: {  	[sflag:s25] =	ssyncadd.s32 $0xFFFFC000  }
0x8a: {  	_ =	swait.ge [sflag:s29], $0x4000  }
0x8b: {  	s6 =	simm.s32 $0x100;
	s5 =	simm.s32 $0x80;
	[sflag:s29] =	ssyncset.done $0x0  }
.LBB2_4:
0x8c: {  	s8 =	sadd.s32 s5, s11;
	[sflag:s29] =	ssyncadd.s32 $0xFFFFC000  }
0x8d: {  	[tilespmem:s3], [sflag:$0x5] =	stream.linear.gather [hbm4b:s8+s3], $0x400, $0x38;
	[tilespmem:$0x1C400] =	vst v63  }
0x8e: {  	s4 =	smov.u32 s6;
	_ =	swait.ge [sflag:s13], $0x400  }
0x8f: {  	s7 =	sadd.s32 $0x80, s6;
	s8 =	rddreg [dreg:$0x3];
	[sflag:s13] =	ssyncset.done $0x0  }
0x90: {  	p1 =	sne.s32 s6, $0x480;
	[sflag:s13] =	ssyncadd.s32 $0xFFFFFC00;
	s6 =	sadd.s32 s5, s8  }
0x91: {  	[tilespmem:s14], [sflag:$0x5] =	stream.linear.gather [hbm4b:s6+s3], $0x400, $0x38;
	[tilespmem:$0x1C400] =	vst v63  }
0x92: {  	_ =	swait.ge [sflag:s13], $0x400  }
0x93: {  	[sflag:s13] =	ssyncset.done $0x0  }
0x94: {  	[sflag:s13] =	ssyncadd.s32 $0xFFFFFC00  }
0x95: {  	[tilespmem:s12], [sflag:$0x1] =	stream.indirect.gather [hbm4b:s9+s15], $0x80, s3, s15, $0xb8;
	[tilespmem:$0x1C400] =	vst v63  }
0x96: {  	_ =	swait.ge [sflag:s16], $0x4000  }
0x97: {  	[sflag:s16] =	ssyncset.done $0x0  }
0x98: {  	[sflag:s16] =	ssyncadd.s32 $0xFFFFC000  }
0x99: {  	[spmem:s1] =	stream.indirect.scatter.add.f32 [tilespmem:s12], [sflag:$0x3], $0x80, s14, s15, $0xb8;
	[tilespmem:$0x1C400] =	vst v63  }
0x9a: {  	_ = 	snop  }
0x9b: {  	[tilespmem:s17], [sflag:$0x2] =	stream.indirect.gather [hbm4b:s9+s15], $0x80, s15, s15, $0xb8;
	[tilespmem:$0x1C400] =	vst v63  }
0x9c: {  	_ =	swait.ge [sflag:s18], $0x4000  }
0x9d: {  	[sflag:s18] =	ssyncset.done $0x0  }
0x9e: {  	[sflag:s18] =	ssyncadd.s32 $0xFFFFC000  }
0x9f: {  	[spmem:s1] =	stream.indirect.scatter.add.f32 [tilespmem:s17], [sflag:$0x4], $0x80, s19, s15, $0xb8;
	[tilespmem:$0x1C400] =	vst v63  }
0xa0: {  	_ =	swait.ge [sflag:s25], $0x4000  }
0xa1: {  	[sflag:s25] =	ssyncset.done $0x0  }
0xa2: {  	[sflag:s25] =	ssyncadd.s32 $0xFFFFC000  }
0xa3: {  	[tilespmem:s12], [sflag:$0x1] =	stream.indirect.gather [hbm4b:s9+s15], $0x80, s26, s15, $0xb8;
	[tilespmem:$0x1C400] =	vst v63  }
0xa4: {  	_ =	swait.ge [sflag:s16], $0x4000  }
0xa5: {  	[sflag:s16] =	ssyncset.done $0x0  }
0xa6: {  	[sflag:s16] =	ssyncadd.s32 $0xFFFFC000  }
0xa7: {  	[spmem:s1] =	stream.indirect.scatter.add.f32 [tilespmem:s12], [sflag:$0x3], $0x80, s28, s15, $0xb8;
	[tilespmem:$0x1C400] =	vst v63  }
0xa8: {  	_ =	swait.ge [sflag:s29], $0x4000  }
0xa9: {  	[sflag:s29] =	ssyncset.done $0x0  }
0xaa: {  	[sflag:s29] =	ssyncadd.s32 $0xFFFFC000  }
0xab: {  	[tilespmem:s17], [sflag:$0x2] =	stream.indirect.gather [hbm4b:s9+s15], $0x80, s30, s15, $0xb8;
	[tilespmem:$0x1C400] =	vst v63  }
0xac: {  	_ =	swait.ge [sflag:s18], $0x4000  }
0xad: {  	[sflag:s18] =	ssyncset.done $0x0  }
0xae: {  	[sflag:s18] =	ssyncadd.s32 $0xFFFFC000  }
0xaf: {  	[spmem:s1] =	stream.indirect.scatter.add.f32 [tilespmem:s17], [sflag:$0x4], $0x80, s31, s15, $0xb8;
	[tilespmem:$0x1C400] =	vst v63  }
0xb0: {  	_ =	swait.ge [sflag:s25], $0x4000  }
0xb1: {  	[sflag:s25] =	ssyncset.done $0x0  }
0xb2: {  	[sflag:s25] =	ssyncadd.s32 $0xFFFFC000  }
0xb3: {  	[tilespmem:s12], [sflag:$0x1] =	stream.indirect.gather [hbm4b:s9+s15], $0x80, s0, s15, $0xb8;
	[tilespmem:$0x1C400] =	vst v63  }
0xb4: {  	_ =	swait.ge [sflag:s16], $0x4000  }
0xb5: {  	[sflag:s16] =	ssyncset.done $0x0  }
0xb6: {  	[sflag:s16] =	ssyncadd.s32 $0xFFFFC000  }
0xb7: {  	[spmem:s1] =	stream.indirect.scatter.add.f32 [tilespmem:s12], [sflag:$0x3], $0x80, s2, s15, $0xb8;
	[tilespmem:$0x1C400] =	vst v63  }
0xb8: {  	_ =	swait.ge [sflag:s29], $0x4000  }
0xb9: {  	[sflag:s29] =	ssyncset.done $0x0  }
0xba: {  	[sflag:s29] =	ssyncadd.s32 $0xFFFFC000  }
0xbb: {  	[tilespmem:s17], [sflag:$0x2] =	stream.indirect.gather [hbm4b:s9+s15], $0x80, s10, s15, $0xb8;
	[tilespmem:$0x1C400] =	vst v63  }
0xbc: {  	_ =	swait.ge [sflag:s18], $0x4000  }
0xbd: {  	[sflag:s18] =	ssyncset.done $0x0  }
0xbe: {  	[sflag:s18] =	ssyncadd.s32 $0xFFFFC000  }
0xbf: {  	[spmem:s1] =	stream.indirect.scatter.add.f32 [tilespmem:s17], [sflag:$0x4], $0x80, s20, s15, $0xb8;
	[tilespmem:$0x1C400] =	vst v63  }
0xc0: {  	_ =	swait.ge [sflag:s25], $0x4000  }
0xc1: {  	[sflag:s25] =	ssyncset.done $0x0  }
0xc2: {  	[sflag:s25] =	ssyncadd.s32 $0xFFFFC000  }
0xc3: {  	[tilespmem:s12], [sflag:$0x1] =	stream.indirect.gather [hbm4b:s9+s15], $0x80, s21, s15, $0xb8;
	[tilespmem:$0x1C400] =	vst v63  }
0xc4: {  	_ =	swait.ge [sflag:s16], $0x4000  }
0xc5: {  	[sflag:s16] =	ssyncset.done $0x0  }
0xc6: {  	[sflag:s16] =	ssyncadd.s32 $0xFFFFC000  }
0xc7: {  	[spmem:s1] =	stream.indirect.scatter.add.f32 [tilespmem:s12], [sflag:$0x3], $0x80, s22, s15, $0xb8;
	[tilespmem:$0x1C400] =	vst v63  }
0xc8: {  	_ =	swait.ge [sflag:s29], $0x4000  }
0xc9: {  	[sflag:s29] =	ssyncset.done $0x0  }
0xca: {  	[sflag:s29] =	ssyncadd.s32 $0xFFFFC000  }
0xcb: {  	[tilespmem:s17], [sflag:$0x2] =	stream.indirect.gather [hbm4b:s9+s15], $0x80, s23, s15, $0xb8;
	[tilespmem:$0x1C400] =	vst v63  }
0xcc: {  	_ =	swait.ge [sflag:s18], $0x4000  }
0xcd: {  	[sflag:s18] =	ssyncset.done $0x0  }
0xce: {  	[sflag:s18] =	ssyncadd.s32 $0xFFFFC000  }
0xcf: {  	[spmem:s1] =	stream.indirect.scatter.add.f32 [tilespmem:s17], [sflag:$0x4], $0x80, s24, s15, $0xb8;
	[tilespmem:$0x1C400] =	vst v63  }
.Ltmp1:
0xd0: {  	_ =	swait.ge [sflag:s25], $0x4000;
	(pc) =	sbr.rel @p1 .LBB2_4-.Ltmp1, $4  }
0xd1: {  	[sflag:s25] =	ssyncset.done $0x0  }
0xd2: {  	[sflag:s25] =	ssyncadd.s32 $0xFFFFC000  }
0xd3: {  	_ =	swait.ge [sflag:s29], $0x4000  }
0xd4: {  	s5 =	smov.u32 s4;
	s6 =	smov.u32 s7;
	[sflag:s29] =	ssyncset.done $0x0  }
0xd5: {  	s4 =	sadd.s32 s5, s11;
	[sflag:s29] =	ssyncadd.s32 $0xFFFFC000  }
0xd6: {  	[tilespmem:s3], [sflag:$0x5] =	stream.linear.gather [hbm4b:s4+s3], $0x400, $0x38;
	[tilespmem:$0x1C400] =	vst v63  }
0xd7: {  	_ =	swait.ge [sflag:s13], $0x400  }
0xd8: {  	s8 =	rddreg [dreg:$0x3];
	[sflag:s13] =	ssyncset.done $0x0  }
0xd9: {  	[sflag:s13] =	ssyncadd.s32 $0xFFFFFC00;
	s4 =	sadd.s32 s5, s8  }
0xda: {  	[tilespmem:s14], [sflag:$0x5] =	stream.linear.gather [hbm4b:s4+s3], $0x400, $0x38;
	[tilespmem:$0x1C400] =	vst v63  }
0xdb: {  	_ =	swait.ge [sflag:s13], $0x400  }
0xdc: {  	[sflag:s13] =	ssyncset.done $0x0  }
0xdd: {  	[sflag:s13] =	ssyncadd.s32 $0xFFFFFC00  }
0xde: {  	[tilespmem:s12], [sflag:$0x1] =	stream.indirect.gather [hbm4b:s9+s15], $0x80, s3, s15, $0xb8;
	[tilespmem:$0x1C400] =	vst v63  }
0xdf: {  	_ =	swait.ge [sflag:s16], $0x4000  }
0xe0: {  	[sflag:s16] =	ssyncset.done $0x0  }
0xe1: {  	[sflag:s16] =	ssyncadd.s32 $0xFFFFC000  }
0xe2: {  	[spmem:s1] =	stream.indirect.scatter.add.f32 [tilespmem:s12], [sflag:$0x3], $0x80, s14, s15, $0xb8;
	[tilespmem:$0x1C400] =	vst v63  }
0xe3: {  	_ = 	snop  }
0xe4: {  	[tilespmem:s17], [sflag:$0x2] =	stream.indirect.gather [hbm4b:s9+s15], $0x80, s15, s15, $0xb8;
	[tilespmem:$0x1C400] =	vst v63  }
0xe5: {  	_ =	swait.ge [sflag:s18], $0x4000  }
0xe6: {  	[sflag:s18] =	ssyncset.done $0x0  }
0xe7: {  	[sflag:s18] =	ssyncadd.s32 $0xFFFFC000  }
0xe8: {  	[spmem:s1] =	stream.indirect.scatter.add.f32 [tilespmem:s17], [sflag:$0x4], $0x80, s19, s15, $0xb8;
	[tilespmem:$0x1C400] =	vst v63  }
0xe9: {  	_ =	swait.ge [sflag:s25], $0x4000  }
0xea: {  	[sflag:s25] =	ssyncset.done $0x0  }
0xeb: {  	[sflag:s25] =	ssyncadd.s32 $0xFFFFC000  }
0xec: {  	[tilespmem:s12], [sflag:$0x1] =	stream.indirect.gather [hbm4b:s9+s15], $0x80, s26, s15, $0xb8;
	[tilespmem:$0x1C400] =	vst v63  }
0xed: {  	_ =	swait.ge [sflag:s16], $0x4000  }
0xee: {  	[sflag:s16] =	ssyncset.done $0x0  }
0xef: {  	[sflag:s16] =	ssyncadd.s32 $0xFFFFC000  }
0xf0: {  	[spmem:s1] =	stream.indirect.scatter.add.f32 [tilespmem:s12], [sflag:$0x3], $0x80, s28, s15, $0xb8;
	[tilespmem:$0x1C400] =	vst v63  }
0xf1: {  	_ =	swait.ge [sflag:s29], $0x4000  }
0xf2: {  	[sflag:s29] =	ssyncset.done $0x0  }
0xf3: {  	[sflag:s29] =	ssyncadd.s32 $0xFFFFC000  }
0xf4: {  	[tilespmem:s17], [sflag:$0x2] =	stream.indirect.gather [hbm4b:s9+s15], $0x80, s30, s15, $0xb8;
	[tilespmem:$0x1C400] =	vst v63  }
0xf5: {  	_ =	swait.ge [sflag:s18], $0x4000  }
0xf6: {  	[sflag:s18] =	ssyncset.done $0x0  }
0xf7: {  	[sflag:s18] =	ssyncadd.s32 $0xFFFFC000  }
0xf8: {  	[spmem:s1] =	stream.indirect.scatter.add.f32 [tilespmem:s17], [sflag:$0x4], $0x80, s31, s15, $0xb8;
	[tilespmem:$0x1C400] =	vst v63  }
0xf9: {  	_ =	swait.ge [sflag:s25], $0x4000  }
0xfa: {  	[sflag:s25] =	ssyncset.done $0x0  }
0xfb: {  	[sflag:s25] =	ssyncadd.s32 $0xFFFFC000  }
0xfc: {  	[tilespmem:s12], [sflag:$0x1] =	stream.indirect.gather [hbm4b:s9+s15], $0x80, s0, s15, $0xb8;
	[tilespmem:$0x1C400] =	vst v63  }
0xfd: {  	_ =	swait.ge [sflag:s16], $0x4000  }
0xfe: {  	[sflag:s16] =	ssyncset.done $0x0  }
0xff: {  	[sflag:s16] =	ssyncadd.s32 $0xFFFFC000  }
0x100: {  	[spmem:s1] =	stream.indirect.scatter.add.f32 [tilespmem:s12], [sflag:$0x3], $0x80, s2, s15, $0xb8;
	[tilespmem:$0x1C400] =	vst v63  }
0x101: {  	_ =	swait.ge [sflag:s29], $0x4000  }
0x102: {  	[sflag:s29] =	ssyncset.done $0x0  }
0x103: {  	[sflag:s29] =	ssyncadd.s32 $0xFFFFC000  }
0x104: {  	[tilespmem:s17], [sflag:$0x2] =	stream.indirect.gather [hbm4b:s9+s15], $0x80, s10, s15, $0xb8;
	[tilespmem:$0x1C400] =	vst v63  }
0x105: {  	_ =	swait.ge [sflag:s18], $0x4000  }
0x106: {  	[sflag:s18] =	ssyncset.done $0x0  }
0x107: {  	[sflag:s18] =	ssyncadd.s32 $0xFFFFC000  }
0x108: {  	[spmem:s1] =	stream.indirect.scatter.add.f32 [tilespmem:s17], [sflag:$0x4], $0x80, s20, s15, $0xb8;
	[tilespmem:$0x1C400] =	vst v63  }
0x109: {  	_ =	swait.ge [sflag:s25], $0x4000  }
0x10a: {  	[sflag:s25] =	ssyncset.done $0x0  }
0x10b: {  	[sflag:s25] =	ssyncadd.s32 $0xFFFFC000  }
0x10c: {  	[tilespmem:s12], [sflag:$0x1] =	stream.indirect.gather [hbm4b:s9+s15], $0x80, s21, s15, $0xb8;
	[tilespmem:$0x1C400] =	vst v63  }
0x10d: {  	_ =	swait.ge [sflag:s16], $0x4000  }
0x10e: {  	[sflag:s16] =	ssyncset.done $0x0  }
0x10f: {  	[sflag:s16] =	ssyncadd.s32 $0xFFFFC000  }
0x110: {  	[spmem:s1] =	stream.indirect.scatter.add.f32 [tilespmem:s12], [sflag:$0x3], $0x80, s22, s15, $0xb8;
	[tilespmem:$0x1C400] =	vst v63  }
0x111: {  	_ =	swait.ge [sflag:s29], $0x4000  }
0x112: {  	[sflag:s29] =	ssyncset.done $0x0  }
0x113: {  	[sflag:s29] =	ssyncadd.s32 $0xFFFFC000  }
0x114: {  	[tilespmem:s17], [sflag:$0x2] =	stream.indirect.gather [hbm4b:s9+s15], $0x80, s23, s15, $0xb8;
	[tilespmem:$0x1C400] =	vst v63  }
0x115: {  	_ =	swait.ge [sflag:s18], $0x4000  }
0x116: {  	[sflag:s18] =	ssyncset.done $0x0  }
0x117: {  	[sflag:s18] =	ssyncadd.s32 $0xFFFFC000  }
0x118: {  	[spmem:s1] =	stream.indirect.scatter.add.f32 [tilespmem:s17], [sflag:$0x4], $0x80, s24, s15, $0xb8;
	[tilespmem:$0x1C400] =	vst v63  }
0x119: {  	_ =	swait.ge [sflag:s25], $0x4000  }
0x11a: {  	[sflag:s25] =	ssyncset.done $0x0  }
0x11b: {  	[sflag:s25] =	ssyncadd.s32 $0xFFFFC000  }
0x11c: {  	_ =	swait.ge [sflag:s29], $0x4000  }
0x11d: {  	[sflag:s29] =	ssyncset.done $0x0  }
0x11e: {  	[sflag:s29] =	ssyncadd.s32 $0xFFFFC000  }
0x11f: {  	s5 =	stileid.u32;
	[bflag:$0x0] =	sbarrier.arrive $0xFFFF  }
0x120: {  	s4 =	sshll.u32 s5, $0x6;
	s6 =	rddreg [dreg:$0x4]  }
0x121: {  	s4 =	sor.u32 $0x1C05, s4;
	s5 =	sshrl.u32 s6, $0x3;
	s6 =	rddreg [dreg:$0xa]  }
0x122: {  	[hbm:s6], [sflag:s4] =	dma.local [spmem:s5], $0x800  }
0x123: {  	_ =	swait.ge [sflag:s13], $0x800  }
0x124: {  	[sflag:s13] =	ssyncset.done $0x0;
	s7 =	rddreg [dreg:$0x5]  }
0x125: {  	s8 =	rddreg [dreg:$0xb];
	[sflag:s13] =	ssyncadd.s32 $0xFFFFF800;
	s5 =	sshrl.u32 s7, $0x3  }
0x126: {  	[hbm:s8], [sflag:s4] =	dma.local [spmem:s5], $0x800  }
0x127: {  	_ =	swait.ge [sflag:s13], $0x800  }
0x128: {  	[sflag:s13] =	ssyncset.done $0x0;
	s7 =	rddreg [dreg:$0x6]  }
0x129: {  	s8 =	rddreg [dreg:$0xc];
	[sflag:s13] =	ssyncadd.s32 $0xFFFFF800;
	s5 =	sshrl.u32 s7, $0x3  }
0x12a: {  	[hbm:s8], [sflag:s4] =	dma.local [spmem:s5], $0x800  }
0x12b: {  	_ =	swait.ge [sflag:s13], $0x800  }
0x12c: {  	[sflag:s13] =	ssyncset.done $0x0;
	s8 =	rddreg [dreg:$0x7]  }
0x12d: {  	s7 =	rddreg [dreg:$0xd];
	[sflag:s13] =	ssyncadd.s32 $0xFFFFF800;
	s6 =	sshrl.u32 s8, $0x3  }
0x12e: {  	[hbm:s7], [sflag:s4] =	dma.local [spmem:s6], $0x800  }
0x12f: {  	_ =	swait.ge [sflag:s13], $0x800  }
0x130: {  	[sflag:s13] =	ssyncset.done $0x0;
	s5 =	rddreg [dreg:$0x8]  }
0x131: {  	s6 =	rddreg [dreg:$0xe];
	[sflag:s13] =	ssyncadd.s32 $0xFFFFF800;
	s5 =	sshrl.u32 @!p0 s5, $0x3  }
0x132: {  	[hbm:s6], [sflag:s4] =	dma.local @!p0 [spmem:s5], $0x800  }
0x133: {  	s4 =	simm.s32 @!p0 $0x5  }
0x134: {  	_ =	swait.ge @!p0 [sflag:s4], $0x800  }
0x135: {  	s5 =	rddreg [dreg:$0xf]  }
0x136: {  	s7 =	rddreg [dreg:$0x9];
	s6 =	sadd.s32 $0x1, s5  }
0x137: {  	p1 =	sne.s32 s6, s7  }
.Ltmp2:
0x138: {  	_ = 	snop;
	(pc) =	sbr.rel @p1 .LBB2_1-.Ltmp2, $3  }
0x139: {  	_ =	sdelay $0x1  }
0x13a: {  	[sflag:s4] =	ssyncset.done @!p0 $0x0  }
0x13b: {  	[sflag:s4] =	ssyncadd.s32 @!p0 $0xFFFFF800  }
0x13c: {  	_ =	sfence.sel $0x180000  }
0x13d: {  	[bflag:$0x0] =	sbarrier.arrive $0xFFFF  }
0x13e: {  	_ =	strace $0x9000004A  }
0x13f: {  	s0 =	stileid.u32;
	[bflag:$0x2] =	sbarrier.arrive $0xFFFF  }
0x140: {  	p0 =	sne.s32 s0, $0x0;
	s0 =	rddreg [dreg:$0x2]  }
0x141: {  	s0 =	sadd.s32 @!p0 $0x100000, s0  }
0x142: {  	[sflag:s0] =	ssyncadd.tile.s32 @!p0 $0x1;
	_ =	shalt  }
.Lfunc_end2:
_tile_overlayer_lowered:
.L_overlay_start_2:
0x143: {  	(tag) =	ssettag $0x2  }
0x144: {  	s0 =	rddreg [dreg:$0x0];
	s2 =	stileid.u32  }
0x145: {  	s1 =	rddreg [dreg:$0x1];
	p0 =	sne.s32 s2, $0x0  }
0x146: {  	s3 =	rddreg [dreg:$0x2];
	[bflag:$0x3] =	sbarrier.arrive $0xFFFF;
	s2 =	simm.s32 @!p0 $0x1C05  }
0x147: {  	[timem:s3], [sflag:s2] =	dma.local @!p0 [hbm:s0], s1  }
0x148: {  	s0 =	simm.s32 @!p0 $0x5  }
0x149: {  	_ =	swait.ge @!p0 [sflag:s0], s1  }
0x14a: {  	s1 =	ssub.s32 @!p0 $0x0, s1;
	[sflag:s0] =	ssyncset.done @!p0 $0x0  }
0x14b: {  	[sflag:s0] =	ssyncadd.s32 @!p0 s1  }
0x14c: {  	[bflag:$0x3] =	sbarrier.arrive $0xFFFF  }
0x14d: {  	_ =	shalt  }

// kernel: kernel.14.cloned.1.call-start
scs
__scs_entry_jumppad:
0x0: {  	(pc) =	sbr.rel $0x88, $3  }
0x1: {  	(tag) =	ssettag $0x0;
	lr =	simm.s32 $0x1  }
0x2: {  	[smem:$0x3F9D] =	sst lr;
	_ =	strace $0xD0000000  }
0x3: {  	_ = 	snop  }
0x4: {  	_ = 	snop  }
0x5: {  	_ = 	snop  }
0x6: {  	_ = 	snop  }
0x7: {  	_ = 	snop  }
__scs_overlays_trampoline_lowered:
0x8: {  	[smem:$0x3FAC] =	sst s0  }
0x9: {  	[smem:$0x3FAD] =	sst s1  }
0xa: {  	[smem:$0x3FAE] =	sst s2  }
0xb: {  	[smem:$0x3FAF] =	sst s3  }
0xc: {  	[smem:$0x3FB0] =	sst s4  }
0xd: {  	[smem:$0x3FB1] =	sst s5  }
0xe: {  	[smem:$0x3FB2] =	sst s6  }
0xf: {  	[smem:$0x3FB3] =	sst s7  }
0x10: {  	[smem:$0x3FB4] =	sst s8  }
0x11: {  	[smem:$0x3FB5] =	sst s9;
	s0 =	simm.s32 @!p0 $0x0  }
0x12: {  	s1 =	sld [smem:$0x3F9B];
	s0 =	simm.s32 @p0 $0x1  }
0x13: {  	[smem:$0x3FB6] =	sst s0;
	s0 =	simm.s32 @!p1 $0x0  }
0x14: {  	s2 =	sld [smem:$0x3F9A];
	s0 =	simm.s32 @p1 $0x1  }
0x15: {  	[smem:$0x3FB7] =	sst s0;
	s0 =	simm.s32 @!p2 $0x0  }
0x16: {  	s3 =	sld [smem:$0x3FDB];
	s0 =	simm.s32 @p2 $0x1  }
0x17: {  	s4 =	simm.s32 $0x1BF5;
	[smem:$0x3FB9] =	sst s0  }
0x18: {  	s0 =	sld [smem:$0x3F9C];
	_ =	swait.ge [sflag:s4], $0x0  }
0x19: {  	s7 =	sld [smem:$0x3F9D]  }
0x1a: {  	s8 =	sadd.s32 $0xFFFFE003, lr  }
0x1b: {  	s9 =	sadd.s32 $0xFFFFFEF7, lr;
	s5 =	simm.s32 $0xFFFFFFFF;
	p2 =	slt.u32 s8, $0xFFFFF086  }
0x1c: {  	p1 =	slt.u32 s9, $0xF7A;
	s5 =	simm.s32 @!p2 $0x0  }
0x1d: {  	s5 =	simm.s32 @p1 $0x1;
	p0 =	seq.s32 s7, s2  }
0x1e: {  	s7 =	smul.u32 @!p0 $0xF7A, s2;
	p2 =	seq.s32 @!p0 s5, $0x0  }
0x1f: {  	s9 =	smul.u32 $0xF7A, s1;
	s8 =	simm.s32 @!p0 $0x1BF5;
	p2 =	por !p2, p0  }
0x20: {  	[sflag:s8] =	ssyncset.s32 @!p0 $0xFFFFF086;
	s6 =	sadd.s32 @!p0 s3, s7;
	s7 =	simm.s32 @!p0 $0x108  }
0x21: {  	s3 =	sadd.s32 s3, s9;
	s6 =	sadd.s32 @!p0 $0x88, s6;
	s7 =	simm.s32 @p2 $0x1082  }
0x22: {  	[simem:s7], [sflag:s8] =	dma.local @!p0 [hbm:s6], $0xF7A  }
0x23: {  	s9 =	sor.u32 $0xD0000000, s2;
	s6 =	simm.s32 $0x108;
	_ =	swait.ge @!p0 [sflag:s8], $0x0  }
0x24: {  	s3 =	sadd.s32 $0x88, s3;
	s6 =	simm.s32 @!p1 $0x1082;
	[sflag:s4] =	ssyncset.s32 $0xFFFFF086  }
0x25: {  	[simem:s6], [sflag:s4] =	dma.local [hbm:s3], $0xF7A  }
0x26: {  	[smem:$0x3F9D] =	sst s1;
	(tag) =	ssettag s2;
	_ =	strace s9  }
0x27: {  	s1 =	sld [smem:$0x3FAD]  }
0x28: {  	s2 =	sld [smem:$0x3FAE]  }
0x29: {  	s4 =	sld [smem:$0x3FB0]  }
0x2a: {  	p0 =	seq.s32 s5, $0x0;
	s5 =	sld [smem:$0x3FB1]  }
0x2b: {  	s6 =	sld [smem:$0x3FB2]  }
0x2c: {  	s7 =	sld [smem:$0x3FB3]  }
0x2d: {  	s3 =	simm.s32 $0x108;
	s8 =	sld [smem:$0x3FB4]  }
0x2e: {  	s3 =	simm.s32 @!p0 $0x1082;
	s9 =	sld [smem:$0x3FB5]  }
0x2f: {  	lr =	sadd.s32 s0, s3;
	s0 =	sld [smem:$0x3FAC]  }
0x30: {  	s3 =	sld [smem:$0x3FAF]  }
0x31: {  	[smem:$0x3FB8] =	sst s10  }
0x32: {  	s10 =	sld [smem:$0x3FB6];
	_ =	sdelay $0x3  }
0x33: {  	p0 =	seq.s32 s10, $0x1;
	s10 =	sld [smem:$0x3FB8];
	_ =	sdelay $0x3  }
0x34: {  	[smem:$0x3FB8] =	sst s10  }
0x35: {  	s10 =	sld [smem:$0x3FB7];
	_ =	sdelay $0x3  }
0x36: {  	p1 =	seq.s32 s10, $0x1;
	s10 =	sld [smem:$0x3FB8];
	_ =	sdelay $0x3  }
0x37: {  	[smem:$0x3FB8] =	sst s10  }
0x38: {  	s10 =	sld [smem:$0x3FB9]  }
0x39: {  	_ = 	snop;
	(pc) =	sbr.ind lr, $3  }
0x3a: {  	_ = 	snop  }
0x3b: {  	_ = 	snop  }
0x3c: {  	p2 =	seq.s32 s10, $0x1;
	s10 =	sld [smem:$0x3FB8]  }
0x3d: {  	_ =	shalt  }
0x3e: {  	_ =	shalt  }
0x3f: {  	_ =	shalt  }
0x40: {  	_ =	shalt  }
0x41: {  	_ =	shalt  }
0x42: {  	_ =	shalt  }
0x43: {  	_ =	shalt  }
0x44: {  	_ =	shalt  }
0x45: {  	_ =	shalt  }
0x46: {  	_ =	shalt  }
0x47: {  	_ =	shalt  }
0x48: {  	_ =	shalt  }
0x49: {  	_ =	shalt  }
0x4a: {  	_ =	shalt  }
0x4b: {  	_ =	shalt  }
0x4c: {  	_ =	shalt  }
0x4d: {  	_ =	shalt  }
0x4e: {  	_ =	shalt  }
0x4f: {  	_ =	shalt  }
0x50: {  	_ =	shalt  }
0x51: {  	_ =	shalt  }
0x52: {  	_ =	shalt  }
0x53: {  	_ =	shalt  }
0x54: {  	_ =	shalt  }
0x55: {  	_ =	shalt  }
0x56: {  	_ =	shalt  }
0x57: {  	_ =	shalt  }
0x58: {  	_ =	shalt  }
0x59: {  	_ =	shalt  }
0x5a: {  	_ =	shalt  }
0x5b: {  	_ =	shalt  }
0x5c: {  	_ =	shalt  }
0x5d: {  	_ =	shalt  }
0x5e: {  	_ =	shalt  }
0x5f: {  	_ =	shalt  }
0x60: {  	_ =	shalt  }
0x61: {  	_ =	shalt  }
0x62: {  	_ =	shalt  }
0x63: {  	_ =	shalt  }
0x64: {  	_ =	shalt  }
0x65: {  	_ =	shalt  }
0x66: {  	_ =	shalt  }
0x67: {  	_ =	shalt  }
0x68: {  	_ =	shalt  }
0x69: {  	_ =	shalt  }
0x6a: {  	_ =	shalt  }
0x6b: {  	_ =	shalt  }
0x6c: {  	_ =	shalt  }
0x6d: {  	_ =	shalt  }
0x6e: {  	_ =	shalt  }
0x6f: {  	_ =	shalt  }
0x70: {  	_ =	shalt  }
0x71: {  	_ =	shalt  }
0x72: {  	_ =	shalt  }
0x73: {  	_ =	shalt  }
0x74: {  	_ =	shalt  }
0x75: {  	_ =	shalt  }
0x76: {  	_ =	shalt  }
0x77: {  	_ =	shalt  }
0x78: {  	_ =	shalt  }
0x79: {  	_ =	shalt  }
0x7a: {  	_ =	shalt  }
0x7b: {  	_ =	shalt  }
0x7c: {  	_ =	shalt  }
0x7d: {  	_ =	shalt  }
0x7e: {  	_ =	shalt  }
0x7f: {  	_ =	shalt  }
0x80: {  	_ =	shalt  }
0x81: {  	_ =	shalt  }
0x82: {  	_ =	shalt  }
0x83: {  	_ =	shalt  }
0x84: {  	_ =	shalt  }
0x85: {  	_ =	shalt  }
0x86: {  	_ =	shalt  }
0x87: {  	_ =	shalt  }
.Lfunc_end0:
.L_simem_size_0:
called_computation.2_lowered:
.L_overlay_start_0:
0x88: {  	s2 =	sld [smem:$0x3FD9]  }
0x89: {  	s3 =	sld [smem:$0x3FFE];
	_ =	sdelay $0x1  }
0x8a: {  	s1 =	srdreg.scid  }
0x8b: {  	s0 =	sand.u32 $0x1, s1  }
0x8c: {  	s17 =	sshll.u32 s0, $0xA;
	s2 =	sadd.s32 s3, s2  }
0x8d: {  	s2 =	sadd.s32 s2, s17  }
0x8e: {  	[smem:$0x3FC4] =	sst s2  }
0x8f: {  	_ = 	snop  }
0x90: {  	s2 =	sld [smem:$0x3FD0];
	(tm) =	ssettm $0x1  }
0x91: {  	s18 =	sld [smem:$0x3FFB];
	_ =	sdelay $0x3  }
0x92: {  	_ =	strace s18  }
0x93: {  	s3 =	sld [smem:$0x3FFC];
	_ =	sdelay $0x3  }
0x94: {  	_ =	strace s3  }
0x95: {  	s3 =	sld [smem:$0x3FFD];
	_ =	sdelay $0x3  }
0x96: {  	_ =	strace s3  }
0x97: {  	_ =	strace $0x8FFFFFFF  }
0x98: {  	s19 =	sld [smem:$0x3FDB];
	_ =	sdelay $0x1  }
0x99: {  	s4 =	simm.s32 $_scs_section_size  }
0x9a: {  	s5 =	simm.s32 $_size__tile_overlayer_lowered;
	s6 =	simm.s32 $_tile_overlayer_lowered  }
0x9b: {  	s22 =	simm.s32 $0x1BFF;
	s21 =	sshll.u32 s6, $0x1;
	s3 =	sadd.s32 s4, s19  }
0x9c: {  	s7 =	simm.s32 $0x0;
	s20 =	sshll.u32 s5, $0x1;
	s5 =	sadd.s32 s21, s3  }
0x9d: {  	[timem:s7], [sflag:s22] =	dma.local [hbm:s5], s20  }
0x9e: {  	_ =	swait.ge [sflag:s22], s20  }
0x9f: {  	s4 =	ssub.s32 $0x0, s20;
	[sflag:s22] =	ssyncset.done $0x0  }
0xa0: {  	[sflag:s22] =	ssyncadd.s32 s4;
	_ =	sdelay $0x1  }
0xa1: {  	s23 =	simm.s32 $0x1B8B  }
0xa2: {  	_ =	swait.ge [sflag:s23], $0x1  }
0xa3: {  	[sflag:s23] =	ssyncset.done $0x0  }
0xa4: {  	s25 =	simm.s32 $0x1B8E;
	s24 =	sld [smem:$0x3FFE];
	[sflag:s23] =	ssyncadd.s32 $0xFFFFFFFF  }
0xa5: {  	s26 =	simm.s32 $execute0_lowered;
	[smem:$0x3FD2] =	sst s25  }
0xa6: {  	s5 =	sshll.u32 s26, $0x1;
	_ =	strace $0x8000004C;
	[dreg:$0x1] =	wrdreg $0xFFFFFFFF  }
0xa7: {  	s28 =	simm.s32 $_size_execute0_lowered;
	s3 =	sadd.s32 s3, s5;
	[dreg:$0x0] =	wrdreg $0x0  }
0xa8: {  	s5 =	sshll.u32 s28, $0x1;
	[dreg:$0x2] =	wrdreg s3  }
0xa9: {  	[dreg:$0x3] =	wrdreg s5  }
0xaa: {  	[dreg:$0x4] =	wrdreg $0xC0  }
0xab: {  	_ =	task [dreg:s7], $0x5FFFF  }
0xac: {  	[dreg:$0x1] =	wrdreg $0xFFFFFFFF  }
0xad: {  	[dreg:$0x0] =	wrdreg $0x60  }
0xae: {  	[dreg:$0x2] =	wrdreg s2  }
0xaf: {  	[dreg:$0x3] =	wrdreg s24  }
0xb0: {  	[dreg:$0x4] =	wrdreg $0x88000  }
0xb1: {  	[dreg:$0x5] =	wrdreg $0x9  }
0xb2: {  	_ =	task.clear_ibuf [dreg:s7], $0x6FFFF;
	_ =	strace $0x9000004C  }
0xb3: {  	s29 =	simm.s32 $0x9;
	_ =	strace $0x8000004E  }
0xb4: {  	_ =	swait.ge [sflag:s29], $0x1  }
0xb5: {  	[sflag:s29] =	ssyncadd.s32 $0xFFFFFFFF  }
0xb6: {  	_ =	strace $0x9000004E  }
0xb7: {  	_ =	sfence  }
0xb8: {  	s30 =	sld [smem:$0x0];
	_ =	sdelay $0x2  }
0xb9: {  	s31 =	sshll.u32 s1, $0xD;
	s1 =	sshrl.u32 s1, $0x2  }
0xba: {  	s3 =	sand.u32 $0x4000, s31;
	s1 =	sadd.s32 s1, s30  }
0xbb: {  	s0 =	sor.u32 s3, s0;
	s1 =	sshll.u32 s1, $0x11  }
0xbc: {  	s0 =	sor.u32 s1, s0  }
0xbd: {  	s0 =	sadd.s32 $0x8F2B, s0  }
0xbe: {  	[sflag:s0] =	ssyncadd.remote.s32 $0x1  }
0xbf: {  	_ =	sfence.sel $0xFFFF  }
0xc0: {  	[dreg:$0x0] =	wrdreg $0xFFFFFFFF;
	(pc) =	sbr.abs _section_cstart, $3  }
0xc1: {  	[dreg:$0x1] =	wrdreg $0xFFFFFFFF  }
0xc2: {  	_ =	task.clear_ibuf [dreg:s7], $0x2FFFF;
	_ =	strace $0x9FFFFFFF  }
0xc3: {  	(tm) =	ssettm $0x7FFFFFFF  }
tec
execute0_lowered:
.L_overlay_start_1:
0x0: {  	(tag) =	ssettag $0x1  }
0x1: {  	s1 =	rddreg [dreg:$0x0]  }
0x2: {  	s0 =	rddreg [dreg:$0x1]  }
0x3: {  	s2 =	rddreg [dreg:$0x2];
	s4 =	srdreg.scid  }
0x4: {  	s3 =	simm.s32 $0x0;
	s13 =	stileid.u32;
	s14 =	simm.s32 $0x400  }
0x5: {  	s28 =	simm.s32 $0x500;
	s29 =	simm.s32 $0x4;
	s30 =	simm.s32 $0x180  }
0x6: {  	s31 =	simm.s32 $0x580;
	s4 =	sand.u32 $0x1, s4;
	[smem:$0x7FF] =	sst s3  }
0x7: {  	s15 =	sor.u32 $0x10, s13;
	s16 =	sshll.u32 s13, $0xE;
	s10 =	sor.u32 $0x20, s13  }
0x8: {  	s19 =	sor.u32 $0x30, s13;
	s21 =	sor.u32 $0x40, s13;
	s12 =	smul.u32 $0x280, s13  }
0x9: {  	s20 =	sshll.u32 s13, $0xB;
	p0 =	seq.s32 s13, $0xF;
	s5 =	smul.u32 $0x2800, s4  }
0xa: {  	s13 =	simm.s32 $0x5;
	_ =	strace $0x8000004D;
	s6 =	smul.u32 $0x27800, s4  }
0xb: {  	s4 =	ssub.s32 $0x2, s4;
	s8 =	sshll.u32 s15, $0xE;
	s18 =	sshll.u32 s10, $0xE  }
0xc: {  	s9 =	sshll.u32 s19, $0xE;
	s11 =	sshll.u32 s21, $0xE;
	s10 =	sshll.u32 s10, $0xB  }
0xd: {  	s7 =	sshrl.u32 s4, $0x1;
	s17 =	sadd.s32 s8, s2;
	s9 =	sadd.s32 s9, s2  }
0xe: {  	s11 =	sadd.s32 s11, s2;
	s8 =	sshll.u32 s21, $0xB;
	s21 =	simm.s32 $0x300  }
0xf: {  	s5 =	sadd.s32 s5, s0;
	s0 =	sadd.s32 s6, s0;
	[dreg:$0x6] =	wrdreg s17  }
0x10: {  	s4 =	ssub.s32 s4, s7;
	s7 =	sadd.s32 s16, s2;
	[dreg:$0x9] =	wrdreg s11  }
0x11: {  	s6 =	sshll.u32 s15, $0xB;
	s15 =	simm.s32 $0x80;
	[dreg:$0x8] =	wrdreg s9  }
0x12: {  	s16 =	simm.s32 $0x1;
	s17 =	simm.s32 $0x4800;
	[dreg:$0x5] =	wrdreg s7  }
0x13: {  	s7 =	sadd.s32 s18, s2;
	s0 =	sadd.s32 $0xB200, s0;
	s5 =	sadd.s32 s12, s5  }
0x14: {  	s4 =	smax.u32 s4, $0x1;
	s12 =	simm.s32 $0x800;
	s18 =	simm.s32 $0x2  }
0x15: {  	[dreg:$0x7] =	wrdreg s7;
	s7 =	sshll.u32 s19, $0xB;
	s22 =	sadd.s32 $0x6200, s5  }
0x16: {  	[dreg:$0xa] =	wrdreg s4;
	s11 =	sadd.s32 $0x1200, s5;
	s19 =	simm.s32 $0x480  }
0x17: {  	s23 =	sadd.s32 s20, s0;
	s24 =	sadd.s32 s6, s0;
	[dreg:$0x4] =	wrdreg s22  }
0x18: {  	s25 =	sadd.s32 s10, s0;
	s4 =	simm.s32 $0x600;
	[dreg:$0xb] =	wrdreg s23  }
0x19: {  	s10 =	simm.s32 $0x280;
	s20 =	simm.s32 $0x680;
	[dreg:$0xc] =	wrdreg s24  }
0x1a: {  	[dreg:$0xd] =	wrdreg s25;
	s26 =	sadd.s32 s7, s0;
	s0 =	sadd.s32 @!p0 s8, s0  }
0x1b: {  	s25 =	simm.s32 $0x3;
	s22 =	simm.s32 $0x700;
	s23 =	simm.s32 $0x380  }
0x1c: {  	s24 =	simm.s32 $0x780;
	s7 =	simm.s32 $0x0;
	[dreg:$0xe] =	wrdreg s26  }
0x1d: {  	v0 =	vimm.f32 $0.0e+00;
	[dreg:$0xf] =	wrdreg s0;
	s26 =	simm.s32 $0x100;
	s0 =	simm.s32 $0x200  }
.LBB2_1:
0x1e: {  	[dreg:$0x10] =	wrdreg s7;
	s6 =	simm.s32 $0x0;
	s7 =	simm.s32 $0x200  }
.LBB2_2:
0x1f: {  	p1 =	sne.s32 s7, $0xFE00;
	[tilespmem:s6+$0x870] =	vst v0  }
0x20: {  	[tilespmem:s6+$0x800] =	vst v0  }
0x21: {  	[tilespmem:s6+$0x810] =	vst v0  }
.Ltmp0:
0x22: {  	[tilespmem:s6+$0x820] =	vst v0;
	(pc) =	sbr.rel @p1 .LBB2_2-.Ltmp0, $4  }
0x23: {  	[tilespmem:s6+$0x830] =	vst v0  }
0x24: {  	[tilespmem:s6+$0x840] =	vst v0  }
0x25: {  	[tilespmem:s6+$0x850] =	vst v0  }
0x26: {  	[tilespmem:s6+$0x860] =	vst v0;
	s6 =	sshra.s32 s7, $0x2;
	s7 =	sadd.s32 $0x200, s7  }
0x27: {  	[tilespmem:s6+$0x870] =	vst v0  }
0x28: {  	[tilespmem:s6+$0x800] =	vst v0  }
0x29: {  	[tilespmem:s6+$0x810] =	vst v0  }
0x2a: {  	[tilespmem:s6+$0x820] =	vst v0  }
0x2b: {  	[tilespmem:s6+$0x830] =	vst v0  }
0x2c: {  	[tilespmem:s6+$0x840] =	vst v0  }
0x2d: {  	[tilespmem:s6+$0x850] =	vst v0  }
0x2e: {  	[tilespmem:s6+$0x860] =	vst v0;
	s5 =	rddreg [dreg:$0x5]  }
0x2f: {  	[spmem:s5] =	stream.linear.scatter [tilespmem:s12], [sflag:$0x5], $0x4000, $0x38;
	[tilespmem:$0x1C400] =	vst v63  }
0x30: {  	_ =	swait.ge [sflag:s13], $0x4000  }
0x31: {  	[sflag:s13] =	ssyncset.done $0x0  }
0x32: {  	s6 =	rddreg [dreg:$0x6];
	[sflag:s13] =	ssyncadd.s32 $0xFFFFC000  }
0x33: {  	[spmem:s6] =	stream.linear.scatter [tilespmem:s12], [sflag:$0x5], $0x4000, $0x38;
	[tilespmem:$0x1C400] =	vst v63  }
0x34: {  	_ =	swait.ge [sflag:s13], $0x4000  }
0x35: {  	[sflag:s13] =	ssyncset.done $0x0  }
0x36: {  	s7 =	rddreg [dreg:$0x7];
	[sflag:s13] =	ssyncadd.s32 $0xFFFFC000  }
0x37: {  	[spmem:s7] =	stream.linear.scatter [tilespmem:s12], [sflag:$0x5], $0x4000, $0x38;
	[tilespmem:$0x1C400] =	vst v63  }
0x38: {  	_ =	swait.ge [sflag:s13], $0x4000  }
0x39: {  	[sflag:s13] =	ssyncset.done $0x0  }
0x3a: {  	[sflag:s13] =	ssyncadd.s32 $0xFFFFC000  }
0x3b: {  	[spmem:s9] =	stream.linear.scatter [tilespmem:s12], [sflag:$0x5], $0x4000, $0x38;
	[tilespmem:$0x1C400] =	vst v63  }
0x3c: {  	_ =	swait.ge [sflag:s13], $0x4000  }
0x3d: {  	[sflag:s13] =	ssyncset.done $0x0  }
0x3e: {  	s6 =	simm.s32 @!p0 $0x800;
	s5 =	rddreg [dreg:$0x9];
	[sflag:s13] =	ssyncadd.s32 $0xFFFFC000  }
0x3f: {  	[spmem:s5] =	stream.linear.scatter @!p0 [tilespmem:s6], [sflag:$0x5], $0x4000, $0x38;
	[tilespmem:$0x1C400] =	vst v63  }
0x40: {  	s6 =	simm.s32 @!p0 $0x5  }
0x41: {  	_ =	swait.ge @!p0 [sflag:s6], $0x4000  }
0x42: {  	[sflag:s6] =	ssyncset.done @!p0 $0x0  }
0x43: {  	[sflag:s6] =	ssyncadd.s32 @!p0 $0xFFFFC000  }
0x44: {  	s8 =	sadd.s32 $0x0, s11;
	[bflag:$0x0] =	sbarrier.arrive $0xFFFF  }
0x45: {  	[tilespmem:s3], [sflag:$0x5] =	stream.linear.gather [hbm4b:s8+s3], $0x400, $0x38;
	[tilespmem:$0x1C400] =	vst v63  }
0x46: {  	_ =	swait.ge [sflag:s13], $0x400  }
0x47: {  	s9 =	rddreg [dreg:$0x4];
	[sflag:s13] =	ssyncset.done $0x0  }
0x48: {  	[sflag:s13] =	ssyncadd.s32 $0xFFFFFC00;
	s6 =	sadd.s32 $0x0, s9  }
0x49: {  	[tilespmem:s14], [sflag:$0x5] =	stream.linear.gather [hbm4b:s6+s3], $0x400, $0x38;
	[tilespmem:$0x1C400] =	vst v63  }
0x4a: {  	_ =	swait.ge [sflag:s13], $0x400  }
0x4b: {  	[sflag:s13] =	ssyncset.done $0x0  }
0x4c: {  	[sflag:s13] =	ssyncadd.s32 $0xFFFFFC00  }
0x4d: {  	[tilespmem:s12], [sflag:$0x1] =	stream.indirect.gather [hbm4b:s1+s15], $0x80, s3, s15, $0xb8;
	[tilespmem:$0x1C400] =	vst v63  }
0x4e: {  	_ =	swait.ge [sflag:s16], $0x4000  }
0x4f: {  	[sflag:s16] =	ssyncset.done $0x0  }
0x50: {  	[sflag:s16] =	ssyncadd.s32 $0xFFFFC000  }
0x51: {  	[spmem:s2] =	stream.indirect.scatter.add.f32 [tilespmem:s12], [sflag:$0x3], $0x80, s14, s15, $0xb8;
	[tilespmem:$0x1C400] =	vst v63  }
0x52: {  	_ = 	snop  }
0x53: {  	[tilespmem:s17], [sflag:$0x2] =	stream.indirect.gather [hbm4b:s1+s15], $0x80, s15, s15, $0xb8;
	[tilespmem:$0x1C400] =	vst v63  }
0x54: {  	_ =	swait.ge [sflag:s18], $0x4000  }
0x55: {  	[sflag:s18] =	ssyncset.done $0x0  }
0x56: {  	[sflag:s18] =	ssyncadd.s32 $0xFFFFC000  }
0x57: {  	[spmem:s2] =	stream.indirect.scatter.add.f32 [tilespmem:s17], [sflag:$0x4], $0x80, s19, s15, $0xb8;
	[tilespmem:$0x1C400] =	vst v63  }
0x58: {  	_ =	swait.ge [sflag:s25], $0x4000  }
0x59: {  	[sflag:s25] =	ssyncset.done $0x0  }
0x5a: {  	[sflag:s25] =	ssyncadd.s32 $0xFFFFC000  }
0x5b: {  	[tilespmem:s12], [sflag:$0x1] =	stream.indirect.gather [hbm4b:s1+s15], $0x80, s26, s15, $0xb8;
	[tilespmem:$0x1C400] =	vst v63  }
0x5c: {  	_ =	swait.ge [sflag:s16], $0x4000  }
0x5d: {  	[sflag:s16] =	ssyncset.done $0x0  }
0x5e: {  	[sflag:s16] =	ssyncadd.s32 $0xFFFFC000  }
0x5f: {  	[spmem:s2] =	stream.indirect.scatter.add.f32 [tilespmem:s12], [sflag:$0x3], $0x80, s28, s15, $0xb8;
	[tilespmem:$0x1C400] =	vst v63  }
0x60: {  	_ =	swait.ge [sflag:s29], $0x4000  }
0x61: {  	[sflag:s29] =	ssyncset.done $0x0  }
0x62: {  	[sflag:s29] =	ssyncadd.s32 $0xFFFFC000  }
0x63: {  	[tilespmem:s17], [sflag:$0x2] =	stream.indirect.gather [hbm4b:s1+s15], $0x80, s30, s15, $0xb8;
	[tilespmem:$0x1C400] =	vst v63  }
0x64: {  	_ =	swait.ge [sflag:s18], $0x4000  }
0x65: {  	[sflag:s18] =	ssyncset.done $0x0  }
0x66: {  	[sflag:s18] =	ssyncadd.s32 $0xFFFFC000  }
0x67: {  	[spmem:s2] =	stream.indirect.scatter.add.f32 [tilespmem:s17], [sflag:$0x4], $0x80, s31, s15, $0xb8;
	[tilespmem:$0x1C400] =	vst v63  }
0x68: {  	_ =	swait.ge [sflag:s25], $0x4000  }
0x69: {  	[sflag:s25] =	ssyncset.done $0x0  }
0x6a: {  	[sflag:s25] =	ssyncadd.s32 $0xFFFFC000  }
0x6b: {  	[tilespmem:s12], [sflag:$0x1] =	stream.indirect.gather [hbm4b:s1+s15], $0x80, s0, s15, $0xb8;
	[tilespmem:$0x1C400] =	vst v63  }
0x6c: {  	_ =	swait.ge [sflag:s16], $0x4000  }
0x6d: {  	[sflag:s16] =	ssyncset.done $0x0  }
0x6e: {  	[sflag:s16] =	ssyncadd.s32 $0xFFFFC000  }
0x6f: {  	[spmem:s2] =	stream.indirect.scatter.add.f32 [tilespmem:s12], [sflag:$0x3], $0x80, s4, s15, $0xb8;
	[tilespmem:$0x1C400] =	vst v63  }
0x70: {  	_ =	swait.ge [sflag:s29], $0x4000  }
0x71: {  	[sflag:s29] =	ssyncset.done $0x0  }
0x72: {  	[sflag:s29] =	ssyncadd.s32 $0xFFFFC000  }
0x73: {  	[tilespmem:s17], [sflag:$0x2] =	stream.indirect.gather [hbm4b:s1+s15], $0x80, s10, s15, $0xb8;
	[tilespmem:$0x1C400] =	vst v63  }
0x74: {  	_ =	swait.ge [sflag:s18], $0x4000  }
0x75: {  	[sflag:s18] =	ssyncset.done $0x0  }
0x76: {  	[sflag:s18] =	ssyncadd.s32 $0xFFFFC000  }
0x77: {  	[spmem:s2] =	stream.indirect.scatter.add.f32 [tilespmem:s17], [sflag:$0x4], $0x80, s20, s15, $0xb8;
	[tilespmem:$0x1C400] =	vst v63  }
0x78: {  	_ =	swait.ge [sflag:s25], $0x4000  }
0x79: {  	[sflag:s25] =	ssyncset.done $0x0  }
0x7a: {  	[sflag:s25] =	ssyncadd.s32 $0xFFFFC000  }
0x7b: {  	[tilespmem:s12], [sflag:$0x1] =	stream.indirect.gather [hbm4b:s1+s15], $0x80, s21, s15, $0xb8;
	[tilespmem:$0x1C400] =	vst v63  }
0x7c: {  	_ =	swait.ge [sflag:s16], $0x4000  }
0x7d: {  	[sflag:s16] =	ssyncset.done $0x0  }
0x7e: {  	[sflag:s16] =	ssyncadd.s32 $0xFFFFC000  }
0x7f: {  	[spmem:s2] =	stream.indirect.scatter.add.f32 [tilespmem:s12], [sflag:$0x3], $0x80, s22, s15, $0xb8;
	[tilespmem:$0x1C400] =	vst v63  }
0x80: {  	_ =	swait.ge [sflag:s29], $0x4000  }
0x81: {  	[sflag:s29] =	ssyncset.done $0x0  }
0x82: {  	[sflag:s29] =	ssyncadd.s32 $0xFFFFC000  }
0x83: {  	[tilespmem:s17], [sflag:$0x2] =	stream.indirect.gather [hbm4b:s1+s15], $0x80, s23, s15, $0xb8;
	[tilespmem:$0x1C400] =	vst v63  }
0x84: {  	_ =	swait.ge [sflag:s18], $0x4000  }
0x85: {  	[sflag:s18] =	ssyncset.done $0x0  }
0x86: {  	[sflag:s18] =	ssyncadd.s32 $0xFFFFC000  }
0x87: {  	[spmem:s2] =	stream.indirect.scatter.add.f32 [tilespmem:s17], [sflag:$0x4], $0x80, s24, s15, $0xb8;
	[tilespmem:$0x1C400] =	vst v63  }
0x88: {  	_ =	swait.ge [sflag:s25], $0x4000  }
0x89: {  	[sflag:s25] =	ssyncset.done $0x0  }
0x8a: {  	[sflag:s25] =	ssyncadd.s32 $0xFFFFC000  }
0x8b: {  	_ =	swait.ge [sflag:s29], $0x4000  }
0x8c: {  	s7 =	simm.s32 $0x100;
	s6 =	simm.s32 $0x80;
	[sflag:s29] =	ssyncset.done $0x0  }
.LBB2_4:
0x8d: {  	s9 =	sadd.s32 s6, s11;
	[sflag:s29] =	ssyncadd.s32 $0xFFFFC000  }
0x8e: {  	[tilespmem:s3], [sflag:$0x5] =	stream.linear.gather [hbm4b:s9+s3], $0x400, $0x38;
	[tilespmem:$0x1C400] =	vst v63  }
0x8f: {  	s5 =	smov.u32 s7;
	_ =	swait.ge [sflag:s13], $0x400  }
0x90: {  	s8 =	sadd.s32 $0x80, s7;
	s9 =	rddreg [dreg:$0x4];
	[sflag:s13] =	ssyncset.done $0x0  }
0x91: {  	p1 =	sne.s32 s7, $0x200;
	[sflag:s13] =	ssyncadd.s32 $0xFFFFFC00;
	s7 =	sadd.s32 s6, s9  }
0x92: {  	[tilespmem:s14], [sflag:$0x5] =	stream.linear.gather [hbm4b:s7+s3], $0x400, $0x38;
	[tilespmem:$0x1C400] =	vst v63  }
0x93: {  	_ =	swait.ge [sflag:s13], $0x400  }
0x94: {  	[sflag:s13] =	ssyncset.done $0x0  }
0x95: {  	[sflag:s13] =	ssyncadd.s32 $0xFFFFFC00  }
0x96: {  	[tilespmem:s12], [sflag:$0x1] =	stream.indirect.gather [hbm4b:s1+s15], $0x80, s3, s15, $0xb8;
	[tilespmem:$0x1C400] =	vst v63  }
0x97: {  	_ =	swait.ge [sflag:s16], $0x4000  }
0x98: {  	[sflag:s16] =	ssyncset.done $0x0  }
0x99: {  	[sflag:s16] =	ssyncadd.s32 $0xFFFFC000  }
0x9a: {  	[spmem:s2] =	stream.indirect.scatter.add.f32 [tilespmem:s12], [sflag:$0x3], $0x80, s14, s15, $0xb8;
	[tilespmem:$0x1C400] =	vst v63  }
0x9b: {  	_ = 	snop  }
0x9c: {  	[tilespmem:s17], [sflag:$0x2] =	stream.indirect.gather [hbm4b:s1+s15], $0x80, s15, s15, $0xb8;
	[tilespmem:$0x1C400] =	vst v63  }
0x9d: {  	_ =	swait.ge [sflag:s18], $0x4000  }
0x9e: {  	[sflag:s18] =	ssyncset.done $0x0  }
0x9f: {  	[sflag:s18] =	ssyncadd.s32 $0xFFFFC000  }
0xa0: {  	[spmem:s2] =	stream.indirect.scatter.add.f32 [tilespmem:s17], [sflag:$0x4], $0x80, s19, s15, $0xb8;
	[tilespmem:$0x1C400] =	vst v63  }
0xa1: {  	_ =	swait.ge [sflag:s25], $0x4000  }
0xa2: {  	[sflag:s25] =	ssyncset.done $0x0  }
0xa3: {  	[sflag:s25] =	ssyncadd.s32 $0xFFFFC000  }
0xa4: {  	[tilespmem:s12], [sflag:$0x1] =	stream.indirect.gather [hbm4b:s1+s15], $0x80, s26, s15, $0xb8;
	[tilespmem:$0x1C400] =	vst v63  }
0xa5: {  	_ =	swait.ge [sflag:s16], $0x4000  }
0xa6: {  	[sflag:s16] =	ssyncset.done $0x0  }
0xa7: {  	[sflag:s16] =	ssyncadd.s32 $0xFFFFC000  }
0xa8: {  	[spmem:s2] =	stream.indirect.scatter.add.f32 [tilespmem:s12], [sflag:$0x3], $0x80, s28, s15, $0xb8;
	[tilespmem:$0x1C400] =	vst v63  }
0xa9: {  	_ =	swait.ge [sflag:s29], $0x4000  }
0xaa: {  	[sflag:s29] =	ssyncset.done $0x0  }
0xab: {  	[sflag:s29] =	ssyncadd.s32 $0xFFFFC000  }
0xac: {  	[tilespmem:s17], [sflag:$0x2] =	stream.indirect.gather [hbm4b:s1+s15], $0x80, s30, s15, $0xb8;
	[tilespmem:$0x1C400] =	vst v63  }
0xad: {  	_ =	swait.ge [sflag:s18], $0x4000  }
0xae: {  	[sflag:s18] =	ssyncset.done $0x0  }
0xaf: {  	[sflag:s18] =	ssyncadd.s32 $0xFFFFC000  }
0xb0: {  	[spmem:s2] =	stream.indirect.scatter.add.f32 [tilespmem:s17], [sflag:$0x4], $0x80, s31, s15, $0xb8;
	[tilespmem:$0x1C400] =	vst v63  }
0xb1: {  	_ =	swait.ge [sflag:s25], $0x4000  }
0xb2: {  	[sflag:s25] =	ssyncset.done $0x0  }
0xb3: {  	[sflag:s25] =	ssyncadd.s32 $0xFFFFC000  }
0xb4: {  	[tilespmem:s12], [sflag:$0x1] =	stream.indirect.gather [hbm4b:s1+s15], $0x80, s0, s15, $0xb8;
	[tilespmem:$0x1C400] =	vst v63  }
0xb5: {  	_ =	swait.ge [sflag:s16], $0x4000  }
0xb6: {  	[sflag:s16] =	ssyncset.done $0x0  }
0xb7: {  	[sflag:s16] =	ssyncadd.s32 $0xFFFFC000  }
0xb8: {  	[spmem:s2] =	stream.indirect.scatter.add.f32 [tilespmem:s12], [sflag:$0x3], $0x80, s4, s15, $0xb8;
	[tilespmem:$0x1C400] =	vst v63  }
0xb9: {  	_ =	swait.ge [sflag:s29], $0x4000  }
0xba: {  	[sflag:s29] =	ssyncset.done $0x0  }
0xbb: {  	[sflag:s29] =	ssyncadd.s32 $0xFFFFC000  }
0xbc: {  	[tilespmem:s17], [sflag:$0x2] =	stream.indirect.gather [hbm4b:s1+s15], $0x80, s10, s15, $0xb8;
	[tilespmem:$0x1C400] =	vst v63  }
0xbd: {  	_ =	swait.ge [sflag:s18], $0x4000  }
0xbe: {  	[sflag:s18] =	ssyncset.done $0x0  }
0xbf: {  	[sflag:s18] =	ssyncadd.s32 $0xFFFFC000  }
0xc0: {  	[spmem:s2] =	stream.indirect.scatter.add.f32 [tilespmem:s17], [sflag:$0x4], $0x80, s20, s15, $0xb8;
	[tilespmem:$0x1C400] =	vst v63  }
0xc1: {  	_ =	swait.ge [sflag:s25], $0x4000  }
0xc2: {  	[sflag:s25] =	ssyncset.done $0x0  }
0xc3: {  	[sflag:s25] =	ssyncadd.s32 $0xFFFFC000  }
0xc4: {  	[tilespmem:s12], [sflag:$0x1] =	stream.indirect.gather [hbm4b:s1+s15], $0x80, s21, s15, $0xb8;
	[tilespmem:$0x1C400] =	vst v63  }
0xc5: {  	_ =	swait.ge [sflag:s16], $0x4000  }
0xc6: {  	[sflag:s16] =	ssyncset.done $0x0  }
0xc7: {  	[sflag:s16] =	ssyncadd.s32 $0xFFFFC000  }
0xc8: {  	[spmem:s2] =	stream.indirect.scatter.add.f32 [tilespmem:s12], [sflag:$0x3], $0x80, s22, s15, $0xb8;
	[tilespmem:$0x1C400] =	vst v63  }
0xc9: {  	_ =	swait.ge [sflag:s29], $0x4000  }
0xca: {  	[sflag:s29] =	ssyncset.done $0x0  }
0xcb: {  	[sflag:s29] =	ssyncadd.s32 $0xFFFFC000  }
0xcc: {  	[tilespmem:s17], [sflag:$0x2] =	stream.indirect.gather [hbm4b:s1+s15], $0x80, s23, s15, $0xb8;
	[tilespmem:$0x1C400] =	vst v63  }
0xcd: {  	_ =	swait.ge [sflag:s18], $0x4000  }
0xce: {  	[sflag:s18] =	ssyncset.done $0x0  }
0xcf: {  	[sflag:s18] =	ssyncadd.s32 $0xFFFFC000  }
0xd0: {  	[spmem:s2] =	stream.indirect.scatter.add.f32 [tilespmem:s17], [sflag:$0x4], $0x80, s24, s15, $0xb8;
	[tilespmem:$0x1C400] =	vst v63  }
.Ltmp1:
0xd1: {  	_ =	swait.ge [sflag:s25], $0x4000;
	(pc) =	sbr.rel @p1 .LBB2_4-.Ltmp1, $4  }
0xd2: {  	[sflag:s25] =	ssyncset.done $0x0  }
0xd3: {  	[sflag:s25] =	ssyncadd.s32 $0xFFFFC000  }
0xd4: {  	_ =	swait.ge [sflag:s29], $0x4000  }
0xd5: {  	s6 =	smov.u32 s5;
	s7 =	smov.u32 s8;
	[sflag:s29] =	ssyncset.done $0x0  }
0xd6: {  	s5 =	sadd.s32 s6, s11;
	[sflag:s29] =	ssyncadd.s32 $0xFFFFC000  }
0xd7: {  	[tilespmem:s3], [sflag:$0x5] =	stream.linear.gather [hbm4b:s5+s3], $0x400, $0x38;
	[tilespmem:$0x1C400] =	vst v63  }
0xd8: {  	_ =	swait.ge [sflag:s13], $0x400  }
0xd9: {  	s9 =	rddreg [dreg:$0x4];
	[sflag:s13] =	ssyncset.done $0x0  }
0xda: {  	[sflag:s13] =	ssyncadd.s32 $0xFFFFFC00;
	s5 =	sadd.s32 s6, s9  }
0xdb: {  	[tilespmem:s14], [sflag:$0x5] =	stream.linear.gather [hbm4b:s5+s3], $0x400, $0x38;
	[tilespmem:$0x1C400] =	vst v63  }
0xdc: {  	_ =	swait.ge [sflag:s13], $0x400  }
0xdd: {  	[sflag:s13] =	ssyncset.done $0x0  }
0xde: {  	[sflag:s13] =	ssyncadd.s32 $0xFFFFFC00  }
0xdf: {  	[tilespmem:s12], [sflag:$0x1] =	stream.indirect.gather [hbm4b:s1+s15], $0x80, s3, s15, $0xb8;
	[tilespmem:$0x1C400] =	vst v63  }
0xe0: {  	_ =	swait.ge [sflag:s16], $0x4000  }
0xe1: {  	[sflag:s16] =	ssyncset.done $0x0  }
0xe2: {  	[sflag:s16] =	ssyncadd.s32 $0xFFFFC000  }
0xe3: {  	[spmem:s2] =	stream.indirect.scatter.add.f32 [tilespmem:s12], [sflag:$0x3], $0x80, s14, s15, $0xb8;
	[tilespmem:$0x1C400] =	vst v63  }
0xe4: {  	_ = 	snop  }
0xe5: {  	[tilespmem:s17], [sflag:$0x2] =	stream.indirect.gather [hbm4b:s1+s15], $0x80, s15, s15, $0xb8;
	[tilespmem:$0x1C400] =	vst v63  }
0xe6: {  	_ =	swait.ge [sflag:s18], $0x4000  }
0xe7: {  	[sflag:s18] =	ssyncset.done $0x0  }
0xe8: {  	[sflag:s18] =	ssyncadd.s32 $0xFFFFC000  }
0xe9: {  	[spmem:s2] =	stream.indirect.scatter.add.f32 [tilespmem:s17], [sflag:$0x4], $0x80, s19, s15, $0xb8;
	[tilespmem:$0x1C400] =	vst v63  }
0xea: {  	_ =	swait.ge [sflag:s25], $0x4000  }
0xeb: {  	[sflag:s25] =	ssyncset.done $0x0  }
0xec: {  	[sflag:s25] =	ssyncadd.s32 $0xFFFFC000  }
0xed: {  	[tilespmem:s12], [sflag:$0x1] =	stream.indirect.gather [hbm4b:s1+s15], $0x80, s26, s15, $0xb8;
	[tilespmem:$0x1C400] =	vst v63  }
0xee: {  	_ =	swait.ge [sflag:s16], $0x4000  }
0xef: {  	[sflag:s16] =	ssyncset.done $0x0  }
0xf0: {  	[sflag:s16] =	ssyncadd.s32 $0xFFFFC000  }
0xf1: {  	[spmem:s2] =	stream.indirect.scatter.add.f32 [tilespmem:s12], [sflag:$0x3], $0x80, s28, s15, $0xb8;
	[tilespmem:$0x1C400] =	vst v63  }
0xf2: {  	_ =	swait.ge [sflag:s29], $0x4000  }
0xf3: {  	[sflag:s29] =	ssyncset.done $0x0  }
0xf4: {  	[sflag:s29] =	ssyncadd.s32 $0xFFFFC000  }
0xf5: {  	[tilespmem:s17], [sflag:$0x2] =	stream.indirect.gather [hbm4b:s1+s15], $0x80, s30, s15, $0xb8;
	[tilespmem:$0x1C400] =	vst v63  }
0xf6: {  	_ =	swait.ge [sflag:s18], $0x4000  }
0xf7: {  	[sflag:s18] =	ssyncset.done $0x0  }
0xf8: {  	[sflag:s18] =	ssyncadd.s32 $0xFFFFC000  }
0xf9: {  	[spmem:s2] =	stream.indirect.scatter.add.f32 [tilespmem:s17], [sflag:$0x4], $0x80, s31, s15, $0xb8;
	[tilespmem:$0x1C400] =	vst v63  }
0xfa: {  	_ =	swait.ge [sflag:s25], $0x4000  }
0xfb: {  	[sflag:s25] =	ssyncset.done $0x0  }
0xfc: {  	[sflag:s25] =	ssyncadd.s32 $0xFFFFC000  }
0xfd: {  	[tilespmem:s12], [sflag:$0x1] =	stream.indirect.gather [hbm4b:s1+s15], $0x80, s0, s15, $0xb8;
	[tilespmem:$0x1C400] =	vst v63  }
0xfe: {  	_ =	swait.ge [sflag:s16], $0x4000  }
0xff: {  	[sflag:s16] =	ssyncset.done $0x0  }
0x100: {  	[sflag:s16] =	ssyncadd.s32 $0xFFFFC000  }
0x101: {  	[spmem:s2] =	stream.indirect.scatter.add.f32 [tilespmem:s12], [sflag:$0x3], $0x80, s4, s15, $0xb8;
	[tilespmem:$0x1C400] =	vst v63  }
0x102: {  	_ =	swait.ge [sflag:s29], $0x4000  }
0x103: {  	[sflag:s29] =	ssyncset.done $0x0  }
0x104: {  	[sflag:s29] =	ssyncadd.s32 $0xFFFFC000  }
0x105: {  	[tilespmem:s17], [sflag:$0x2] =	stream.indirect.gather [hbm4b:s1+s15], $0x80, s10, s15, $0xb8;
	[tilespmem:$0x1C400] =	vst v63  }
0x106: {  	_ =	swait.ge [sflag:s18], $0x4000  }
0x107: {  	[sflag:s18] =	ssyncset.done $0x0  }
0x108: {  	[sflag:s18] =	ssyncadd.s32 $0xFFFFC000  }
0x109: {  	[spmem:s2] =	stream.indirect.scatter.add.f32 [tilespmem:s17], [sflag:$0x4], $0x80, s20, s15, $0xb8;
	[tilespmem:$0x1C400] =	vst v63  }
0x10a: {  	_ =	swait.ge [sflag:s25], $0x4000  }
0x10b: {  	[sflag:s25] =	ssyncset.done $0x0  }
0x10c: {  	[sflag:s25] =	ssyncadd.s32 $0xFFFFC000  }
0x10d: {  	[tilespmem:s12], [sflag:$0x1] =	stream.indirect.gather [hbm4b:s1+s15], $0x80, s21, s15, $0xb8;
	[tilespmem:$0x1C400] =	vst v63  }
0x10e: {  	_ =	swait.ge [sflag:s16], $0x4000  }
0x10f: {  	[sflag:s16] =	ssyncset.done $0x0  }
0x110: {  	[sflag:s16] =	ssyncadd.s32 $0xFFFFC000  }
0x111: {  	[spmem:s2] =	stream.indirect.scatter.add.f32 [tilespmem:s12], [sflag:$0x3], $0x80, s22, s15, $0xb8;
	[tilespmem:$0x1C400] =	vst v63  }
0x112: {  	_ =	swait.ge [sflag:s29], $0x4000  }
0x113: {  	[sflag:s29] =	ssyncset.done $0x0  }
0x114: {  	[sflag:s29] =	ssyncadd.s32 $0xFFFFC000  }
0x115: {  	[tilespmem:s17], [sflag:$0x2] =	stream.indirect.gather [hbm4b:s1+s15], $0x80, s23, s15, $0xb8;
	[tilespmem:$0x1C400] =	vst v63  }
0x116: {  	_ =	swait.ge [sflag:s18], $0x4000  }
0x117: {  	[sflag:s18] =	ssyncset.done $0x0  }
0x118: {  	[sflag:s18] =	ssyncadd.s32 $0xFFFFC000  }
0x119: {  	[spmem:s2] =	stream.indirect.scatter.add.f32 [tilespmem:s17], [sflag:$0x4], $0x80, s24, s15, $0xb8;
	[tilespmem:$0x1C400] =	vst v63  }
0x11a: {  	_ =	swait.ge [sflag:s25], $0x4000  }
0x11b: {  	[sflag:s25] =	ssyncset.done $0x0  }
0x11c: {  	[sflag:s25] =	ssyncadd.s32 $0xFFFFC000  }
0x11d: {  	_ =	swait.ge [sflag:s29], $0x4000  }
0x11e: {  	[sflag:s29] =	ssyncset.done $0x0  }
0x11f: {  	[sflag:s29] =	ssyncadd.s32 $0xFFFFC000  }
0x120: {  	s6 =	stileid.u32;
	[bflag:$0x0] =	sbarrier.arrive $0xFFFF  }
0x121: {  	s5 =	sshll.u32 s6, $0x6;
	s7 =	rddreg [dreg:$0x5]  }
0x122: {  	s5 =	sor.u32 $0x1C05, s5;
	s6 =	sshrl.u32 s7, $0x3;
	s7 =	rddreg [dreg:$0xb]  }
0x123: {  	[hbm:s7], [sflag:s5] =	dma.local [spmem:s6], $0x800  }
0x124: {  	_ =	swait.ge [sflag:s13], $0x800  }
0x125: {  	[sflag:s13] =	ssyncset.done $0x0;
	s8 =	rddreg [dreg:$0x6]  }
0x126: {  	s9 =	rddreg [dreg:$0xc];
	[sflag:s13] =	ssyncadd.s32 $0xFFFFF800;
	s6 =	sshrl.u32 s8, $0x3  }
0x127: {  	[hbm:s9], [sflag:s5] =	dma.local [spmem:s6], $0x800  }
0x128: {  	_ =	swait.ge [sflag:s13], $0x800  }
0x129: {  	[sflag:s13] =	ssyncset.done $0x0;
	s8 =	rddreg [dreg:$0x7]  }
0x12a: {  	s9 =	rddreg [dreg:$0xd];
	[sflag:s13] =	ssyncadd.s32 $0xFFFFF800;
	s6 =	sshrl.u32 s8, $0x3  }
0x12b: {  	[hbm:s9], [sflag:s5] =	dma.local [spmem:s6], $0x800  }
0x12c: {  	_ =	swait.ge [sflag:s13], $0x800  }
0x12d: {  	[sflag:s13] =	ssyncset.done $0x0;
	s9 =	rddreg [dreg:$0x8]  }
0x12e: {  	s8 =	rddreg [dreg:$0xe];
	[sflag:s13] =	ssyncadd.s32 $0xFFFFF800;
	s7 =	sshrl.u32 s9, $0x3  }
0x12f: {  	[hbm:s8], [sflag:s5] =	dma.local [spmem:s7], $0x800  }
0x130: {  	_ =	swait.ge [sflag:s13], $0x800  }
0x131: {  	[sflag:s13] =	ssyncset.done $0x0;
	s6 =	rddreg [dreg:$0x9]  }
0x132: {  	s7 =	rddreg [dreg:$0xf];
	[sflag:s13] =	ssyncadd.s32 $0xFFFFF800;
	s6 =	sshrl.u32 @!p0 s6, $0x3  }
0x133: {  	[hbm:s7], [sflag:s5] =	dma.local @!p0 [spmem:s6], $0x800  }
0x134: {  	s5 =	simm.s32 @!p0 $0x5  }
0x135: {  	_ =	swait.ge @!p0 [sflag:s5], $0x800  }
0x136: {  	s6 =	rddreg [dreg:$0x10]  }
0x137: {  	s8 =	rddreg [dreg:$0xa];
	s7 =	sadd.s32 $0x1, s6  }
0x138: {  	p1 =	sne.s32 s7, s8  }
.Ltmp2:
0x139: {  	_ = 	snop;
	(pc) =	sbr.rel @p1 .LBB2_1-.Ltmp2, $3  }
0x13a: {  	_ =	sdelay $0x1  }
0x13b: {  	[sflag:s5] =	ssyncset.done @!p0 $0x0  }
0x13c: {  	[sflag:s5] =	ssyncadd.s32 @!p0 $0xFFFFF800  }
0x13d: {  	_ =	sfence.sel $0x180000  }
0x13e: {  	[bflag:$0x0] =	sbarrier.arrive $0xFFFF  }
0x13f: {  	_ =	strace $0x9000004D  }
0x140: {  	s0 =	stileid.u32;
	[bflag:$0x2] =	sbarrier.arrive $0xFFFF  }
0x141: {  	p0 =	sne.s32 s0, $0x0;
	s0 =	rddreg [dreg:$0x3]  }
0x142: {  	s0 =	sadd.s32 @!p0 $0x100000, s0  }
0x143: {  	[sflag:s0] =	ssyncadd.tile.s32 @!p0 $0x1;
	_ =	shalt  }
.Lfunc_end2:
_tile_overlayer_lowered:
.L_overlay_start_2:
0x144: {  	(tag) =	ssettag $0x2  }
0x145: {  	s0 =	rddreg [dreg:$0x0];
	s2 =	stileid.u32  }
0x146: {  	s1 =	rddreg [dreg:$0x1];
	p0 =	sne.s32 s2, $0x0  }
0x147: {  	s3 =	rddreg [dreg:$0x2];
	[bflag:$0x3] =	sbarrier.arrive $0xFFFF;
	s2 =	simm.s32 @!p0 $0x1C05  }
0x148: {  	[timem:s3], [sflag:s2] =	dma.local @!p0 [hbm:s0], s1  }
0x149: {  	s0 =	simm.s32 @!p0 $0x5  }
0x14a: {  	_ =	swait.ge @!p0 [sflag:s0], s1  }
0x14b: {  	s1 =	ssub.s32 @!p0 $0x0, s1;
	[sflag:s0] =	ssyncset.done @!p0 $0x0  }
0x14c: {  	[sflag:s0] =	ssyncadd.s32 @!p0 s1  }
0x14d: {  	[bflag:$0x3] =	sbarrier.arrive $0xFFFF  }
0x14e: {  	_ =	shalt  }

// kernel: kernel.8.cloned.1.call-start
scs
__scs_entry_jumppad:
0x0: {  	(pc) =	sbr.rel $0x88, $3  }
0x1: {  	(tag) =	ssettag $0x0;
	lr =	simm.s32 $0x1  }
0x2: {  	[smem:$0x3F9D] =	sst lr;
	_ =	strace $0xD0000000  }
0x3: {  	_ = 	snop  }
0x4: {  	_ = 	snop  }
0x5: {  	_ = 	snop  }
0x6: {  	_ = 	snop  }
0x7: {  	_ = 	snop  }
__scs_overlays_trampoline_lowered:
0x8: {  	[smem:$0x3FAC] =	sst s0  }
0x9: {  	[smem:$0x3FAD] =	sst s1  }
0xa: {  	[smem:$0x3FAE] =	sst s2  }
0xb: {  	[smem:$0x3FAF] =	sst s3  }
0xc: {  	[smem:$0x3FB0] =	sst s4  }
0xd: {  	[smem:$0x3FB1] =	sst s5  }
0xe: {  	[smem:$0x3FB2] =	sst s6  }
0xf: {  	[smem:$0x3FB3] =	sst s7  }
0x10: {  	[smem:$0x3FB4] =	sst s8  }
0x11: {  	[smem:$0x3FB5] =	sst s9;
	s0 =	simm.s32 @!p0 $0x0  }
0x12: {  	s1 =	sld [smem:$0x3F9B];
	s0 =	simm.s32 @p0 $0x1  }
0x13: {  	[smem:$0x3FB6] =	sst s0;
	s0 =	simm.s32 @!p1 $0x0  }
0x14: {  	s2 =	sld [smem:$0x3F9A];
	s0 =	simm.s32 @p1 $0x1  }
0x15: {  	[smem:$0x3FB7] =	sst s0;
	s0 =	simm.s32 @!p2 $0x0  }
0x16: {  	s3 =	sld [smem:$0x3FDB];
	s0 =	simm.s32 @p2 $0x1  }
0x17: {  	s4 =	simm.s32 $0x1BF5;
	[smem:$0x3FB9] =	sst s0  }
0x18: {  	s0 =	sld [smem:$0x3F9C];
	_ =	swait.ge [sflag:s4], $0x0  }
0x19: {  	s7 =	sld [smem:$0x3F9D]  }
0x1a: {  	s8 =	sadd.s32 $0xFFFFE003, lr  }
0x1b: {  	s9 =	sadd.s32 $0xFFFFFEF7, lr;
	s5 =	simm.s32 $0xFFFFFFFF;
	p2 =	slt.u32 s8, $0xFFFFF086  }
0x1c: {  	p1 =	slt.u32 s9, $0xF7A;
	s5 =	simm.s32 @!p2 $0x0  }
0x1d: {  	s5 =	simm.s32 @p1 $0x1;
	p0 =	seq.s32 s7, s2  }
0x1e: {  	s7 =	smul.u32 @!p0 $0xF7A, s2;
	p2 =	seq.s32 @!p0 s5, $0x0  }
0x1f: {  	s9 =	smul.u32 $0xF7A, s1;
	s8 =	simm.s32 @!p0 $0x1BF5;
	p2 =	por !p2, p0  }
0x20: {  	[sflag:s8] =	ssyncset.s32 @!p0 $0xFFFFF086;
	s6 =	sadd.s32 @!p0 s3, s7;
	s7 =	simm.s32 @!p0 $0x108  }
0x21: {  	s3 =	sadd.s32 s3, s9;
	s6 =	sadd.s32 @!p0 $0x88, s6;
	s7 =	simm.s32 @p2 $0x1082  }
0x22: {  	[simem:s7], [sflag:s8] =	dma.local @!p0 [hbm:s6], $0xF7A  }
0x23: {  	s9 =	sor.u32 $0xD0000000, s2;
	s6 =	simm.s32 $0x108;
	_ =	swait.ge @!p0 [sflag:s8], $0x0  }
0x24: {  	s3 =	sadd.s32 $0x88, s3;
	s6 =	simm.s32 @!p1 $0x1082;
	[sflag:s4] =	ssyncset.s32 $0xFFFFF086  }
0x25: {  	[simem:s6], [sflag:s4] =	dma.local [hbm:s3], $0xF7A  }
0x26: {  	[smem:$0x3F9D] =	sst s1;
	(tag) =	ssettag s2;
	_ =	strace s9  }
0x27: {  	s1 =	sld [smem:$0x3FAD]  }
0x28: {  	s2 =	sld [smem:$0x3FAE]  }
0x29: {  	s4 =	sld [smem:$0x3FB0]  }
0x2a: {  	p0 =	seq.s32 s5, $0x0;
	s5 =	sld [smem:$0x3FB1]  }
0x2b: {  	s6 =	sld [smem:$0x3FB2]  }
0x2c: {  	s7 =	sld [smem:$0x3FB3]  }
0x2d: {  	s3 =	simm.s32 $0x108;
	s8 =	sld [smem:$0x3FB4]  }
0x2e: {  	s3 =	simm.s32 @!p0 $0x1082;
	s9 =	sld [smem:$0x3FB5]  }
0x2f: {  	lr =	sadd.s32 s0, s3;
	s0 =	sld [smem:$0x3FAC]  }
0x30: {  	s3 =	sld [smem:$0x3FAF]  }
0x31: {  	[smem:$0x3FB8] =	sst s10  }
0x32: {  	s10 =	sld [smem:$0x3FB6];
	_ =	sdelay $0x3  }
0x33: {  	p0 =	seq.s32 s10, $0x1;
	s10 =	sld [smem:$0x3FB8];
	_ =	sdelay $0x3  }
0x34: {  	[smem:$0x3FB8] =	sst s10  }
0x35: {  	s10 =	sld [smem:$0x3FB7];
	_ =	sdelay $0x3  }
0x36: {  	p1 =	seq.s32 s10, $0x1;
	s10 =	sld [smem:$0x3FB8];
	_ =	sdelay $0x3  }
0x37: {  	[smem:$0x3FB8] =	sst s10  }
0x38: {  	s10 =	sld [smem:$0x3FB9]  }
0x39: {  	_ = 	snop;
	(pc) =	sbr.ind lr, $3  }
0x3a: {  	_ = 	snop  }
0x3b: {  	_ = 	snop  }
0x3c: {  	p2 =	seq.s32 s10, $0x1;
	s10 =	sld [smem:$0x3FB8]  }
0x3d: {  	_ =	shalt  }
0x3e: {  	_ =	shalt  }
0x3f: {  	_ =	shalt  }
0x40: {  	_ =	shalt  }
0x41: {  	_ =	shalt  }
0x42: {  	_ =	shalt  }
0x43: {  	_ =	shalt  }
0x44: {  	_ =	shalt  }
0x45: {  	_ =	shalt  }
0x46: {  	_ =	shalt  }
0x47: {  	_ =	shalt  }
0x48: {  	_ =	shalt  }
0x49: {  	_ =	shalt  }
0x4a: {  	_ =	shalt  }
0x4b: {  	_ =	shalt  }
0x4c: {  	_ =	shalt  }
0x4d: {  	_ =	shalt  }
0x4e: {  	_ =	shalt  }
0x4f: {  	_ =	shalt  }
0x50: {  	_ =	shalt  }
0x51: {  	_ =	shalt  }
0x52: {  	_ =	shalt  }
0x53: {  	_ =	shalt  }
0x54: {  	_ =	shalt  }
0x55: {  	_ =	shalt  }
0x56: {  	_ =	shalt  }
0x57: {  	_ =	shalt  }
0x58: {  	_ =	shalt  }
0x59: {  	_ =	shalt  }
0x5a: {  	_ =	shalt  }
0x5b: {  	_ =	shalt  }
0x5c: {  	_ =	shalt  }
0x5d: {  	_ =	shalt  }
0x5e: {  	_ =	shalt  }
0x5f: {  	_ =	shalt  }
0x60: {  	_ =	shalt  }
0x61: {  	_ =	shalt  }
0x62: {  	_ =	shalt  }
0x63: {  	_ =	shalt  }
0x64: {  	_ =	shalt  }
0x65: {  	_ =	shalt  }
0x66: {  	_ =	shalt  }
0x67: {  	_ =	shalt  }
0x68: {  	_ =	shalt  }
0x69: {  	_ =	shalt  }
0x6a: {  	_ =	shalt  }
0x6b: {  	_ =	shalt  }
0x6c: {  	_ =	shalt  }
0x6d: {  	_ =	shalt  }
0x6e: {  	_ =	shalt  }
0x6f: {  	_ =	shalt  }
0x70: {  	_ =	shalt  }
0x71: {  	_ =	shalt  }
0x72: {  	_ =	shalt  }
0x73: {  	_ =	shalt  }
0x74: {  	_ =	shalt  }
0x75: {  	_ =	shalt  }
0x76: {  	_ =	shalt  }
0x77: {  	_ =	shalt  }
0x78: {  	_ =	shalt  }
0x79: {  	_ =	shalt  }
0x7a: {  	_ =	shalt  }
0x7b: {  	_ =	shalt  }
0x7c: {  	_ =	shalt  }
0x7d: {  	_ =	shalt  }
0x7e: {  	_ =	shalt  }
0x7f: {  	_ =	shalt  }
0x80: {  	_ =	shalt  }
0x81: {  	_ =	shalt  }
0x82: {  	_ =	shalt  }
0x83: {  	_ =	shalt  }
0x84: {  	_ =	shalt  }
0x85: {  	_ =	shalt  }
0x86: {  	_ =	shalt  }
0x87: {  	_ =	shalt  }
.Lfunc_end0:
.L_simem_size_0:
called_computation_lowered:
.L_overlay_start_0:
0x88: {  	s2 =	sld [smem:$0x3FD9]  }
0x89: {  	s3 =	sld [smem:$0x3FFE];
	_ =	sdelay $0x1  }
0x8a: {  	s1 =	srdreg.scid  }
0x8b: {  	s0 =	sand.u32 $0x1, s1  }
0x8c: {  	s17 =	sshll.u32 s0, $0xA;
	s2 =	sadd.s32 s3, s2  }
0x8d: {  	s2 =	sadd.s32 s2, s17  }
0x8e: {  	[smem:$0x3FC4] =	sst s2  }
0x8f: {  	_ = 	snop  }
0x90: {  	s2 =	sld [smem:$0x3FD0];
	(tm) =	ssettm $0x1  }
0x91: {  	s18 =	sld [smem:$0x3FFB];
	_ =	sdelay $0x3  }
0x92: {  	_ =	strace s18  }
0x93: {  	s3 =	sld [smem:$0x3FFC];
	_ =	sdelay $0x3  }
0x94: {  	_ =	strace s3  }
0x95: {  	s3 =	sld [smem:$0x3FFD];
	_ =	sdelay $0x3  }
0x96: {  	_ =	strace s3  }
0x97: {  	_ =	strace $0x8FFFFFFF  }
0x98: {  	s19 =	sld [smem:$0x3FDB];
	_ =	sdelay $0x1  }
0x99: {  	s4 =	simm.s32 $_scs_section_size  }
0x9a: {  	s5 =	simm.s32 $_size__tile_overlayer_lowered;
	s6 =	simm.s32 $_tile_overlayer_lowered  }
0x9b: {  	s22 =	simm.s32 $0x1BFF;
	s21 =	sshll.u32 s6, $0x1;
	s3 =	sadd.s32 s4, s19  }
0x9c: {  	s7 =	simm.s32 $0x0;
	s20 =	sshll.u32 s5, $0x1;
	s5 =	sadd.s32 s21, s3  }
0x9d: {  	[timem:s7], [sflag:s22] =	dma.local [hbm:s5], s20  }
0x9e: {  	_ =	swait.ge [sflag:s22], s20  }
0x9f: {  	s4 =	ssub.s32 $0x0, s20;
	[sflag:s22] =	ssyncset.done $0x0  }
0xa0: {  	[sflag:s22] =	ssyncadd.s32 s4;
	_ =	sdelay $0x1  }
0xa1: {  	s23 =	simm.s32 $0x1B8B  }
0xa2: {  	_ =	swait.ge [sflag:s23], $0x1  }
0xa3: {  	[sflag:s23] =	ssyncset.done $0x0  }
0xa4: {  	s25 =	simm.s32 $0x1B8E;
	s24 =	sld [smem:$0x3FFE];
	[sflag:s23] =	ssyncadd.s32 $0xFFFFFFFF  }
0xa5: {  	s26 =	simm.s32 $execute0_lowered;
	[smem:$0x3FD2] =	sst s25  }
0xa6: {  	s5 =	sshll.u32 s26, $0x1;
	_ =	strace $0x80000046;
	[dreg:$0x1] =	wrdreg $0xFFFFFFFF  }
0xa7: {  	s28 =	simm.s32 $_size_execute0_lowered;
	s3 =	sadd.s32 s3, s5;
	[dreg:$0x0] =	wrdreg $0x0  }
0xa8: {  	s5 =	sshll.u32 s28, $0x1;
	[dreg:$0x2] =	wrdreg s3  }
0xa9: {  	[dreg:$0x3] =	wrdreg s5  }
0xaa: {  	[dreg:$0x4] =	wrdreg $0xC0  }
0xab: {  	_ =	task [dreg:s7], $0x5FFFF  }
0xac: {  	[dreg:$0x1] =	wrdreg $0xFFFFFFFF  }
0xad: {  	[dreg:$0x0] =	wrdreg $0x60  }
0xae: {  	[dreg:$0x2] =	wrdreg s2  }
0xaf: {  	[dreg:$0x3] =	wrdreg s24  }
0xb0: {  	[dreg:$0x4] =	wrdreg $0x2B000  }
0xb1: {  	[dreg:$0x5] =	wrdreg $0x9  }
0xb2: {  	_ =	task.clear_ibuf [dreg:s7], $0x6FFFF;
	_ =	strace $0x90000046  }
0xb3: {  	s29 =	simm.s32 $0x9;
	_ =	strace $0x80000048  }
0xb4: {  	_ =	swait.ge [sflag:s29], $0x1  }
0xb5: {  	[sflag:s29] =	ssyncadd.s32 $0xFFFFFFFF  }
0xb6: {  	_ =	strace $0x90000048  }
0xb7: {  	_ =	sfence  }
0xb8: {  	s30 =	sld [smem:$0x0];
	_ =	sdelay $0x2  }
0xb9: {  	s31 =	sshll.u32 s1, $0xD;
	s1 =	sshrl.u32 s1, $0x2  }
0xba: {  	s3 =	sand.u32 $0x4000, s31;
	s1 =	sadd.s32 s1, s30  }
0xbb: {  	s0 =	sor.u32 s3, s0;
	s1 =	sshll.u32 s1, $0x11  }
0xbc: {  	s0 =	sor.u32 s1, s0  }
0xbd: {  	s0 =	sadd.s32 $0x8F2B, s0  }
0xbe: {  	[sflag:s0] =	ssyncadd.remote.s32 $0x1  }
0xbf: {  	_ =	sfence.sel $0xFFFF  }
0xc0: {  	[dreg:$0x0] =	wrdreg $0xFFFFFFFF;
	(pc) =	sbr.abs _section_cstart, $3  }
0xc1: {  	[dreg:$0x1] =	wrdreg $0xFFFFFFFF  }
0xc2: {  	_ =	task.clear_ibuf [dreg:s7], $0x2FFFF;
	_ =	strace $0x9FFFFFFF  }
0xc3: {  	(tm) =	ssettm $0x7FFFFFFF  }
tec
execute0_lowered:
.L_overlay_start_1:
0x0: {  	(tag) =	ssettag $0x1  }
0x1: {  	s5 =	rddreg [dreg:$0x0]  }
0x2: {  	s4 =	rddreg [dreg:$0x1]  }
0x3: {  	s1 =	rddreg [dreg:$0x2]  }
0x4: {  	s0 =	rddreg [dreg:$0x3];
	s3 =	simm.s32 $0x0;
	s2 =	srdreg.scid  }
0x5: {  	s14 =	simm.s32 $0x20;
	s6 =	sand.u32 $0x1, s2;
	s2 =	stileid.u32  }
0x6: {  	s15 =	simm.s32 $0x10;
	[smem:$0x7FF] =	sst s3;
	s8 =	smul.u32 $0xA00, s2  }
0x7: {  	s7 =	ssub.s32 $0x2, s6;
	s9 =	sshll.u32 s6, $0x4;
	s6 =	smul.u32 $0x5000, s6  }
0x8: {  	s16 =	simm.s32 $0x0;
	_ =	strace $0x80000047;
	s31 =	smul.u32 $0x500, s2  }
0x9: {  	s12 =	smul.u32 $0xA0, s2;
	s13 =	sshll.u32 s2, $0x6;
	s10 =	sshrl.u32 s7, $0x1  }
0xa: {  	s9 =	sadd.s32 s9, s4;
	s7 =	ssub.s32 s7, s10;
	s29 =	sshrl.u32 s8, $0x2  }
0xb: {  	s30 =	sadd.s32 s5, s6;
	s11 =	sadd.s32 $0xB200, s9;
	s6 =	simm.s32 $0x2880  }
0xc: {  	s9 =	simm.s32 $0x80;
	s10 =	simm.s32 $0x2800;
	s4 =	sadd.s32 s29, s1  }
0xd: {  	s5 =	smax.u32 s7, $0x1;
	s7 =	simm.s32 $0x1;
	s8 =	sadd.s32 s31, s30  }
0xe: {  	v0 =	vimm.f32 $1.000000000e+00;
	v1 =	vimm.f32 $0.0e+00;
	s11 =	sadd.s32 s12, s11;
	s12 =	sor.u32 $0x1C01, s13;
	s13 =	sshrl.u32 s4, $0x3  }
.LBB2_1:
0xf: {  	[tilespmem:$0x2800] =	vst v0  }
0x10: {  	[tilespmem:$0x2810] =	vst v0  }
0x11: {  	[tilespmem:$0x2820] =	vst v0  }
0x12: {  	[tilespmem:$0x2830] =	vst v0  }
0x13: {  	[tilespmem:$0x2840] =	vst v0  }
0x14: {  	[tilespmem:$0x2850] =	vst v0  }
0x15: {  	[tilespmem:$0x2860] =	vst v0  }
0x16: {  	[tilespmem:$0x2870] =	vst v0  }
0x17: {  	[tilespmem:$0x2880] =	vst v1  }
0x18: {  	[tilespmem:$0x2890] =	vst v1  }
0x19: {  	[tilespmem:$0x28A0] =	vst v1  }
0x1a: {  	[tilespmem:$0x28B0] =	vst v1  }
0x1b: {  	[tilespmem:$0x28C0] =	vst v1  }
0x1c: {  	[tilespmem:$0x28D0] =	vst v1  }
0x1d: {  	[tilespmem:$0x28E0] =	vst v1  }
0x1e: {  	[tilespmem:$0x28F0] =	vst v1  }
0x1f: {  	[tilespmem:$0x2900] =	vst v1  }
0x20: {  	[tilespmem:$0x2910] =	vst v1  }
0x21: {  	[tilespmem:$0x2920] =	vst v1  }
0x22: {  	[tilespmem:$0x2930] =	vst v1  }
0x23: {  	[tilespmem:$0x2940] =	vst v1  }
0x24: {  	[tilespmem:$0x2950] =	vst v1  }
0x25: {  	[tilespmem:$0x2960] =	vst v1  }
0x26: {  	[tilespmem:$0x2970] =	vst v1  }
0x27: {  	[tilespmem:$0x2980] =	vst v1  }
0x28: {  	[tilespmem:$0x2990] =	vst v1  }
0x29: {  	[tilespmem:$0x29A0] =	vst v1  }
0x2a: {  	[tilespmem:$0x29B0] =	vst v1  }
0x2b: {  	[tilespmem:$0x29C0] =	vst v1  }
0x2c: {  	[tilespmem:$0x29D0] =	vst v1  }
0x2d: {  	[tilespmem:$0x29E0] =	vst v1  }
0x2e: {  	[tilespmem:$0x29F0] =	vst v1  }
0x2f: {  	[tilespmem:$0x2A00] =	vst v1  }
0x30: {  	[tilespmem:$0x2A10] =	vst v1  }
0x31: {  	[tilespmem:$0x2A20] =	vst v1  }
0x32: {  	[tilespmem:$0x2A30] =	vst v1  }
0x33: {  	[tilespmem:$0x2A40] =	vst v1  }
0x34: {  	[tilespmem:$0x2A50] =	vst v1  }
0x35: {  	[tilespmem:$0x2A60] =	vst v1  }
0x36: {  	[tilespmem:$0x2A70] =	vst v1  }
0x37: {  	[tilespmem:$0x2A80] =	vst v1  }
0x38: {  	[tilespmem:$0x2A90] =	vst v1  }
0x39: {  	[tilespmem:$0x2AA0] =	vst v1  }
0x3a: {  	[tilespmem:$0x2AB0] =	vst v1  }
0x3b: {  	[tilespmem:$0x2AC0] =	vst v1  }
0x3c: {  	[tilespmem:$0x2AD0] =	vst v1  }
0x3d: {  	[tilespmem:$0x2AE0] =	vst v1  }
0x3e: {  	[tilespmem:$0x2AF0] =	vst v1  }
0x3f: {  	[spmem:s4] =	stream.linear.scatter [tilespmem:s6], [sflag:$0x1], $0x280, $0x38;
	[tilespmem:$0x2D80] =	vst v63  }
0x40: {  	_ =	swait.ge [sflag:s7], $0x280  }
0x41: {  	[sflag:s7] =	ssyncset.done $0x0  }
0x42: {  	[sflag:s7] =	ssyncadd.s32 $0xFFFFFD80  }
0x43: {  	[bflag:$0x0] =	sbarrier.arrive $0xFFFF  }
0x44: {  	[tilespmem:s3], [sflag:$0x1] =	stream.linear.gather [hbm4b:s8+s3], $0x2800, $0x38;
	[tilespmem:$0x2D80] =	vst v63  }
0x45: {  	_ =	swait.ge [sflag:s7], $0x2800  }
0x46: {  	[sflag:s7] =	ssyncset.done $0x0  }
0x47: {  	s17 =	simm.s32 $0x0;
	[sflag:s7] =	ssyncadd.s32 $0xFFFFD800  }
0x48: {  	[spmem:s1] =	stream.indirect.scatter.add.f32 [tilespmem:s10], [sflag:$0x1], $0x1, s17, s9, $0xb8;
	[tilespmem:$0x2D80] =	vst v63  }
0x49: {  	_ =	swait.ge [sflag:s7], $0x80  }
0x4a: {  	s17 =	simm.s32 $0x200;
	[sflag:s7] =	ssyncset.done $0x0  }
.LBB2_2:
0x4b: {  	s18 =	sshra.s32 s17, $0x2;
	[sflag:s7] =	ssyncadd.s32 $0xFFFFFF80;
	p0 =	sne.s32 s17, $0x9E00  }
0x4c: {  	[spmem:s1] =	stream.indirect.scatter.add.f32 [tilespmem:s10], [sflag:$0x1], $0x1, s18, s9, $0xb8;
	[tilespmem:$0x2D80] =	vst v63  }
.Ltmp0:
0x4d: {  	_ = 	snop;
	(pc) =	sbr.rel @p0 .LBB2_2-.Ltmp0, $4  }
0x4e: {  	_ = 	snop  }
0x4f: {  	s17 =	sadd.s32 $0x200, s17  }
0x50: {  	_ =	swait.ge [sflag:s7], $0x80  }
0x51: {  	[sflag:s7] =	ssyncset.done $0x0  }
0x52: {  	s16 =	sadd.s32 $0x1, s16  }
0x53: {  	[sflag:s7] =	ssyncadd.s32 $0xFFFFFF80;
	p0 =	sne.s32 s16, s5  }
.Ltmp1:
0x54: {  	[bflag:$0x0] =	sbarrier.arrive $0xFFFF;
	(pc) =	sbr.rel @p0 .LBB2_1-.Ltmp1, $4  }
0x55: {  	[hbm:s11@s14], [sflag:s12] =	dma.strided [spmem:s13@s15], $0x50, s7, $0x10   }
0x56: {  	_ =	swait.ge [sflag:s7], $0x50  }
0x57: {  	[sflag:s7] =	ssyncset.done $0x0  }
0x58: {  	[sflag:s7] =	ssyncadd.s32 $0xFFFFFFB0  }
0x59: {  	_ =	sfence.sel $0x180000  }
0x5a: {  	[bflag:$0x0] =	sbarrier.arrive $0xFFFF  }
0x5b: {  	p0 =	sne.s32 s2, $0x0;
	_ =	strace $0x90000047  }
0x5c: {  	s0 =	sadd.s32 @!p0 $0x100000, s0;
	[bflag:$0x2] =	sbarrier.arrive $0xFFFF  }
0x5d: {  	[sflag:s0] =	ssyncadd.tile.s32 @!p0 $0x1;
	_ =	shalt  }
.Lfunc_end2:
_tile_overlayer_lowered:
.L_overlay_start_2:
0x5e: {  	(tag) =	ssettag $0x2  }
0x5f: {  	s0 =	rddreg [dreg:$0x0];
	s2 =	stileid.u32  }
0x60: {  	s1 =	rddreg [dreg:$0x1];
	p0 =	sne.s32 s2, $0x0  }
0x61: {  	s3 =	rddreg [dreg:$0x2];
	[bflag:$0x3] =	sbarrier.arrive $0xFFFF;
	s2 =	simm.s32 @!p0 $0x1C01  }
0x62: {  	[timem:s3], [sflag:s2] =	dma.local @!p0 [hbm:s0], s1  }
0x63: {  	s0 =	simm.s32 @!p0 $0x1  }
0x64: {  	_ =	swait.ge @!p0 [sflag:s0], s1  }
0x65: {  	s1 =	ssub.s32 @!p0 $0x0, s1;
	[sflag:s0] =	ssyncset.done @!p0 $0x0  }
0x66: {  	[sflag:s0] =	ssyncadd.s32 @!p0 s1  }
0x67: {  	[bflag:$0x3] =	sbarrier.arrive $0xFFFF  }
0x68: {  	_ =	shalt  }

</sc_bundles>
